<compile_context>
chip_gen: v7x
topology: tpu7x:2x2x1
jax: 0.10.2.dev20260603
libtpu: 0.0.44.dev20260713+nightly
codegen_flags: <defaults>
</compile_context>

<pallas_src>
import functools

import jax
import jax.numpy as jnp
from jax import lax
from jax.experimental import pallas as pl
from jax.experimental.pallas import tpu as pltpu

_N = 20000
_NPAD = 20480
_NBLK = 10240
_C = 21
_CPAD = 24
_B = 8
_PRE = 600
_PREPAD = 640
_INST = _B * _C
_LANES = 256
_MAXT = 200
_SCORE_TH = 0.5
_IOU_TH = 0.5


def _decode_body(deltas_ref, priors_ref, probs_ref, boxes_ref, scores_ref):
    d = deltas_ref[0]
    p = priors_ref[...]
    pw = p[3:4] - p[1:2]
    ph = p[2:3] - p[0:1]
    pcx = p[1:2] + 0.5 * pw
    pcy = p[0:1] + 0.5 * ph
    bw = jnp.exp(d[3:4] * 0.2) * pw
    bh = jnp.exp(d[2:3] * 0.2) * ph
    bcx = (d[1:2] * 0.1) * pw + pcx
    bcy = (d[0:1] * 0.1) * ph + pcy
    y1 = bcy - 0.5 * bh
    x1 = bcx - 0.5 * bw
    y2 = bh + y1
    x2 = bw + x1
    boxes_ref[0] = jnp.clip(jnp.concatenate([y1, x1, y2, x2], axis=0), 0.0, 1.0)
    pr = probs_ref[0]
    mx = jnp.max(pr, axis=0, keepdims=True)
    nonbg = pr[0:1] < mx
    scores_ref[0] = jnp.where(nonbg, pr, 0.0)


def _decode(pred_deltas, pred_label_probs, prior_boxes):
    deltas_t = jnp.pad(jnp.swapaxes(pred_deltas, 1, 2), ((0, 0), (0, 0), (0, _NPAD - _N)))
    priors_t = jnp.pad(prior_boxes.T, ((0, 0), (0, _NPAD - _N)))
    probs_t = jnp.pad(
        jnp.swapaxes(pred_label_probs, 1, 2),
        ((0, 0), (0, _CPAD - _C), (0, _NPAD - _N)),
        constant_values=-1.0,
    )
    grid = (_B, _NPAD // _NBLK)
    boxes_t, scores_t = pl.pallas_call(
        _decode_body,
        grid=grid,
        in_specs=[
            pl.BlockSpec((1, 4, _NBLK), lambda b, n: (b, 0, n)),
            pl.BlockSpec((4, _NBLK), lambda b, n: (0, n)),
            pl.BlockSpec((1, _CPAD, _NBLK), lambda b, n: (b, 0, n)),
        ],
        out_specs=[
            pl.BlockSpec((1, 4, _NBLK), lambda b, n: (b, 0, n)),
            pl.BlockSpec((1, _CPAD, _NBLK), lambda b, n: (b, 0, n)),
        ],
        out_shape=[
            jax.ShapeDtypeStruct((_B, 4, _NPAD), jnp.float32),
            jax.ShapeDtypeStruct((_B, _CPAD, _NPAD), jnp.float32),
        ],
    )(deltas_t, priors_t, probs_t)
    return boxes_t, scores_t


def _nms_body(y1_ref, x1_ref, y2_ref, x2_ref, sc_ref, out_ref, area_ref, keep_ref):
    y1 = y1_ref[...]
    x1 = x1_ref[...]
    y2 = y2_ref[...]
    x2 = x2_ref[...]
    area_ref[...] = (y2 - y1) * (x2 - x1)
    keep_ref[...] = jnp.ones_like(y1)

    _BK = 64
    for b0 in range(0, _PRE, _BK):
        nsteps = min(_BK, _PRE - b0)
        suf = _PREPAD - b0
        sy1 = y1_ref[b0:, :]
        sx1 = x1_ref[b0:, :]
        sy2 = y2_ref[b0:, :]
        sx2 = x2_ref[b0:, :]
        sarea = area_ref[b0:, :]
        rows = lax.broadcasted_iota(jnp.int32, (suf, _LANES), 0) + b0

        def body(i, _, sy1=sy1, sx1=sx1, sy2=sy2, sx2=sx2, sarea=sarea, rows=rows, b0=b0, suf=suf):
            ry1 = y1_ref[pl.ds(i, 1), :]
            rx1 = x1_ref[pl.ds(i, 1), :]
            ry2 = y2_ref[pl.ds(i, 1), :]
            rx2 = x2_ref[pl.ds(i, 1), :]
            rsc = sc_ref[pl.ds(i, 1), :]
            rkeep = keep_ref[pl.ds(i, 1), :]
            rarea = area_ref[pl.ds(i, 1), :]
            can = (rkeep > 0.0) & (rsc > _SCORE_TH)
            ih = jnp.maximum(jnp.minimum(sy2, ry2) - jnp.maximum(sy1, ry1), 0.0)
            iw = jnp.maximum(jnp.minimum(sx2, rx2) - jnp.maximum(sx1, rx1), 0.0)
            inter = ih * iw
            union = sarea + rarea - inter
            iou = inter / jnp.maximum(union, 1e-8)
            sup = (iou > _IOU_TH) & (rows != i) & can
            keep_ref[b0:, :] = jnp.where(sup, 0.0, keep_ref[b0:, :])
            return 0

        lax.fori_loop(b0, b0 + nsteps, body, 0)
    sc = sc_ref[...]
    out_ref[...] = jnp.where((keep_ref[...] > 0.0) & (sc > _SCORE_TH), sc, -1.0)


def _nms(y1l, x1l, y2l, x2l, scl):
    return pl.pallas_call(
        _nms_body,
        out_shape=jax.ShapeDtypeStruct((_PREPAD, _LANES), jnp.float32),
        scratch_shapes=[
            pltpu.VMEM((_PREPAD, _LANES), jnp.float32),
            pltpu.VMEM((_PREPAD, _LANES), jnp.float32),
        ],
    )(y1l, x1l, y2l, x2l, scl)


def _to_lane(a, pad_val):
    a = a.reshape(_INST, _PRE).T
    return jnp.pad(a, ((0, _PREPAD - _PRE), (0, _LANES - _INST)), constant_values=pad_val)


def kernel(pred_deltas, pred_label_probs, prior_boxes):
    boxes_t, scores_t = _decode(pred_deltas, pred_label_probs, prior_boxes)
    scores21 = scores_t[:, :_C, :]
    ts, idx = lax.top_k(scores21, _PRE)
    bsel = jnp.take_along_axis(boxes_t[:, :, None, :], idx[:, None, :, :], axis=3)
    comps = [bsel[:, k] for k in range(4)]
    y1l, x1l, y2l, x2l = [_to_lane(c, 0.0) for c in comps]
    scl = _to_lane(ts, -1.0)
    kept = _nms(y1l, x1l, y2l, x2l, scl)
    kept600 = kept[:_PRE, :_INST].T.reshape(_B, _C, _PRE)
    sel_scores, sidx = lax.top_k(kept600, _MAXT)
    selc = [jnp.take_along_axis(c, sidx, axis=2) for c in comps]
    flat_scores = sel_scores.reshape(_B, _C * _MAXT)
    fs, fidx = lax.top_k(flat_scores, _MAXT)
    fcomp = [jnp.take_along_axis(c.reshape(_B, -1), fidx, axis=1) for c in selc]
    fcls = jnp.take_along_axis(
        jnp.broadcast_to(jnp.arange(_C, dtype=jnp.int32)[None, :, None], (_B, _C, _MAXT)).reshape(_B, -1),
        fidx,
        axis=1,
    )
    ok = fs > 0.0
    final_scores = jnp.where(ok, fs, 0.0)
    final_boxes = jnp.where(ok[..., None], jnp.stack(fcomp, axis=-1), 0.0)
    final_labels = jnp.where(ok, fcls, 0).astype(jnp.float32)
    return final_boxes, final_labels, final_scores

# --- scband reference (transcript-rebuilt; emitter-appended) ---
"""Pipeline reference for scband-ssddecoder-20624432956160 (READ-ONLY COPY).

The authoritative reference and input builder live on the scoring server;
editing this copy changes nothing except your own understanding.
"""

import jax, jax.numpy as jnp
import numpy as np
from jax import lax

VARIANCES = jnp.array([0.1, 0.1, 0.2, 0.2], dtype=jnp.float32)
MAX_TOTAL = 200
SCORE_TH = 0.5
IOU_TH = 0.5
PRE_NMS = 600  # pre-NMS candidate cap per class (greedy NMS on top-600 scored boxes)


def setup_inputs(seed: int = 0) -> dict:
    key = jax.random.key(seed)
    k1, k2, k3 = jax.random.split(key, 3)
    B, N, C = 8, 20000, 21
    pred_deltas = jax.random.normal(k1, (B, N, 4), dtype=jnp.float32)
    pred_label_probs = jax.random.uniform(k2, (B, N, C), dtype=jnp.float32)
    prior_boxes = jax.random.uniform(k3, (N, 4), dtype=jnp.float32)
    return {"pred_deltas": pred_deltas, "pred_label_probs": pred_label_probs, "prior_boxes": prior_boxes}


def _get_bboxes_from_deltas(prior_boxes, deltas):
    pw = prior_boxes[..., 3] - prior_boxes[..., 1]
    ph = prior_boxes[..., 2] - prior_boxes[..., 0]
    pcx = prior_boxes[..., 1] + 0.5 * pw
    pcy = prior_boxes[..., 0] + 0.5 * ph
    bw = jnp.exp(deltas[..., 3]) * pw
    bh = jnp.exp(deltas[..., 2]) * ph
    bcx = deltas[..., 1] * pw + pcx
    bcy = deltas[..., 0] * ph + pcy
    y1 = bcy - 0.5 * bh
    x1 = bcx - 0.5 * bw
    y2 = bh + y1
    x2 = bw + x1
    return jnp.stack([y1, x1, y2, x2], axis=-1)


def _pairwise_iou(b):
    y1, x1, y2, x2 = b[:, 0], b[:, 1], b[:, 2], b[:, 3]
    area = (y2 - y1) * (x2 - x1)
    iy1 = jnp.maximum(y1[:, None], y1[None, :])
    ix1 = jnp.maximum(x1[:, None], x1[None, :])
    iy2 = jnp.minimum(y2[:, None], y2[None, :])
    ix2 = jnp.minimum(x2[:, None], x2[None, :])
    ih = jnp.clip(iy2 - iy1, 0.0, None)
    iw = jnp.clip(ix2 - ix1, 0.0, None)
    inter = ih * iw
    union = area[:, None] + area[None, :] - inter
    return inter / jnp.maximum(union, 1e-8)


def _nms_one_class(scores, boxes):
    top_scores, idx = lax.top_k(scores, PRE_NMS)
    b = boxes[idx]
    valid = top_scores > SCORE_TH
    iou = _pairwise_iou(b)

    def body(keep, i):
        can = keep[i] & valid[i]
        sup = (iou[i] > IOU_TH) & can
        sup = sup.at[i].set(False)
        return keep & (~sup), None

    keep, _ = lax.scan(body, jnp.ones((PRE_NMS,), dtype=bool), jnp.arange(PRE_NMS))
    keep = keep & valid
    kept_scores = jnp.where(keep, top_scores, -1.0)
    sel_scores, sel_idx = lax.top_k(kept_scores, MAX_TOTAL)
    sel_boxes = b[sel_idx]
    return sel_scores, sel_boxes


def _per_batch(boxes_b, probs_b):
    scores_cn = jnp.swapaxes(probs_b, 0, 1)  # [C, N]
    sel_scores, sel_boxes = jax.vmap(_nms_one_class, in_axes=(0, None))(scores_cn, boxes_b)
    C = scores_cn.shape[0]
    class_ids = jnp.broadcast_to(jnp.arange(C)[:, None], sel_scores.shape)
    flat_scores = sel_scores.reshape(-1)
    flat_boxes = sel_boxes.reshape(-1, 4)
    flat_cls = class_ids.reshape(-1)
    fs, fidx = lax.top_k(flat_scores, MAX_TOTAL)
    fb = flat_boxes[fidx]
    fc = flat_cls[fidx]
    ok = fs > 0.0
    final_scores = jnp.where(ok, fs, 0.0)
    final_boxes = jnp.where(ok[:, None], fb, 0.0)
    final_labels = jnp.where(ok, fc, 0)
    return final_boxes, final_labels, final_scores


def reference(pred_deltas, pred_label_probs, prior_boxes):
    deltas = pred_deltas * VARIANCES
    bboxes = _get_bboxes_from_deltas(prior_boxes, deltas)
    bboxes = jnp.clip(bboxes, 0.0, 1.0)
    labels_map = jnp.argmax(pred_label_probs, axis=-1)[..., None]
    pred_labels = jnp.where(labels_map != 0, pred_label_probs, jnp.zeros_like(pred_label_probs))
    final_boxes, final_labels, final_scores = lax.map(lambda a: _per_batch(a[0], a[1]), (bboxes, pred_labels))
    return final_boxes, final_labels.astype(jnp.float32), final_scores

if __name__ == "__main__":
    import jax
    _d = setup_inputs()
    print(jax.jit(kernel)(*tuple(_d.values())))

</pallas_src>

<mosaic_0001>
module attributes {stable_mosaic.version = 14 : i64} {
  func.func @_decode_body(%arg0: i32, %arg1: i32, %arg2: memref<1x4x10240xf32, #tpu.memory_space<vmem>>, %arg3: memref<4x10240xf32, #tpu.memory_space<vmem>>, %arg4: memref<1x24x10240xf32, #tpu.memory_space<vmem>>, %arg5: memref<1x4x10240xf32, #tpu.memory_space<vmem>>, %arg6: memref<1x24x10240xf32, #tpu.memory_space<vmem>>) attributes {dimension_semantics = [#tpu.dimension_semantics<arbitrary>, #tpu.dimension_semantics<arbitrary>], iteration_bounds = array<i64: 8, 2>, scalar_prefetch = 0 : i64, scratch_operands = 0 : i64, tpu.core_type = #tpu.core_type<tc>, window_params = [{transform_indices = @transform_0, window_bounds = array<i64: 1, 4, 10240>}, {transform_indices = @transform_1, window_bounds = array<i64: 4, 10240>}, {transform_indices = @transform_2, window_bounds = array<i64: 1, 24, 10240>}, {transform_indices = @transform_3, window_bounds = array<i64: 1, 4, 10240>}, {transform_indices = @transform_4, window_bounds = array<i64: 1, 24, 10240>}]} {
    %get3A = arith.constant 0 : index
    %get3A_0 = arith.constant 0 : index
    %get3A_1 = arith.constant 0 : index
    %get3A_2 = vector.load %arg2[%get3A, %get3A_0, %get3A_1] : memref<1x4x10240xf32, #tpu.memory_space<vmem>>, vector<1x4x10240xf32>
    %get3A_3 = vector.shape_cast %get3A_2 : vector<1x4x10240xf32> to vector<4x10240xf32>
    %get3A_4 = arith.constant 0 : index
    %get3A_5 = arith.constant 0 : index
    %get3A_6 = vector.load %arg3[%get3A_4, %get3A_5] : memref<4x10240xf32, #tpu.memory_space<vmem>>, vector<4x10240xf32>
    %slice3A = vector.extract_strided_slice %get3A_6 {offsets = [3, 0], sizes = [1, 10240], strides = [1, 1]} : vector<4x10240xf32> to vector<1x10240xf32>
    %slice3A_7 = vector.extract_strided_slice %get3A_6 {offsets = [1, 0], sizes = [1, 10240], strides = [1, 1]} : vector<4x10240xf32> to vector<1x10240xf32>
    %sub3A = arith.subf %slice3A, %slice3A_7 : vector<1x10240xf32>
    %slice3A_8 = vector.extract_strided_slice %get3A_6 {offsets = [2, 0], sizes = [1, 10240], strides = [1, 1]} : vector<4x10240xf32> to vector<1x10240xf32>
    %slice3A_9 = vector.extract_strided_slice %get3A_6 {offsets = [0, 0], sizes = [1, 10240], strides = [1, 1]} : vector<4x10240xf32> to vector<1x10240xf32>
    %sub3A_10 = arith.subf %slice3A_8, %slice3A_9 : vector<1x10240xf32>
    %slice3A_11 = vector.extract_strided_slice %get3A_6 {offsets = [1, 0], sizes = [1, 10240], strides = [1, 1]} : vector<4x10240xf32> to vector<1x10240xf32>
    %mul3A = arith.constant 5.000000e-01 : f32
    %mul3A_12 = vector.broadcast %mul3A : f32 to vector<1x10240xf32>
    %mul3A_13 = arith.mulf %mul3A_12, %sub3A : vector<1x10240xf32>
    %add3A = arith.addf %slice3A_11, %mul3A_13 : vector<1x10240xf32>
    %slice3A_14 = vector.extract_strided_slice %get3A_6 {offsets = [0, 0], sizes = [1, 10240], strides = [1, 1]} : vector<4x10240xf32> to vector<1x10240xf32>
    %mul3A_15 = arith.constant 5.000000e-01 : f32
    %mul3A_16 = vector.broadcast %mul3A_15 : f32 to vector<1x10240xf32>
    %mul3A_17 = arith.mulf %mul3A_16, %sub3A_10 : vector<1x10240xf32>
    %add3A_18 = arith.addf %slice3A_14, %mul3A_17 : vector<1x10240xf32>
    %slice3A_19 = vector.extract_strided_slice %get3A_3 {offsets = [3, 0], sizes = [1, 10240], strides = [1, 1]} : vector<4x10240xf32> to vector<1x10240xf32>
    %mul3A_20 = arith.constant 2.000000e-01 : f32
    %mul3A_21 = vector.broadcast %mul3A_20 : f32 to vector<1x10240xf32>
    %mul3A_22 = arith.mulf %slice3A_19, %mul3A_21 : vector<1x10240xf32>
    %exp3A = math.exp %mul3A_22 : vector<1x10240xf32>
    %mul3A_23 = arith.mulf %exp3A, %sub3A : vector<1x10240xf32>
    %slice3A_24 = vector.extract_strided_slice %get3A_3 {offsets = [2, 0], sizes = [1, 10240], strides = [1, 1]} : vector<4x10240xf32> to vector<1x10240xf32>
    %mul3A_25 = arith.constant 2.000000e-01 : f32
    %mul3A_26 = vector.broadcast %mul3A_25 : f32 to vector<1x10240xf32>
    %mul3A_27 = arith.mulf %slice3A_24, %mul3A_26 : vector<1x10240xf32>
    %exp3A_28 = math.exp %mul3A_27 : vector<1x10240xf32>
    %mul3A_29 = arith.mulf %exp3A_28, %sub3A_10 : vector<1x10240xf32>
    %slice3A_30 = vector.extract_strided_slice %get3A_3 {offsets = [1, 0], sizes = [1, 10240], strides = [1, 1]} : vector<4x10240xf32> to vector<1x10240xf32>
    %mul3A_31 = arith.constant 1.000000e-01 : f32
    %mul3A_32 = vector.broadcast %mul3A_31 : f32 to vector<1x10240xf32>
    %mul3A_33 = arith.mulf %slice3A_30, %mul3A_32 : vector<1x10240xf32>
    %mul3A_34 = arith.mulf %mul3A_33, %sub3A : vector<1x10240xf32>
    %add3A_35 = arith.addf %mul3A_34, %add3A : vector<1x10240xf32>
    %slice3A_36 = vector.extract_strided_slice %get3A_3 {offsets = [0, 0], sizes = [1, 10240], strides = [1, 1]} : vector<4x10240xf32> to vector<1x10240xf32>
    %mul3A_37 = arith.constant 1.000000e-01 : f32
    %mul3A_38 = vector.broadcast %mul3A_37 : f32 to vector<1x10240xf32>
    %mul3A_39 = arith.mulf %slice3A_36, %mul3A_38 : vector<1x10240xf32>
    %mul3A_40 = arith.mulf %mul3A_39, %sub3A_10 : vector<1x10240xf32>
    %add3A_41 = arith.addf %mul3A_40, %add3A_18 : vector<1x10240xf32>
    %mul3A_42 = arith.constant 5.000000e-01 : f32
    %mul3A_43 = vector.broadcast %mul3A_42 : f32 to vector<1x10240xf32>
    %mul3A_44 = arith.mulf %mul3A_43, %mul3A_29 : vector<1x10240xf32>
    %sub3A_45 = arith.subf %add3A_41, %mul3A_44 : vector<1x10240xf32>
    %mul3A_46 = arith.constant 5.000000e-01 : f32
    %mul3A_47 = vector.broadcast %mul3A_46 : f32 to vector<1x10240xf32>
    %mul3A_48 = arith.mulf %mul3A_47, %mul3A_23 : vector<1x10240xf32>
    %sub3A_49 = arith.subf %add3A_35, %mul3A_48 : vector<1x10240xf32>
    %add3A_50 = arith.addf %mul3A_29, %sub3A_45 : vector<1x10240xf32>
    %add3A_51 = arith.addf %mul3A_23, %sub3A_49 : vector<1x10240xf32>
    %concatenate3A = tpu.concatenate %sub3A_45, %sub3A_49, %add3A_50, %add3A_51 in 0 : vector<1x10240xf32>, vector<1x10240xf32>, vector<1x10240xf32>, vector<1x10240xf32> -> vector<4x10240xf32>
    %jit3A = arith.constant 0.000000e+00 : f32
    %jit3A_52 = arith.constant 1.000000e+00 : f32
    %max3A = vector.broadcast %jit3A : f32 to vector<4x10240xf32>
    %max3A_53 = arith.maximumf %max3A, %concatenate3A : vector<4x10240xf32>
    %min3A = vector.broadcast %jit3A_52 : f32 to vector<4x10240xf32>
    %min3A_54 = arith.minimumf %min3A, %max3A_53 : vector<4x10240xf32>
    %swap3A = arith.constant 0 : index
    %swap3A_55 = arith.constant 0 : index
    %swap3A_56 = arith.constant 0 : index
    %swap3A_57 = vector.load %arg5[%swap3A, %swap3A_55, %swap3A_56] : memref<1x4x10240xf32, #tpu.memory_space<vmem>>, vector<1x4x10240xf32>
    %swap3A_58 = vector.shape_cast %swap3A_57 : vector<1x4x10240xf32> to vector<4x10240xf32>
    %swap3A_59 = vector.shape_cast %min3A_54 : vector<4x10240xf32> to vector<1x4x10240xf32>
    tpu.vector_store %arg5[%swap3A, %swap3A_55, %swap3A_56], %swap3A_59 {strides = array<i32>} : memref<1x4x10240xf32, #tpu.memory_space<vmem>>, vector<1x4x10240xf32>,
    %get3A_60 = arith.constant 0 : index
    %get3A_61 = arith.constant 0 : index
    %get3A_62 = arith.constant 0 : index
    %get3A_63 = vector.load %arg4[%get3A_60, %get3A_61, %get3A_62] : memref<1x24x10240xf32, #tpu.memory_space<vmem>>, vector<1x24x10240xf32>
    %get3A_64 = vector.shape_cast %get3A_63 : vector<1x24x10240xf32> to vector<24x10240xf32>
    %reduce_max3A = arith.constant dense<0xFF800000> : vector<10240xf32>
    %reduce_max3A_65 = vector.multi_reduction <maximumf>, %get3A_64, %reduce_max3A [0] : vector<24x10240xf32> to vector<10240xf32>
    %broadcast_in_dim3A = vector.shape_cast %reduce_max3A_65 : vector<10240xf32> to vector<1x10240xf32>
    %slice3A_66 = vector.extract_strided_slice %get3A_64 {offsets = [0, 0], sizes = [1, 10240], strides = [1, 1]} : vector<24x10240xf32> to vector<1x10240xf32>
    %lt3A = arith.cmpf olt, %slice3A_66, %broadcast_in_dim3A : vector<1x10240xf32>
    %jit3A_67 = arith.constant 0.000000e+00 : f32
    %broadcast_in_dim3A_68 = vector.shape_cast %lt3A : vector<1x10240xi1> to vector<1x10240xi1>
    %broadcast_in_dim3A_69 = vector.broadcast %broadcast_in_dim3A_68 : vector<1x10240xi1> to vector<24x10240xi1>
    %broadcast_in_dim3A_70 = vector.broadcast %jit3A_67 : f32 to vector<24x10240xf32>
    %select_n3A = arith.select %broadcast_in_dim3A_69, %get3A_64, %broadcast_in_dim3A_70 : vector<24x10240xi1>, vector<24x10240xf32>
    %swap3A_71 = arith.constant 0 : index
    %swap3A_72 = arith.constant 0 : index
    %swap3A_73 = arith.constant 0 : index
    %swap3A_74 = vector.load %arg6[%swap3A_71, %swap3A_72, %swap3A_73] : memref<1x24x10240xf32, #tpu.memory_space<vmem>>, vector<1x24x10240xf32>
    %swap3A_75 = vector.shape_cast %swap3A_74 : vector<1x24x10240xf32> to vector<24x10240xf32>
    %swap3A_76 = vector.shape_cast %select_n3A : vector<24x10240xf32> to vector<1x24x10240xf32>
    tpu.vector_store %arg6[%swap3A_71, %swap3A_72, %swap3A_73], %swap3A_76 {strides = array<i32>} : memref<1x24x10240xf32, #tpu.memory_space<vmem>>, vector<1x24x10240xf32>,
    return
  }
  func.func @transform_0(%arg0: i32, %arg1: i32) -> (i32, i32, i32) {
    %c0_i32 = arith.constant 0 : i32
    %c0_i32_0 = arith.constant 0 : i32
    return %arg0, %c0_i32, %arg1 : i32, i32, i32
  }
  func.func @transform_1(%arg0: i32, %arg1: i32) -> (i32, i32) {
    %c0_i32 = arith.constant 0 : i32
    %c0_i32_0 = arith.constant 0 : i32
    return %c0_i32, %arg1 : i32, i32
  }
  func.func @transform_2(%arg0: i32, %arg1: i32) -> (i32, i32, i32) {
    %c0_i32 = arith.constant 0 : i32
    %c0_i32_0 = arith.constant 0 : i32
    return %arg0, %c0_i32, %arg1 : i32, i32, i32
  }
  func.func @transform_3(%arg0: i32, %arg1: i32) -> (i32, i32, i32) {
    %c0_i32 = arith.constant 0 : i32
    %c0_i32_0 = arith.constant 0 : i32
    return %arg0, %c0_i32, %arg1 : i32, i32, i32
  }
  func.func @transform_4(%arg0: i32, %arg1: i32) -> (i32, i32, i32) {
    %c0_i32 = arith.constant 0 : i32
    %c0_i32_0 = arith.constant 0 : i32
    return %arg0, %c0_i32, %arg1 : i32, i32, i32
  }
}

module attributes {stable_mosaic.version = 14 : i64} {
  func.func @_nms_body(%arg0: memref<640x256xf32, #tpu.memory_space<vmem>>, %arg1: memref<640x256xf32, #tpu.memory_space<vmem>>, %arg2: memref<640x256xf32, #tpu.memory_space<vmem>>, %arg3: memref<640x256xf32, #tpu.memory_space<vmem>>, %arg4: memref<640x256xf32, #tpu.memory_space<vmem>>, %arg5: memref<640x256xf32, #tpu.memory_space<vmem>>, %arg6: memref<640x256xf32, #tpu.memory_space<vmem>>, %arg7: memref<640x256xf32, #tpu.memory_space<vmem>>) attributes {dimension_semantics = [], scalar_prefetch = 0 : i64, scratch_operands = 2 : i64, tpu.core_type = #tpu.core_type<tc>} {
    %get3A = arith.constant 0 : index
    %get3A_0 = arith.constant 0 : index
    %get3A_1 = vector.load %arg0[%get3A, %get3A_0] : memref<640x256xf32, #tpu.memory_space<vmem>>, vector<640x256xf32>
    %get3A_2 = arith.constant 0 : index
    %get3A_3 = arith.constant 0 : index
    %get3A_4 = vector.load %arg1[%get3A_2, %get3A_3] : memref<640x256xf32, #tpu.memory_space<vmem>>, vector<640x256xf32>
    %get3A_5 = arith.constant 0 : index
    %get3A_6 = arith.constant 0 : index
    %get3A_7 = vector.load %arg2[%get3A_5, %get3A_6] : memref<640x256xf32, #tpu.memory_space<vmem>>, vector<640x256xf32>
    %get3A_8 = arith.constant 0 : index
    %get3A_9 = arith.constant 0 : index
    %get3A_10 = vector.load %arg3[%get3A_8, %get3A_9] : memref<640x256xf32, #tpu.memory_space<vmem>>, vector<640x256xf32>
    %sub3A = arith.subf %get3A_7, %get3A_1 : vector<640x256xf32>
    %sub3A_11 = arith.subf %get3A_10, %get3A_4 : vector<640x256xf32>
    %mul3A = arith.mulf %sub3A, %sub3A_11 : vector<640x256xf32>
    %swap3A = arith.constant 0 : index
    %swap3A_12 = arith.constant 0 : index
    %swap3A_13 = vector.load %arg6[%swap3A, %swap3A_12] : memref<640x256xf32, #tpu.memory_space<vmem>>, vector<640x256xf32>
    tpu.vector_store %arg6[%swap3A, %swap3A_12], %mul3A {strides = array<i32>} : memref<640x256xf32, #tpu.memory_space<vmem>>, vector<640x256xf32>,
    %broadcast_in_dim3A = arith.constant 1.000000e+00 : f32
    %broadcast_in_dim3A_14 = vector.broadcast %broadcast_in_dim3A : f32 to vector<640x256xf32>
    %swap3A_15 = arith.constant 0 : index
    %swap3A_16 = arith.constant 0 : index
    %swap3A_17 = vector.load %arg7[%swap3A_15, %swap3A_16] : memref<640x256xf32, #tpu.memory_space<vmem>>, vector<640x256xf32>
    tpu.vector_store %arg7[%swap3A_15, %swap3A_16], %broadcast_in_dim3A_14 {strides = array<i32>} : memref<640x256xf32, #tpu.memory_space<vmem>>, vector<640x256xf32>,
    %get3A_18 = arith.constant 0 : index
    %get3A_19 = arith.constant 0 : index
    %get3A_20 = vector.load %arg0[%get3A_18, %get3A_19] : memref<640x256xf32, #tpu.memory_space<vmem>>, vector<640x256xf32>
    %get3A_21 = arith.constant 0 : index
    %get3A_22 = arith.constant 0 : index
    %get3A_23 = vector.load %arg1[%get3A_21, %get3A_22] : memref<640x256xf32, #tpu.memory_space<vmem>>, vector<640x256xf32>
    %get3A_24 = arith.constant 0 : index
    %get3A_25 = arith.constant 0 : index
    %get3A_26 = vector.load %arg2[%get3A_24, %get3A_25] : memref<640x256xf32, #tpu.memory_space<vmem>>, vector<640x256xf32>
    %get3A_27 = arith.constant 0 : index
    %get3A_28 = arith.constant 0 : index
    %get3A_29 = vector.load %arg3[%get3A_27, %get3A_28] : memref<640x256xf32, #tpu.memory_space<vmem>>, vector<640x256xf32>
    %get3A_30 = arith.constant 0 : index
    %get3A_31 = arith.constant 0 : index
    %get3A_32 = vector.load %arg6[%get3A_30, %get3A_31] : memref<640x256xf32, #tpu.memory_space<vmem>>, vector<640x256xf32>
    %iota3A = tpu.iota {dimensions = array<i32: 0>} : vector<640x256xi32>
    %add3A = arith.constant 0 : i32
    %add3A_33 = vector.broadcast %add3A : i32 to vector<640x256xi32>
    %add3A_34 = arith.addi %iota3A, %add3A_33 : vector<640x256xi32>
    %scan3A = arith.constant 0 : i32
    %scan3A_35 = arith.constant 64 : i32
    %scan3A_36 = arith.addi %scan3A, %scan3A_35 : i32
    %scan3A_37 = arith.constant 1 : i32
    scf.for %scan3A_270 = %scan3A to %scan3A_36 step %scan3A_37  : i32 {
      %get3A_271 = arith.index_cast %scan3A_270 : i32 to index
      %get3A_272 = arith.constant 0 : index
      %get3A_273 = vector.load %arg0[%get3A_271, %get3A_272] : memref<640x256xf32, #tpu.memory_space<vmem>>, vector<1x256xf32>
      %get3A_274 = arith.index_cast %scan3A_270 : i32 to index
      %get3A_275 = arith.constant 0 : index
      %get3A_276 = vector.load %arg1[%get3A_274, %get3A_275] : memref<640x256xf32, #tpu.memory_space<vmem>>, vector<1x256xf32>
      %get3A_277 = arith.index_cast %scan3A_270 : i32 to index
      %get3A_278 = arith.constant 0 : index
      %get3A_279 = vector.load %arg2[%get3A_277, %get3A_278] : memref<640x256xf32, #tpu.memory_space<vmem>>, vector<1x256xf32>
      %get3A_280 = arith.index_cast %scan3A_270 : i32 to index
      %get3A_281 = arith.constant 0 : index
      %get3A_282 = vector.load %arg3[%get3A_280, %get3A_281] : memref<640x256xf32, #tpu.memory_space<vmem>>, vector<1x256xf32>
      %get3A_283 = arith.index_cast %scan3A_270 : i32 to index
      %get3A_284 = arith.constant 0 : index
      %get3A_285 = vector.load %arg4[%get3A_283, %get3A_284] : memref<640x256xf32, #tpu.memory_space<vmem>>, vector<1x256xf32>
      %get3A_286 = arith.index_cast %scan3A_270 : i32 to index
      %get3A_287 = arith.constant 0 : index
      %get3A_288 = vector.load %arg7[%get3A_286, %get3A_287] : memref<640x256xf32, #tpu.memory_space<vmem>>, vector<1x256xf32>
      %get3A_289 = arith.index_cast %scan3A_270 : i32 to index
      %get3A_290 = arith.constant 0 : index
      %get3A_291 = vector.load %arg6[%get3A_289, %get3A_290] : memref<640x256xf32, #tpu.memory_space<vmem>>, vector<1x256xf32>
      %gt3A_292 = arith.constant 0.000000e+00 : f32
      %gt3A_293 = vector.broadcast %gt3A_292 : f32 to vector<1x256xf32>
      %gt3A_294 = arith.cmpf ogt, %get3A_288, %gt3A_293 : vector<1x256xf32>
      %gt3A_295 = arith.constant 5.000000e-01 : f32
      %gt3A_296 = vector.broadcast %gt3A_295 : f32 to vector<1x256xf32>
      %gt3A_297 = arith.cmpf ogt, %get3A_285, %gt3A_296 : vector<1x256xf32>
      %and3A_298 = arith.andi %gt3A_294, %gt3A_297 : vector<1x256xi1>
      %min3A = vector.broadcast %get3A_279 : vector<1x256xf32> to vector<640x256xf32>
      %min3A_299 = arith.minimumf %get3A_26, %min3A : vector<640x256xf32>
      %max3A = vector.broadcast %get3A_273 : vector<1x256xf32> to vector<640x256xf32>
      %max3A_300 = arith.maximumf %get3A_20, %max3A : vector<640x256xf32>
      %sub3A_301 = arith.subf %min3A_299, %max3A_300 : vector<640x256xf32>
      %max3A_302 = arith.constant 0.000000e+00 : f32
      %max3A_303 = vector.broadcast %max3A_302 : f32 to vector<640x256xf32>
      %max3A_304 = arith.maximumf %sub3A_301, %max3A_303 : vector<640x256xf32>
      %min3A_305 = vector.broadcast %get3A_282 : vector<1x256xf32> to vector<640x256xf32>
      %min3A_306 = arith.minimumf %get3A_29, %min3A_305 : vector<640x256xf32>
      %max3A_307 = vector.broadcast %get3A_276 : vector<1x256xf32> to vector<640x256xf32>
      %max3A_308 = arith.maximumf %get3A_23, %max3A_307 : vector<640x256xf32>
      %sub3A_309 = arith.subf %min3A_306, %max3A_308 : vector<640x256xf32>
      %max3A_310 = arith.constant 0.000000e+00 : f32
      %max3A_311 = vector.broadcast %max3A_310 : f32 to vector<640x256xf32>
      %max3A_312 = arith.maximumf %sub3A_309, %max3A_311 : vector<640x256xf32>
      %mul3A_313 = arith.mulf %max3A_304, %max3A_312 : vector<640x256xf32>
      %add3A_314 = vector.broadcast %get3A_291 : vector<1x256xf32> to vector<640x256xf32>
      %add3A_315 = arith.addf %get3A_32, %add3A_314 : vector<640x256xf32>
      %sub3A_316 = arith.subf %add3A_315, %mul3A_313 : vector<640x256xf32>
      %max3A_317 = arith.constant 9.99999993E-9 : f32
      %max3A_318 = vector.broadcast %max3A_317 : f32 to vector<640x256xf32>
      %max3A_319 = arith.maximumf %sub3A_316, %max3A_318 : vector<640x256xf32>
      %div3A = arith.divf %mul3A_313, %max3A_319 : vector<640x256xf32>
      %gt3A_320 = arith.constant 5.000000e-01 : f32
      %gt3A_321 = vector.broadcast %gt3A_320 : f32 to vector<640x256xf32>
      %gt3A_322 = arith.cmpf ogt, %div3A, %gt3A_321 : vector<640x256xf32>
      %ne3A = vector.broadcast %scan3A_270 : i32 to vector<640x256xi32>
      %ne3A_323 = arith.cmpi ne, %add3A_34, %ne3A : vector<640x256xi32>
      %and3A_324 = arith.andi %gt3A_322, %ne3A_323 : vector<640x256xi1>
      %and3A_325 = vector.broadcast %and3A_298 : vector<1x256xi1> to vector<640x256xi1>
      %and3A_326 = arith.andi %and3A_324, %and3A_325 : vector<640x256xi1>
      %get3A_327 = arith.constant 0 : index
      %get3A_328 = arith.constant 0 : index
      %get3A_329 = vector.load %arg7[%get3A_327, %get3A_328] : memref<640x256xf32, #tpu.memory_space<vmem>>, vector<640x256xf32>
      %jit3A_330 = arith.constant 0.000000e+00 : f32
      %broadcast_in_dim3A_331 = vector.broadcast %jit3A_330 : f32 to vector<640x256xf32>
      %select_n3A_332 = arith.select %and3A_326, %broadcast_in_dim3A_331, %get3A_329 : vector<640x256xi1>, vector<640x256xf32>
      %swap3A_333 = arith.constant 0 : index
      %swap3A_334 = arith.constant 0 : index
      %swap3A_335 = vector.load %arg7[%swap3A_333, %swap3A_334] : memref<640x256xf32, #tpu.memory_space<vmem>>, vector<640x256xf32>
      tpu.vector_store %arg7[%swap3A_333, %swap3A_334], %select_n3A_332 {strides = array<i32>} : memref<640x256xf32, #tpu.memory_space<vmem>>, vector<640x256xf32>,
    }
    %scan3A_38 = arith.constant 64 : i32
    %get3A_39 = arith.constant 64 : index
    %get3A_40 = arith.constant 0 : index
    %get3A_41 = vector.load %arg0[%get3A_39, %get3A_40] : memref<640x256xf32, #tpu.memory_space<vmem>>, vector<576x256xf32>
    %get3A_42 = arith.constant 64 : index
    %get3A_43 = arith.constant 0 : index
    %get3A_44 = vector.load %arg1[%get3A_42, %get3A_43] : memref<640x256xf32, #tpu.memory_space<vmem>>, vector<576x256xf32>
    %get3A_45 = arith.constant 64 : index
    %get3A_46 = arith.constant 0 : index
    %get3A_47 = vector.load %arg2[%get3A_45, %get3A_46] : memref<640x256xf32, #tpu.memory_space<vmem>>, vector<576x256xf32>
    %get3A_48 = arith.constant 64 : index
    %get3A_49 = arith.constant 0 : index
    %get3A_50 = vector.load %arg3[%get3A_48, %get3A_49] : memref<640x256xf32, #tpu.memory_space<vmem>>, vector<576x256xf32>
    %get3A_51 = arith.constant 64 : index
    %get3A_52 = arith.constant 0 : index
    %get3A_53 = vector.load %arg6[%get3A_51, %get3A_52] : memref<640x256xf32, #tpu.memory_space<vmem>>, vector<576x256xf32>
    %iota3A_54 = tpu.iota {dimensions = array<i32: 0>} : vector<576x256xi32>
    %add3A_55 = arith.constant 64 : i32
    %add3A_56 = vector.broadcast %add3A_55 : i32 to vector<576x256xi32>
    %add3A_57 = arith.addi %iota3A_54, %add3A_56 : vector<576x256xi32>
    %scan3A_58 = arith.constant 64 : i32
    %scan3A_59 = arith.constant 64 : i32
    %scan3A_60 = arith.addi %scan3A_58, %scan3A_59 : i32
    %scan3A_61 = arith.constant 1 : i32
    scf.for %scan3A_270 = %scan3A_58 to %scan3A_60 step %scan3A_61  : i32 {
      %get3A_271 = arith.index_cast %scan3A_270 : i32 to index
      %get3A_272 = arith.constant 0 : index
      %get3A_273 = vector.load %arg0[%get3A_271, %get3A_272] : memref<640x256xf32, #tpu.memory_space<vmem>>, vector<1x256xf32>
      %get3A_274 = arith.index_cast %scan3A_270 : i32 to index
      %get3A_275 = arith.constant 0 : index
      %get3A_276 = vector.load %arg1[%get3A_274, %get3A_275] : memref<640x256xf32, #tpu.memory_space<vmem>>, vector<1x256xf32>
      %get3A_277 = arith.index_cast %scan3A_270 : i32 to index
      %get3A_278 = arith.constant 0 : index
      %get3A_279 = vector.load %arg2[%get3A_277, %get3A_278] : memref<640x256xf32, #tpu.memory_space<vmem>>, vector<1x256xf32>
      %get3A_280 = arith.index_cast %scan3A_270 : i32 to index
      %get3A_281 = arith.constant 0 : index
      %get3A_282 = vector.load %arg3[%get3A_280, %get3A_281] : memref<640x256xf32, #tpu.memory_space<vmem>>, vector<1x256xf32>
      %get3A_283 = arith.index_cast %scan3A_270 : i32 to index
      %get3A_284 = arith.constant 0 : index
      %get3A_285 = vector.load %arg4[%get3A_283, %get3A_284] : memref<640x256xf32, #tpu.memory_space<vmem>>, vector<1x256xf32>
      %get3A_286 = arith.index_cast %scan3A_270 : i32 to index
      %get3A_287 = arith.constant 0 : index
      %get3A_288 = vector.load %arg7[%get3A_286, %get3A_287] : memref<640x256xf32, #tpu.memory_space<vmem>>, vector<1x256xf32>
      %get3A_289 = arith.index_cast %scan3A_270 : i32 to index
      %get3A_290 = arith.constant 0 : index
      %get3A_291 = vector.load %arg6[%get3A_289, %get3A_290] : memref<640x256xf32, #tpu.memory_space<vmem>>, vector<1x256xf32>
      %gt3A_292 = arith.constant 0.000000e+00 : f32
      %gt3A_293 = vector.broadcast %gt3A_292 : f32 to vector<1x256xf32>
      %gt3A_294 = arith.cmpf ogt, %get3A_288, %gt3A_293 : vector<1x256xf32>
      %gt3A_295 = arith.constant 5.000000e-01 : f32
      %gt3A_296 = vector.broadcast %gt3A_295 : f32 to vector<1x256xf32>
      %gt3A_297 = arith.cmpf ogt, %get3A_285, %gt3A_296 : vector<1x256xf32>
      %and3A_298 = arith.andi %gt3A_294, %gt3A_297 : vector<1x256xi1>
      %min3A = vector.broadcast %get3A_279 : vector<1x256xf32> to vector<576x256xf32>
      %min3A_299 = arith.minimumf %get3A_47, %min3A : vector<576x256xf32>
      %max3A = vector.broadcast %get3A_273 : vector<1x256xf32> to vector<576x256xf32>
      %max3A_300 = arith.maximumf %get3A_41, %max3A : vector<576x256xf32>
      %sub3A_301 = arith.subf %min3A_299, %max3A_300 : vector<576x256xf32>
      %max3A_302 = arith.constant 0.000000e+00 : f32
      %max3A_303 = vector.broadcast %max3A_302 : f32 to vector<576x256xf32>
      %max3A_304 = arith.maximumf %sub3A_301, %max3A_303 : vector<576x256xf32>
      %min3A_305 = vector.broadcast %get3A_282 : vector<1x256xf32> to vector<576x256xf32>
      %min3A_306 = arith.minimumf %get3A_50, %min3A_305 : vector<576x256xf32>
      %max3A_307 = vector.broadcast %get3A_276 : vector<1x256xf32> to vector<576x256xf32>
      %max3A_308 = arith.maximumf %get3A_44, %max3A_307 : vector<576x256xf32>
      %sub3A_309 = arith.subf %min3A_306, %max3A_308 : vector<576x256xf32>
      %max3A_310 = arith.constant 0.000000e+00 : f32
      %max3A_311 = vector.broadcast %max3A_310 : f32 to vector<576x256xf32>
      %max3A_312 = arith.maximumf %sub3A_309, %max3A_311 : vector<576x256xf32>
      %mul3A_313 = arith.mulf %max3A_304, %max3A_312 : vector<576x256xf32>
      %add3A_314 = vector.broadcast %get3A_291 : vector<1x256xf32> to vector<576x256xf32>
      %add3A_315 = arith.addf %get3A_53, %add3A_314 : vector<576x256xf32>
      %sub3A_316 = arith.subf %add3A_315, %mul3A_313 : vector<576x256xf32>
      %max3A_317 = arith.constant 9.99999993E-9 : f32
      %max3A_318 = vector.broadcast %max3A_317 : f32 to vector<576x256xf32>
      %max3A_319 = arith.maximumf %sub3A_316, %max3A_318 : vector<576x256xf32>
      %div3A = arith.divf %mul3A_313, %max3A_319 : vector<576x256xf32>
      %gt3A_320 = arith.constant 5.000000e-01 : f32
      %gt3A_321 = vector.broadcast %gt3A_320 : f32 to vector<576x256xf32>
      %gt3A_322 = arith.cmpf ogt, %div3A, %gt3A_321 : vector<576x256xf32>
      %ne3A = vector.broadcast %scan3A_270 : i32 to vector<576x256xi32>
      %ne3A_323 = arith.cmpi ne, %add3A_57, %ne3A : vector<576x256xi32>
      %and3A_324 = arith.andi %gt3A_322, %ne3A_323 : vector<576x256xi1>
      %and3A_325 = vector.broadcast %and3A_298 : vector<1x256xi1> to vector<576x256xi1>
      %and3A_326 = arith.andi %and3A_324, %and3A_325 : vector<576x256xi1>
      %get3A_327 = arith.constant 64 : index
      %get3A_328 = arith.constant 0 : index
      %get3A_329 = vector.load %arg7[%get3A_327, %get3A_328] : memref<640x256xf32, #tpu.memory_space<vmem>>, vector<576x256xf32>
      %jit3A_330 = arith.constant 0.000000e+00 : f32
      %broadcast_in_dim3A_331 = vector.broadcast %jit3A_330 : f32 to vector<576x256xf32>
      %select_n3A_332 = arith.select %and3A_326, %broadcast_in_dim3A_331, %get3A_329 : vector<576x256xi1>, vector<576x256xf32>
      %swap3A_333 = arith.constant 64 : index
      %swap3A_334 = arith.constant 0 : index
      %swap3A_335 = vector.load %arg7[%swap3A_333, %swap3A_334] : memref<640x256xf32, #tpu.memory_space<vmem>>, vector<576x256xf32>
      tpu.vector_store %arg7[%swap3A_333, %swap3A_334], %select_n3A_332 {strides = array<i32>} : memref<640x256xf32, #tpu.memory_space<vmem>>, vector<576x256xf32>,
    }
    %scan3A_62 = arith.constant 64 : i32
    %get3A_63 = arith.constant 128 : index
    %get3A_64 = arith.constant 0 : index
    %get3A_65 = vector.load %arg0[%get3A_63, %get3A_64] : memref<640x256xf32, #tpu.memory_space<vmem>>, vector<512x256xf32>
    %get3A_66 = arith.constant 128 : index
    %get3A_67 = arith.constant 0 : index
    %get3A_68 = vector.load %arg1[%get3A_66, %get3A_67] : memref<640x256xf32, #tpu.memory_space<vmem>>, vector<512x256xf32>
    %get3A_69 = arith.constant 128 : index
    %get3A_70 = arith.constant 0 : index
    %get3A_71 = vector.load %arg2[%get3A_69, %get3A_70] : memref<640x256xf32, #tpu.memory_space<vmem>>, vector<512x256xf32>
    %get3A_72 = arith.constant 128 : index
    %get3A_73 = arith.constant 0 : index
    %get3A_74 = vector.load %arg3[%get3A_72, %get3A_73] : memref<640x256xf32, #tpu.memory_space<vmem>>, vector<512x256xf32>
    %get3A_75 = arith.constant 128 : index
    %get3A_76 = arith.constant 0 : index
    %get3A_77 = vector.load %arg6[%get3A_75, %get3A_76] : memref<640x256xf32, #tpu.memory_space<vmem>>, vector<512x256xf32>
    %iota3A_78 = tpu.iota {dimensions = array<i32: 0>} : vector<512x256xi32>
    %add3A_79 = arith.constant 128 : i32
    %add3A_80 = vector.broadcast %add3A_79 : i32 to vector<512x256xi32>
    %add3A_81 = arith.addi %iota3A_78, %add3A_80 : vector<512x256xi32>
    %scan3A_82 = arith.constant 128 : i32
    %scan3A_83 = arith.constant 64 : i32
    %scan3A_84 = arith.addi %scan3A_82, %scan3A_83 : i32
    %scan3A_85 = arith.constant 1 : i32
    scf.for %scan3A_270 = %scan3A_82 to %scan3A_84 step %scan3A_85  : i32 {
      %get3A_271 = arith.index_cast %scan3A_270 : i32 to index
      %get3A_272 = arith.constant 0 : index
      %get3A_273 = vector.load %arg0[%get3A_271, %get3A_272] : memref<640x256xf32, #tpu.memory_space<vmem>>, vector<1x256xf32>
      %get3A_274 = arith.index_cast %scan3A_270 : i32 to index
      %get3A_275 = arith.constant 0 : index
      %get3A_276 = vector.load %arg1[%get3A_274, %get3A_275] : memref<640x256xf32, #tpu.memory_space<vmem>>, vector<1x256xf32>
      %get3A_277 = arith.index_cast %scan3A_270 : i32 to index
      %get3A_278 = arith.constant 0 : index
      %get3A_279 = vector.load %arg2[%get3A_277, %get3A_278] : memref<640x256xf32, #tpu.memory_space<vmem>>, vector<1x256xf32>
      %get3A_280 = arith.index_cast %scan3A_270 : i32 to index
      %get3A_281 = arith.constant 0 : index
      %get3A_282 = vector.load %arg3[%get3A_280, %get3A_281] : memref<640x256xf32, #tpu.memory_space<vmem>>, vector<1x256xf32>
      %get3A_283 = arith.index_cast %scan3A_270 : i32 to index
      %get3A_284 = arith.constant 0 : index
      %get3A_285 = vector.load %arg4[%get3A_283, %get3A_284] : memref<640x256xf32, #tpu.memory_space<vmem>>, vector<1x256xf32>
      %get3A_286 = arith.index_cast %scan3A_270 : i32 to index
      %get3A_287 = arith.constant 0 : index
      %get3A_288 = vector.load %arg7[%get3A_286, %get3A_287] : memref<640x256xf32, #tpu.memory_space<vmem>>, vector<1x256xf32>
      %get3A_289 = arith.index_cast %scan3A_270 : i32 to index
      %get3A_290 = arith.constant 0 : index
      %get3A_291 = vector.load %arg6[%get3A_289, %get3A_290] : memref<640x256xf32, #tpu.memory_space<vmem>>, vector<1x256xf32>
      %gt3A_292 = arith.constant 0.000000e+00 : f32
      %gt3A_293 = vector.broadcast %gt3A_292 : f32 to vector<1x256xf32>
      %gt3A_294 = arith.cmpf ogt, %get3A_288, %gt3A_293 : vector<1x256xf32>
      %gt3A_295 = arith.constant 5.000000e-01 : f32
      %gt3A_296 = vector.broadcast %gt3A_295 : f32 to vector<1x256xf32>
      %gt3A_297 = arith.cmpf ogt, %get3A_285, %gt3A_296 : vector<1x256xf32>
      %and3A_298 = arith.andi %gt3A_294, %gt3A_297 : vector<1x256xi1>
      %min3A = vector.broadcast %get3A_279 : vector<1x256xf32> to vector<512x256xf32>
      %min3A_299 = arith.minimumf %get3A_71, %min3A : vector<512x256xf32>
      %max3A = vector.broadcast %get3A_273 : vector<1x256xf32> to vector<512x256xf32>
      %max3A_300 = arith.maximumf %get3A_65, %max3A : vector<512x256xf32>
      %sub3A_301 = arith.subf %min3A_299, %max3A_300 : vector<512x256xf32>
      %max3A_302 = arith.constant 0.000000e+00 : f32
      %max3A_303 = vector.broadcast %max3A_302 : f32 to vector<512x256xf32>
      %max3A_304 = arith.maximumf %sub3A_301, %max3A_303 : vector<512x256xf32>
      %min3A_305 = vector.broadcast %get3A_282 : vector<1x256xf32> to vector<512x256xf32>
      %min3A_306 = arith.minimumf %get3A_74, %min3A_305 : vector<512x256xf32>
      %max3A_307 = vector.broadcast %get3A_276 : vector<1x256xf32> to vector<512x256xf32>
      %max3A_308 = arith.maximumf %get3A_68, %max3A_307 : vector<512x256xf32>
      %sub3A_309 = arith.subf %min3A_306, %max3A_308 : vector<512x256xf32>
      %max3A_310 = arith.constant 0.000000e+00 : f32
      %max3A_311 = vector.broadcast %max3A_310 : f32 to vector<512x256xf32>
      %max3A_312 = arith.maximumf %sub3A_309, %max3A_311 : vector<512x256xf32>
      %mul3A_313 = arith.mulf %max3A_304, %max3A_312 : vector<512x256xf32>
      %add3A_314 = vector.broadcast %get3A_291 : vector<1x256xf32> to vector<512x256xf32>
      %add3A_315 = arith.addf %get3A_77, %add3A_314 : vector<512x256xf32>
      %sub3A_316 = arith.subf %add3A_315, %mul3A_313 : vector<512x256xf32>
      %max3A_317 = arith.constant 9.99999993E-9 : f32
      %max3A_318 = vector.broadcast %max3A_317 : f32 to vector<512x256xf32>
      %max3A_319 = arith.maximumf %sub3A_316, %max3A_318 : vector<512x256xf32>
      %div3A = arith.divf %mul3A_313, %max3A_319 : vector<512x256xf32>
      %gt3A_320 = arith.constant 5.000000e-01 : f32
      %gt3A_321 = vector.broadcast %gt3A_320 : f32 to vector<512x256xf32>
      %gt3A_322 = arith.cmpf ogt, %div3A, %gt3A_321 : vector<512x256xf32>
      %ne3A = vector.broadcast %scan3A_270 : i32 to vector<512x256xi32>
      %ne3A_323 = arith.cmpi ne, %add3A_81, %ne3A : vector<512x256xi32>
      %and3A_324 = arith.andi %gt3A_322, %ne3A_323 : vector<512x256xi1>
      %and3A_325 = vector.broadcast %and3A_298 : vector<1x256xi1> to vector<512x256xi1>
      %and3A_326 = arith.andi %and3A_324, %and3A_325 : vector<512x256xi1>
      %get3A_327 = arith.constant 128 : index
      %get3A_328 = arith.constant 0 : index
      %get3A_329 = vector.load %arg7[%get3A_327, %get3A_328] : memref<640x256xf32, #tpu.memory_space<vmem>>, vector<512x256xf32>
      %jit3A_330 = arith.constant 0.000000e+00 : f32
      %broadcast_in_dim3A_331 = vector.broadcast %jit3A_330 : f32 to vector<512x256xf32>
      %select_n3A_332 = arith.select %and3A_326, %broadcast_in_dim3A_331, %get3A_329 : vector<512x256xi1>, vector<512x256xf32>
      %swap3A_333 = arith.constant 128 : index
      %swap3A_334 = arith.constant 0 : index
      %swap3A_335 = vector.load %arg7[%swap3A_333, %swap3A_334] : memref<640x256xf32, #tpu.memory_space<vmem>>, vector<512x256xf32>
      tpu.vector_store %arg7[%swap3A_333, %swap3A_334], %select_n3A_332 {strides = array<i32>} : memref<640x256xf32, #tpu.memory_space<vmem>>, vector<512x256xf32>,
    }
    %scan3A_86 = arith.constant 64 : i32
    %get3A_87 = arith.constant 192 : index
    %get3A_88 = arith.constant 0 : index
    %get3A_89 = vector.load %arg0[%get3A_87, %get3A_88] : memref<640x256xf32, #tpu.memory_space<vmem>>, vector<448x256xf32>
    %get3A_90 = arith.constant 192 : index
    %get3A_91 = arith.constant 0 : index
    %get3A_92 = vector.load %arg1[%get3A_90, %get3A_91] : memref<640x256xf32, #tpu.memory_space<vmem>>, vector<448x256xf32>
    %get3A_93 = arith.constant 192 : index
    %get3A_94 = arith.constant 0 : index
    %get3A_95 = vector.load %arg2[%get3A_93, %get3A_94] : memref<640x256xf32, #tpu.memory_space<vmem>>, vector<448x256xf32>
    %get3A_96 = arith.constant 192 : index
    %get3A_97 = arith.constant 0 : index
    %get3A_98 = vector.load %arg3[%get3A_96, %get3A_97] : memref<640x256xf32, #tpu.memory_space<vmem>>, vector<448x256xf32>
    %get3A_99 = arith.constant 192 : index
    %get3A_100 = arith.constant 0 : index
    %get3A_101 = vector.load %arg6[%get3A_99, %get3A_100] : memref<640x256xf32, #tpu.memory_space<vmem>>, vector<448x256xf32>
    %iota3A_102 = tpu.iota {dimensions = array<i32: 0>} : vector<448x256xi32>
    %add3A_103 = arith.constant 192 : i32
    %add3A_104 = vector.broadcast %add3A_103 : i32 to vector<448x256xi32>
    %add3A_105 = arith.addi %iota3A_102, %add3A_104 : vector<448x256xi32>
    %scan3A_106 = arith.constant 192 : i32
    %scan3A_107 = arith.constant 64 : i32
    %scan3A_108 = arith.addi %scan3A_106, %scan3A_107 : i32
    %scan3A_109 = arith.constant 1 : i32
    scf.for %scan3A_270 = %scan3A_106 to %scan3A_108 step %scan3A_109  : i32 {
      %get3A_271 = arith.index_cast %scan3A_270 : i32 to index
      %get3A_272 = arith.constant 0 : index
      %get3A_273 = vector.load %arg0[%get3A_271, %get3A_272] : memref<640x256xf32, #tpu.memory_space<vmem>>, vector<1x256xf32>
      %get3A_274 = arith.index_cast %scan3A_270 : i32 to index
      %get3A_275 = arith.constant 0 : index
      %get3A_276 = vector.load %arg1[%get3A_274, %get3A_275] : memref<640x256xf32, #tpu.memory_space<vmem>>, vector<1x256xf32>
      %get3A_277 = arith.index_cast %scan3A_270 : i32 to index
      %get3A_278 = arith.constant 0 : index
      %get3A_279 = vector.load %arg2[%get3A_277, %get3A_278] : memref<640x256xf32, #tpu.memory_space<vmem>>, vector<1x256xf32>
      %get3A_280 = arith.index_cast %scan3A_270 : i32 to index
      %get3A_281 = arith.constant 0 : index
      %get3A_282 = vector.load %arg3[%get3A_280, %get3A_281] : memref<640x256xf32, #tpu.memory_space<vmem>>, vector<1x256xf32>
      %get3A_283 = arith.index_cast %scan3A_270 : i32 to index
      %get3A_284 = arith.constant 0 : index
      %get3A_285 = vector.load %arg4[%get3A_283, %get3A_284] : memref<640x256xf32, #tpu.memory_space<vmem>>, vector<1x256xf32>
      %get3A_286 = arith.index_cast %scan3A_270 : i32 to index
      %get3A_287 = arith.constant 0 : index
      %get3A_288 = vector.load %arg7[%get3A_286, %get3A_287] : memref<640x256xf32, #tpu.memory_space<vmem>>, vector<1x256xf32>
      %get3A_289 = arith.index_cast %scan3A_270 : i32 to index
      %get3A_290 = arith.constant 0 : index
      %get3A_291 = vector.load %arg6[%get3A_289, %get3A_290] : memref<640x256xf32, #tpu.memory_space<vmem>>, vector<1x256xf32>
      %gt3A_292 = arith.constant 0.000000e+00 : f32
      %gt3A_293 = vector.broadcast %gt3A_292 : f32 to vector<1x256xf32>
      %gt3A_294 = arith.cmpf ogt, %get3A_288, %gt3A_293 : vector<1x256xf32>
      %gt3A_295 = arith.constant 5.000000e-01 : f32
      %gt3A_296 = vector.broadcast %gt3A_295 : f32 to vector<1x256xf32>
      %gt3A_297 = arith.cmpf ogt, %get3A_285, %gt3A_296 : vector<1x256xf32>
      %and3A_298 = arith.andi %gt3A_294, %gt3A_297 : vector<1x256xi1>
      %min3A = vector.broadcast %get3A_279 : vector<1x256xf32> to vector<448x256xf32>
      %min3A_299 = arith.minimumf %get3A_95, %min3A : vector<448x256xf32>
      %max3A = vector.broadcast %get3A_273 : vector<1x256xf32> to vector<448x256xf32>
      %max3A_300 = arith.maximumf %get3A_89, %max3A : vector<448x256xf32>
      %sub3A_301 = arith.subf %min3A_299, %max3A_300 : vector<448x256xf32>
      %max3A_302 = arith.constant 0.000000e+00 : f32
      %max3A_303 = vector.broadcast %max3A_302 : f32 to vector<448x256xf32>
      %max3A_304 = arith.maximumf %sub3A_301, %max3A_303 : vector<448x256xf32>
      %min3A_305 = vector.broadcast %get3A_282 : vector<1x256xf32> to vector<448x256xf32>
      %min3A_306 = arith.minimumf %get3A_98, %min3A_305 : vector<448x256xf32>
      %max3A_307 = vector.broadcast %get3A_276 : vector<1x256xf32> to vector<448x256xf32>
      %max3A_308 = arith.maximumf %get3A_92, %max3A_307 : vector<448x256xf32>
      %sub3A_309 = arith.subf %min3A_306, %max3A_308 : vector<448x256xf32>
      %max3A_310 = arith.constant 0.000000e+00 : f32
      %max3A_311 = vector.broadcast %max3A_310 : f32 to vector<448x256xf32>
      %max3A_312 = arith.maximumf %sub3A_309, %max3A_311 : vector<448x256xf32>
      %mul3A_313 = arith.mulf %max3A_304, %max3A_312 : vector<448x256xf32>
      %add3A_314 = vector.broadcast %get3A_291 : vector<1x256xf32> to vector<448x256xf32>
      %add3A_315 = arith.addf %get3A_101, %add3A_314 : vector<448x256xf32>
      %sub3A_316 = arith.subf %add3A_315, %mul3A_313 : vector<448x256xf32>
      %max3A_317 = arith.constant 9.99999993E-9 : f32
      %max3A_318 = vector.broadcast %max3A_317 : f32 to vector<448x256xf32>
      %max3A_319 = arith.maximumf %sub3A_316, %max3A_318 : vector<448x256xf32>
      %div3A = arith.divf %mul3A_313, %max3A_319 : vector<448x256xf32>
      %gt3A_320 = arith.constant 5.000000e-01 : f32
      %gt3A_321 = vector.broadcast %gt3A_320 : f32 to vector<448x256xf32>
      %gt3A_322 = arith.cmpf ogt, %div3A, %gt3A_321 : vector<448x256xf32>
      %ne3A = vector.broadcast %scan3A_270 : i32 to vector<448x256xi32>
      %ne3A_323 = arith.cmpi ne, %add3A_105, %ne3A : vector<448x256xi32>
      %and3A_324 = arith.andi %gt3A_322, %ne3A_323 : vector<448x256xi1>
      %and3A_325 = vector.broadcast %and3A_298 : vector<1x256xi1> to vector<448x256xi1>
      %and3A_326 = arith.andi %and3A_324, %and3A_325 : vector<448x256xi1>
      %get3A_327 = arith.constant 192 : index
      %get3A_328 = arith.constant 0 : index
      %get3A_329 = vector.load %arg7[%get3A_327, %get3A_328] : memref<640x256xf32, #tpu.memory_space<vmem>>, vector<448x256xf32>
      %jit3A_330 = arith.constant 0.000000e+00 : f32
      %broadcast_in_dim3A_331 = vector.broadcast %jit3A_330 : f32 to vector<448x256xf32>
      %select_n3A_332 = arith.select %and3A_326, %broadcast_in_dim3A_331, %get3A_329 : vector<448x256xi1>, vector<448x256xf32>
      %swap3A_333 = arith.constant 192 : index
      %swap3A_334 = arith.constant 0 : index
      %swap3A_335 = vector.load %arg7[%swap3A_333, %swap3A_334] : memref<640x256xf32, #tpu.memory_space<vmem>>, vector<448x256xf32>
      tpu.vector_store %arg7[%swap3A_333, %swap3A_334], %select_n3A_332 {strides = array<i32>} : memref<640x256xf32, #tpu.memory_space<vmem>>, vector<448x256xf32>,
    }
    %scan3A_110 = arith.constant 64 : i32
    %get3A_111 = arith.constant 256 : index
    %get3A_112 = arith.constant 0 : index
    %get3A_113 = vector.load %arg0[%get3A_111, %get3A_112] : memref<640x256xf32, #tpu.memory_space<vmem>>, vector<384x256xf32>
    %get3A_114 = arith.constant 256 : index
    %get3A_115 = arith.constant 0 : index
    %get3A_116 = vector.load %arg1[%get3A_114, %get3A_115] : memref<640x256xf32, #tpu.memory_space<vmem>>, vector<384x256xf32>
    %get3A_117 = arith.constant 256 : index
    %get3A_118 = arith.constant 0 : index
    %get3A_119 = vector.load %arg2[%get3A_117, %get3A_118] : memref<640x256xf32, #tpu.memory_space<vmem>>, vector<384x256xf32>
    %get3A_120 = arith.constant 256 : index
    %get3A_121 = arith.constant 0 : index
    %get3A_122 = vector.load %arg3[%get3A_120, %get3A_121] : memref<640x256xf32, #tpu.memory_space<vmem>>, vector<384x256xf32>
    %get3A_123 = arith.constant 256 : index
    %get3A_124 = arith.constant 0 : index
    %get3A_125 = vector.load %arg6[%get3A_123, %get3A_124] : memref<640x256xf32, #tpu.memory_space<vmem>>, vector<384x256xf32>
    %iota3A_126 = tpu.iota {dimensions = array<i32: 0>} : vector<384x256xi32>
    %add3A_127 = arith.constant 256 : i32
    %add3A_128 = vector.broadcast %add3A_127 : i32 to vector<384x256xi32>
    %add3A_129 = arith.addi %iota3A_126, %add3A_128 : vector<384x256xi32>
    %scan3A_130 = arith.constant 256 : i32
    %scan3A_131 = arith.constant 64 : i32
    %scan3A_132 = arith.addi %scan3A_130, %scan3A_131 : i32
    %scan3A_133 = arith.constant 1 : i32
    scf.for %scan3A_270 = %scan3A_130 to %scan3A_132 step %scan3A_133  : i32 {
      %get3A_271 = arith.index_cast %scan3A_270 : i32 to index
      %get3A_272 = arith.constant 0 : index
      %get3A_273 = vector.load %arg0[%get3A_271, %get3A_272] : memref<640x256xf32, #tpu.memory_space<vmem>>, vector<1x256xf32>
      %get3A_274 = arith.index_cast %scan3A_270 : i32 to index
      %get3A_275 = arith.constant 0 : index
      %get3A_276 = vector.load %arg1[%get3A_274, %get3A_275] : memref<640x256xf32, #tpu.memory_space<vmem>>, vector<1x256xf32>
      %get3A_277 = arith.index_cast %scan3A_270 : i32 to index
      %get3A_278 = arith.constant 0 : index
      %get3A_279 = vector.load %arg2[%get3A_277, %get3A_278] : memref<640x256xf32, #tpu.memory_space<vmem>>, vector<1x256xf32>
      %get3A_280 = arith.index_cast %scan3A_270 : i32 to index
      %get3A_281 = arith.constant 0 : index
      %get3A_282 = vector.load %arg3[%get3A_280, %get3A_281] : memref<640x256xf32, #tpu.memory_space<vmem>>, vector<1x256xf32>
      %get3A_283 = arith.index_cast %scan3A_270 : i32 to index
      %get3A_284 = arith.constant 0 : index
      %get3A_285 = vector.load %arg4[%get3A_283, %get3A_284] : memref<640x256xf32, #tpu.memory_space<vmem>>, vector<1x256xf32>
      %get3A_286 = arith.index_cast %scan3A_270 : i32 to index
      %get3A_287 = arith.constant 0 : index
      %get3A_288 = vector.load %arg7[%get3A_286, %get3A_287] : memref<640x256xf32, #tpu.memory_space<vmem>>, vector<1x256xf32>
      %get3A_289 = arith.index_cast %scan3A_270 : i32 to index
      %get3A_290 = arith.constant 0 : index
      %get3A_291 = vector.load %arg6[%get3A_289, %get3A_290] : memref<640x256xf32, #tpu.memory_space<vmem>>, vector<1x256xf32>
      %gt3A_292 = arith.constant 0.000000e+00 : f32
      %gt3A_293 = vector.broadcast %gt3A_292 : f32 to vector<1x256xf32>
      %gt3A_294 = arith.cmpf ogt, %get3A_288, %gt3A_293 : vector<1x256xf32>
      %gt3A_295 = arith.constant 5.000000e-01 : f32
      %gt3A_296 = vector.broadcast %gt3A_295 : f32 to vector<1x256xf32>
      %gt3A_297 = arith.cmpf ogt, %get3A_285, %gt3A_296 : vector<1x256xf32>
      %and3A_298 = arith.andi %gt3A_294, %gt3A_297 : vector<1x256xi1>
      %min3A = vector.broadcast %get3A_279 : vector<1x256xf32> to vector<384x256xf32>
      %min3A_299 = arith.minimumf %get3A_119, %min3A : vector<384x256xf32>
      %max3A = vector.broadcast %get3A_273 : vector<1x256xf32> to vector<384x256xf32>
      %max3A_300 = arith.maximumf %get3A_113, %max3A : vector<384x256xf32>
      %sub3A_301 = arith.subf %min3A_299, %max3A_300 : vector<384x256xf32>
      %max3A_302 = arith.constant 0.000000e+00 : f32
      %max3A_303 = vector.broadcast %max3A_302 : f32 to vector<384x256xf32>
      %max3A_304 = arith.maximumf %sub3A_301, %max3A_303 : vector<384x256xf32>
      %min3A_305 = vector.broadcast %get3A_282 : vector<1x256xf32> to vector<384x256xf32>
      %min3A_306 = arith.minimumf %get3A_122, %min3A_305 : vector<384x256xf32>
      %max3A_307 = vector.broadcast %get3A_276 : vector<1x256xf32> to vector<384x256xf32>
      %max3A_308 = arith.maximumf %get3A_116, %max3A_307 : vector<384x256xf32>
      %sub3A_309 = arith.subf %min3A_306, %max3A_308 : vector<384x256xf32>
      %max3A_310 = arith.constant 0.000000e+00 : f32
      %max3A_311 = vector.broadcast %max3A_310 : f32 to vector<384x256xf32>
      %max3A_312 = arith.maximumf %sub3A_309, %max3A_311 : vector<384x256xf32>
      %mul3A_313 = arith.mulf %max3A_304, %max3A_312 : vector<384x256xf32>
      %add3A_314 = vector.broadcast %get3A_291 : vector<1x256xf32> to vector<384x256xf32>
      %add3A_315 = arith.addf %get3A_125, %add3A_314 : vector<384x256xf32>
      %sub3A_316 = arith.subf %add3A_315, %mul3A_313 : vector<384x256xf32>
      %max3A_317 = arith.constant 9.99999993E-9 : f32
      %max3A_318 = vector.broadcast %max3A_317 : f32 to vector<384x256xf32>
      %max3A_319 = arith.maximumf %sub3A_316, %max3A_318 : vector<384x256xf32>
      %div3A = arith.divf %mul3A_313, %max3A_319 : vector<384x256xf32>
      %gt3A_320 = arith.constant 5.000000e-01 : f32
      %gt3A_321 = vector.broadcast %gt3A_320 : f32 to vector<384x256xf32>
      %gt3A_322 = arith.cmpf ogt, %div3A, %gt3A_321 : vector<384x256xf32>
      %ne3A = vector.broadcast %scan3A_270 : i32 to vector<384x256xi32>
      %ne3A_323 = arith.cmpi ne, %add3A_129, %ne3A : vector<384x256xi32>
      %and3A_324 = arith.andi %gt3A_322, %ne3A_323 : vector<384x256xi1>
      %and3A_325 = vector.broadcast %and3A_298 : vector<1x256xi1> to vector<384x256xi1>
      %and3A_326 = arith.andi %and3A_324, %and3A_325 : vector<384x256xi1>
      %get3A_327 = arith.constant 256 : index
      %get3A_328 = arith.constant 0 : index
      %get3A_329 = vector.load %arg7[%get3A_327, %get3A_328] : memref<640x256xf32, #tpu.memory_space<vmem>>, vector<384x256xf32>
      %jit3A_330 = arith.constant 0.000000e+00 : f32
      %broadcast_in_dim3A_331 = vector.broadcast %jit3A_330 : f32 to vector<384x256xf32>
      %select_n3A_332 = arith.select %and3A_326, %broadcast_in_dim3A_331, %get3A_329 : vector<384x256xi1>, vector<384x256xf32>
      %swap3A_333 = arith.constant 256 : index
      %swap3A_334 = arith.constant 0 : index
      %swap3A_335 = vector.load %arg7[%swap3A_333, %swap3A_334] : memref<640x256xf32, #tpu.memory_space<vmem>>, vector<384x256xf32>
      tpu.vector_store %arg7[%swap3A_333, %swap3A_334], %select_n3A_332 {strides = array<i32>} : memref<640x256xf32, #tpu.memory_space<vmem>>, vector<384x256xf32>,
    }
    %scan3A_134 = arith.constant 64 : i32
    %get3A_135 = arith.constant 320 : index
    %get3A_136 = arith.constant 0 : index
    %get3A_137 = vector.load %arg0[%get3A_135, %get3A_136] : memref<640x256xf32, #tpu.memory_space<vmem>>, vector<320x256xf32>
    %get3A_138 = arith.constant 320 : index
    %get3A_139 = arith.constant 0 : index
    %get3A_140 = vector.load %arg1[%get3A_138, %get3A_139] : memref<640x256xf32, #tpu.memory_space<vmem>>, vector<320x256xf32>
    %get3A_141 = arith.constant 320 : index
    %get3A_142 = arith.constant 0 : index
    %get3A_143 = vector.load %arg2[%get3A_141, %get3A_142] : memref<640x256xf32, #tpu.memory_space<vmem>>, vector<320x256xf32>
    %get3A_144 = arith.constant 320 : index
    %get3A_145 = arith.constant 0 : index
    %get3A_146 = vector.load %arg3[%get3A_144, %get3A_145] : memref<640x256xf32, #tpu.memory_space<vmem>>, vector<320x256xf32>
    %get3A_147 = arith.constant 320 : index
    %get3A_148 = arith.constant 0 : index
    %get3A_149 = vector.load %arg6[%get3A_147, %get3A_148] : memref<640x256xf32, #tpu.memory_space<vmem>>, vector<320x256xf32>
    %iota3A_150 = tpu.iota {dimensions = array<i32: 0>} : vector<320x256xi32>
    %add3A_151 = arith.constant 320 : i32
    %add3A_152 = vector.broadcast %add3A_151 : i32 to vector<320x256xi32>
    %add3A_153 = arith.addi %iota3A_150, %add3A_152 : vector<320x256xi32>
    %scan3A_154 = arith.constant 320 : i32
    %scan3A_155 = arith.constant 64 : i32
    %scan3A_156 = arith.addi %scan3A_154, %scan3A_155 : i32
    %scan3A_157 = arith.constant 1 : i32
    scf.for %scan3A_270 = %scan3A_154 to %scan3A_156 step %scan3A_157  : i32 {
      %get3A_271 = arith.index_cast %scan3A_270 : i32 to index
      %get3A_272 = arith.constant 0 : index
      %get3A_273 = vector.load %arg0[%get3A_271, %get3A_272] : memref<640x256xf32, #tpu.memory_space<vmem>>, vector<1x256xf32>
      %get3A_274 = arith.index_cast %scan3A_270 : i32 to index
      %get3A_275 = arith.constant 0 : index
      %get3A_276 = vector.load %arg1[%get3A_274, %get3A_275] : memref<640x256xf32, #tpu.memory_space<vmem>>, vector<1x256xf32>
      %get3A_277 = arith.index_cast %scan3A_270 : i32 to index
      %get3A_278 = arith.constant 0 : index
      %get3A_279 = vector.load %arg2[%get3A_277, %get3A_278] : memref<640x256xf32, #tpu.memory_space<vmem>>, vector<1x256xf32>
      %get3A_280 = arith.index_cast %scan3A_270 : i32 to index
      %get3A_281 = arith.constant 0 : index
      %get3A_282 = vector.load %arg3[%get3A_280, %get3A_281] : memref<640x256xf32, #tpu.memory_space<vmem>>, vector<1x256xf32>
      %get3A_283 = arith.index_cast %scan3A_270 : i32 to index
      %get3A_284 = arith.constant 0 : index
      %get3A_285 = vector.load %arg4[%get3A_283, %get3A_284] : memref<640x256xf32, #tpu.memory_space<vmem>>, vector<1x256xf32>
      %get3A_286 = arith.index_cast %scan3A_270 : i32 to index
      %get3A_287 = arith.constant 0 : index
      %get3A_288 = vector.load %arg7[%get3A_286, %get3A_287] : memref<640x256xf32, #tpu.memory_space<vmem>>, vector<1x256xf32>
      %get3A_289 = arith.index_cast %scan3A_270 : i32 to index
      %get3A_290 = arith.constant 0 : index
      %get3A_291 = vector.load %arg6[%get3A_289, %get3A_290] : memref<640x256xf32, #tpu.memory_space<vmem>>, vector<1x256xf32>
      %gt3A_292 = arith.constant 0.000000e+00 : f32
      %gt3A_293 = vector.broadcast %gt3A_292 : f32 to vector<1x256xf32>
      %gt3A_294 = arith.cmpf ogt, %get3A_288, %gt3A_293 : vector<1x256xf32>
      %gt3A_295 = arith.constant 5.000000e-01 : f32
      %gt3A_296 = vector.broadcast %gt3A_295 : f32 to vector<1x256xf32>
      %gt3A_297 = arith.cmpf ogt, %get3A_285, %gt3A_296 : vector<1x256xf32>
      %and3A_298 = arith.andi %gt3A_294, %gt3A_297 : vector<1x256xi1>
      %min3A = vector.broadcast %get3A_279 : vector<1x256xf32> to vector<320x256xf32>
      %min3A_299 = arith.minimumf %get3A_143, %min3A : vector<320x256xf32>
      %max3A = vector.broadcast %get3A_273 : vector<1x256xf32> to vector<320x256xf32>
      %max3A_300 = arith.maximumf %get3A_137, %max3A : vector<320x256xf32>
      %sub3A_301 = arith.subf %min3A_299, %max3A_300 : vector<320x256xf32>
      %max3A_302 = arith.constant 0.000000e+00 : f32
      %max3A_303 = vector.broadcast %max3A_302 : f32 to vector<320x256xf32>
      %max3A_304 = arith.maximumf %sub3A_301, %max3A_303 : vector<320x256xf32>
      %min3A_305 = vector.broadcast %get3A_282 : vector<1x256xf32> to vector<320x256xf32>
      %min3A_306 = arith.minimumf %get3A_146, %min3A_305 : vector<320x256xf32>
      %max3A_307 = vector.broadcast %get3A_276 : vector<1x256xf32> to vector<320x256xf32>
      %max3A_308 = arith.maximumf %get3A_140, %max3A_307 : vector<320x256xf32>
      %sub3A_309 = arith.subf %min3A_306, %max3A_308 : vector<320x256xf32>
      %max3A_310 = arith.constant 0.000000e+00 : f32
      %max3A_311 = vector.broadcast %max3A_310 : f32 to vector<320x256xf32>
      %max3A_312 = arith.maximumf %sub3A_309, %max3A_311 : vector<320x256xf32>
      %mul3A_313 = arith.mulf %max3A_304, %max3A_312 : vector<320x256xf32>
      %add3A_314 = vector.broadcast %get3A_291 : vector<1x256xf32> to vector<320x256xf32>
      %add3A_315 = arith.addf %get3A_149, %add3A_314 : vector<320x256xf32>
      %sub3A_316 = arith.subf %add3A_315, %mul3A_313 : vector<320x256xf32>
      %max3A_317 = arith.constant 9.99999993E-9 : f32
      %max3A_318 = vector.broadcast %max3A_317 : f32 to vector<320x256xf32>
      %max3A_319 = arith.maximumf %sub3A_316, %max3A_318 : vector<320x256xf32>
      %div3A = arith.divf %mul3A_313, %max3A_319 : vector<320x256xf32>
      %gt3A_320 = arith.constant 5.000000e-01 : f32
      %gt3A_321 = vector.broadcast %gt3A_320 : f32 to vector<320x256xf32>
      %gt3A_322 = arith.cmpf ogt, %div3A, %gt3A_321 : vector<320x256xf32>
      %ne3A = vector.broadcast %scan3A_270 : i32 to vector<320x256xi32>
      %ne3A_323 = arith.cmpi ne, %add3A_153, %ne3A : vector<320x256xi32>
      %and3A_324 = arith.andi %gt3A_322, %ne3A_323 : vector<320x256xi1>
      %and3A_325 = vector.broadcast %and3A_298 : vector<1x256xi1> to vector<320x256xi1>
      %and3A_326 = arith.andi %and3A_324, %and3A_325 : vector<320x256xi1>
      %get3A_327 = arith.constant 320 : index
      %get3A_328 = arith.constant 0 : index
      %get3A_329 = vector.load %arg7[%get3A_327, %get3A_328] : memref<640x256xf32, #tpu.memory_space<vmem>>, vector<320x256xf32>
      %jit3A_330 = arith.constant 0.000000e+00 : f32
      %broadcast_in_dim3A_331 = vector.broadcast %jit3A_330 : f32 to vector<320x256xf32>
      %select_n3A_332 = arith.select %and3A_326, %broadcast_in_dim3A_331, %get3A_329 : vector<320x256xi1>, vector<320x256xf32>
      %swap3A_333 = arith.constant 320 : index
      %swap3A_334 = arith.constant 0 : index
      %swap3A_335 = vector.load %arg7[%swap3A_333, %swap3A_334] : memref<640x256xf32, #tpu.memory_space<vmem>>, vector<320x256xf32>
      tpu.vector_store %arg7[%swap3A_333, %swap3A_334], %select_n3A_332 {strides = array<i32>} : memref<640x256xf32, #tpu.memory_space<vmem>>, vector<320x256xf32>,
    }
    %scan3A_158 = arith.constant 64 : i32
    %get3A_159 = arith.constant 384 : index
    %get3A_160 = arith.constant 0 : index
    %get3A_161 = vector.load %arg0[%get3A_159, %get3A_160] : memref<640x256xf32, #tpu.memory_space<vmem>>, vector<256x256xf32>
    %get3A_162 = arith.constant 384 : index
    %get3A_163 = arith.constant 0 : index
    %get3A_164 = vector.load %arg1[%get3A_162, %get3A_163] : memref<640x256xf32, #tpu.memory_space<vmem>>, vector<256x256xf32>
    %get3A_165 = arith.constant 384 : index
    %get3A_166 = arith.constant 0 : index
    %get3A_167 = vector.load %arg2[%get3A_165, %get3A_166] : memref<640x256xf32, #tpu.memory_space<vmem>>, vector<256x256xf32>
    %get3A_168 = arith.constant 384 : index
    %get3A_169 = arith.constant 0 : index
    %get3A_170 = vector.load %arg3[%get3A_168, %get3A_169] : memref<640x256xf32, #tpu.memory_space<vmem>>, vector<256x256xf32>
    %get3A_171 = arith.constant 384 : index
    %get3A_172 = arith.constant 0 : index
    %get3A_173 = vector.load %arg6[%get3A_171, %get3A_172] : memref<640x256xf32, #tpu.memory_space<vmem>>, vector<256x256xf32>
    %iota3A_174 = tpu.iota {dimensions = array<i32: 0>} : vector<256x256xi32>
    %add3A_175 = arith.constant 384 : i32
    %add3A_176 = vector.broadcast %add3A_175 : i32 to vector<256x256xi32>
    %add3A_177 = arith.addi %iota3A_174, %add3A_176 : vector<256x256xi32>
    %scan3A_178 = arith.constant 384 : i32
    %scan3A_179 = arith.constant 64 : i32
    %scan3A_180 = arith.addi %scan3A_178, %scan3A_179 : i32
    %scan3A_181 = arith.constant 1 : i32
    scf.for %scan3A_270 = %scan3A_178 to %scan3A_180 step %scan3A_181  : i32 {
      %get3A_271 = arith.index_cast %scan3A_270 : i32 to index
      %get3A_272 = arith.constant 0 : index
      %get3A_273 = vector.load %arg0[%get3A_271, %get3A_272] : memref<640x256xf32, #tpu.memory_space<vmem>>, vector<1x256xf32>
      %get3A_274 = arith.index_cast %scan3A_270 : i32 to index
      %get3A_275 = arith.constant 0 : index
      %get3A_276 = vector.load %arg1[%get3A_274, %get3A_275] : memref<640x256xf32, #tpu.memory_space<vmem>>, vector<1x256xf32>
      %get3A_277 = arith.index_cast %scan3A_270 : i32 to index
      %get3A_278 = arith.constant 0 : index
      %get3A_279 = vector.load %arg2[%get3A_277, %get3A_278] : memref<640x256xf32, #tpu.memory_space<vmem>>, vector<1x256xf32>
      %get3A_280 = arith.index_cast %scan3A_270 : i32 to index
      %get3A_281 = arith.constant 0 : index
      %get3A_282 = vector.load %arg3[%get3A_280, %get3A_281] : memref<640x256xf32, #tpu.memory_space<vmem>>, vector<1x256xf32>
      %get3A_283 = arith.index_cast %scan3A_270 : i32 to index
      %get3A_284 = arith.constant 0 : index
      %get3A_285 = vector.load %arg4[%get3A_283, %get3A_284] : memref<640x256xf32, #tpu.memory_space<vmem>>, vector<1x256xf32>
      %get3A_286 = arith.index_cast %scan3A_270 : i32 to index
      %get3A_287 = arith.constant 0 : index
      %get3A_288 = vector.load %arg7[%get3A_286, %get3A_287] : memref<640x256xf32, #tpu.memory_space<vmem>>, vector<1x256xf32>
      %get3A_289 = arith.index_cast %scan3A_270 : i32 to index
      %get3A_290 = arith.constant 0 : index
      %get3A_291 = vector.load %arg6[%get3A_289, %get3A_290] : memref<640x256xf32, #tpu.memory_space<vmem>>, vector<1x256xf32>
      %gt3A_292 = arith.constant 0.000000e+00 : f32
      %gt3A_293 = vector.broadcast %gt3A_292 : f32 to vector<1x256xf32>
      %gt3A_294 = arith.cmpf ogt, %get3A_288, %gt3A_293 : vector<1x256xf32>
      %gt3A_295 = arith.constant 5.000000e-01 : f32
      %gt3A_296 = vector.broadcast %gt3A_295 : f32 to vector<1x256xf32>
      %gt3A_297 = arith.cmpf ogt, %get3A_285, %gt3A_296 : vector<1x256xf32>
      %and3A_298 = arith.andi %gt3A_294, %gt3A_297 : vector<1x256xi1>
      %min3A = vector.broadcast %get3A_279 : vector<1x256xf32> to vector<256x256xf32>
      %min3A_299 = arith.minimumf %get3A_167, %min3A : vector<256x256xf32>
      %max3A = vector.broadcast %get3A_273 : vector<1x256xf32> to vector<256x256xf32>
      %max3A_300 = arith.maximumf %get3A_161, %max3A : vector<256x256xf32>
      %sub3A_301 = arith.subf %min3A_299, %max3A_300 : vector<256x256xf32>
      %max3A_302 = arith.constant 0.000000e+00 : f32
      %max3A_303 = vector.broadcast %max3A_302 : f32 to vector<256x256xf32>
      %max3A_304 = arith.maximumf %sub3A_301, %max3A_303 : vector<256x256xf32>
      %min3A_305 = vector.broadcast %get3A_282 : vector<1x256xf32> to vector<256x256xf32>
      %min3A_306 = arith.minimumf %get3A_170, %min3A_305 : vector<256x256xf32>
      %max3A_307 = vector.broadcast %get3A_276 : vector<1x256xf32> to vector<256x256xf32>
      %max3A_308 = arith.maximumf %get3A_164, %max3A_307 : vector<256x256xf32>
      %sub3A_309 = arith.subf %min3A_306, %max3A_308 : vector<256x256xf32>
      %max3A_310 = arith.constant 0.000000e+00 : f32
      %max3A_311 = vector.broadcast %max3A_310 : f32 to vector<256x256xf32>
      %max3A_312 = arith.maximumf %sub3A_309, %max3A_311 : vector<256x256xf32>
      %mul3A_313 = arith.mulf %max3A_304, %max3A_312 : vector<256x256xf32>
      %add3A_314 = vector.broadcast %get3A_291 : vector<1x256xf32> to vector<256x256xf32>
      %add3A_315 = arith.addf %get3A_173, %add3A_314 : vector<256x256xf32>
      %sub3A_316 = arith.subf %add3A_315, %mul3A_313 : vector<256x256xf32>
      %max3A_317 = arith.constant 9.99999993E-9 : f32
      %max3A_318 = vector.broadcast %max3A_317 : f32 to vector<256x256xf32>
      %max3A_319 = arith.maximumf %sub3A_316, %max3A_318 : vector<256x256xf32>
      %div3A = arith.divf %mul3A_313, %max3A_319 : vector<256x256xf32>
      %gt3A_320 = arith.constant 5.000000e-01 : f32
      %gt3A_321 = vector.broadcast %gt3A_320 : f32 to vector<256x256xf32>
      %gt3A_322 = arith.cmpf ogt, %div3A, %gt3A_321 : vector<256x256xf32>
      %ne3A = vector.broadcast %scan3A_270 : i32 to vector<256x256xi32>
      %ne3A_323 = arith.cmpi ne, %add3A_177, %ne3A : vector<256x256xi32>
      %and3A_324 = arith.andi %gt3A_322, %ne3A_323 : vector<256x256xi1>
      %and3A_325 = vector.broadcast %and3A_298 : vector<1x256xi1> to vector<256x256xi1>
      %and3A_326 = arith.andi %and3A_324, %and3A_325 : vector<256x256xi1>
      %get3A_327 = arith.constant 384 : index
      %get3A_328 = arith.constant 0 : index
      %get3A_329 = vector.load %arg7[%get3A_327, %get3A_328] : memref<640x256xf32, #tpu.memory_space<vmem>>, vector<256x256xf32>
      %jit3A_330 = arith.constant 0.000000e+00 : f32
      %broadcast_in_dim3A_331 = vector.broadcast %jit3A_330 : f32 to vector<256x256xf32>
      %select_n3A_332 = arith.select %and3A_326, %broadcast_in_dim3A_331, %get3A_329 : vector<256x256xi1>, vector<256x256xf32>
      %swap3A_333 = arith.constant 384 : index
      %swap3A_334 = arith.constant 0 : index
      %swap3A_335 = vector.load %arg7[%swap3A_333, %swap3A_334] : memref<640x256xf32, #tpu.memory_space<vmem>>, vector<256x256xf32>
      tpu.vector_store %arg7[%swap3A_333, %swap3A_334], %select_n3A_332 {strides = array<i32>} : memref<640x256xf32, #tpu.memory_space<vmem>>, vector<256x256xf32>,
    }
    %scan3A_182 = arith.constant 64 : i32
    %get3A_183 = arith.constant 448 : index
    %get3A_184 = arith.constant 0 : index
    %get3A_185 = vector.load %arg0[%get3A_183, %get3A_184] : memref<640x256xf32, #tpu.memory_space<vmem>>, vector<192x256xf32>
    %get3A_186 = arith.constant 448 : index
    %get3A_187 = arith.constant 0 : index
    %get3A_188 = vector.load %arg1[%get3A_186, %get3A_187] : memref<640x256xf32, #tpu.memory_space<vmem>>, vector<192x256xf32>
    %get3A_189 = arith.constant 448 : index
    %get3A_190 = arith.constant 0 : index
    %get3A_191 = vector.load %arg2[%get3A_189, %get3A_190] : memref<640x256xf32, #tpu.memory_space<vmem>>, vector<192x256xf32>
    %get3A_192 = arith.constant 448 : index
    %get3A_193 = arith.constant 0 : index
    %get3A_194 = vector.load %arg3[%get3A_192, %get3A_193] : memref<640x256xf32, #tpu.memory_space<vmem>>, vector<192x256xf32>
    %get3A_195 = arith.constant 448 : index
    %get3A_196 = arith.constant 0 : index
    %get3A_197 = vector.load %arg6[%get3A_195, %get3A_196] : memref<640x256xf32, #tpu.memory_space<vmem>>, vector<192x256xf32>
    %iota3A_198 = tpu.iota {dimensions = array<i32: 0>} : vector<192x256xi32>
    %add3A_199 = arith.constant 448 : i32
    %add3A_200 = vector.broadcast %add3A_199 : i32 to vector<192x256xi32>
    %add3A_201 = arith.addi %iota3A_198, %add3A_200 : vector<192x256xi32>
    %scan3A_202 = arith.constant 448 : i32
    %scan3A_203 = arith.constant 64 : i32
    %scan3A_204 = arith.addi %scan3A_202, %scan3A_203 : i32
    %scan3A_205 = arith.constant 1 : i32
    scf.for %scan3A_270 = %scan3A_202 to %scan3A_204 step %scan3A_205  : i32 {
      %get3A_271 = arith.index_cast %scan3A_270 : i32 to index
      %get3A_272 = arith.constant 0 : index
      %get3A_273 = vector.load %arg0[%get3A_271, %get3A_272] : memref<640x256xf32, #tpu.memory_space<vmem>>, vector<1x256xf32>
      %get3A_274 = arith.index_cast %scan3A_270 : i32 to index
      %get3A_275 = arith.constant 0 : index
      %get3A_276 = vector.load %arg1[%get3A_274, %get3A_275] : memref<640x256xf32, #tpu.memory_space<vmem>>, vector<1x256xf32>
      %get3A_277 = arith.index_cast %scan3A_270 : i32 to index
      %get3A_278 = arith.constant 0 : index
      %get3A_279 = vector.load %arg2[%get3A_277, %get3A_278] : memref<640x256xf32, #tpu.memory_space<vmem>>, vector<1x256xf32>
      %get3A_280 = arith.index_cast %scan3A_270 : i32 to index
      %get3A_281 = arith.constant 0 : index
      %get3A_282 = vector.load %arg3[%get3A_280, %get3A_281] : memref<640x256xf32, #tpu.memory_space<vmem>>, vector<1x256xf32>
      %get3A_283 = arith.index_cast %scan3A_270 : i32 to index
      %get3A_284 = arith.constant 0 : index
      %get3A_285 = vector.load %arg4[%get3A_283, %get3A_284] : memref<640x256xf32, #tpu.memory_space<vmem>>, vector<1x256xf32>
      %get3A_286 = arith.index_cast %scan3A_270 : i32 to index
      %get3A_287 = arith.constant 0 : index
      %get3A_288 = vector.load %arg7[%get3A_286, %get3A_287] : memref<640x256xf32, #tpu.memory_space<vmem>>, vector<1x256xf32>
      %get3A_289 = arith.index_cast %scan3A_270 : i32 to index
      %get3A_290 = arith.constant 0 : index
      %get3A_291 = vector.load %arg6[%get3A_289, %get3A_290] : memref<640x256xf32, #tpu.memory_space<vmem>>, vector<1x256xf32>
      %gt3A_292 = arith.constant 0.000000e+00 : f32
      %gt3A_293 = vector.broadcast %gt3A_292 : f32 to vector<1x256xf32>
      %gt3A_294 = arith.cmpf ogt, %get3A_288, %gt3A_293 : vector<1x256xf32>
      %gt3A_295 = arith.constant 5.000000e-01 : f32
      %gt3A_296 = vector.broadcast %gt3A_295 : f32 to vector<1x256xf32>
      %gt3A_297 = arith.cmpf ogt, %get3A_285, %gt3A_296 : vector<1x256xf32>
      %and3A_298 = arith.andi %gt3A_294, %gt3A_297 : vector<1x256xi1>
      %min3A = vector.broadcast %get3A_279 : vector<1x256xf32> to vector<192x256xf32>
      %min3A_299 = arith.minimumf %get3A_191, %min3A : vector<192x256xf32>
      %max3A = vector.broadcast %get3A_273 : vector<1x256xf32> to vector<192x256xf32>
      %max3A_300 = arith.maximumf %get3A_185, %max3A : vector<192x256xf32>
      %sub3A_301 = arith.subf %min3A_299, %max3A_300 : vector<192x256xf32>
      %max3A_302 = arith.constant 0.000000e+00 : f32
      %max3A_303 = vector.broadcast %max3A_302 : f32 to vector<192x256xf32>
      %max3A_304 = arith.maximumf %sub3A_301, %max3A_303 : vector<192x256xf32>
      %min3A_305 = vector.broadcast %get3A_282 : vector<1x256xf32> to vector<192x256xf32>
      %min3A_306 = arith.minimumf %get3A_194, %min3A_305 : vector<192x256xf32>
      %max3A_307 = vector.broadcast %get3A_276 : vector<1x256xf32> to vector<192x256xf32>
      %max3A_308 = arith.maximumf %get3A_188, %max3A_307 : vector<192x256xf32>
      %sub3A_309 = arith.subf %min3A_306, %max3A_308 : vector<192x256xf32>
      %max3A_310 = arith.constant 0.000000e+00 : f32
      %max3A_311 = vector.broadcast %max3A_310 : f32 to vector<192x256xf32>
      %max3A_312 = arith.maximumf %sub3A_309, %max3A_311 : vector<192x256xf32>
      %mul3A_313 = arith.mulf %max3A_304, %max3A_312 : vector<192x256xf32>
      %add3A_314 = vector.broadcast %get3A_291 : vector<1x256xf32> to vector<192x256xf32>
      %add3A_315 = arith.addf %get3A_197, %add3A_314 : vector<192x256xf32>
      %sub3A_316 = arith.subf %add3A_315, %mul3A_313 : vector<192x256xf32>
      %max3A_317 = arith.constant 9.99999993E-9 : f32
      %max3A_318 = vector.broadcast %max3A_317 : f32 to vector<192x256xf32>
      %max3A_319 = arith.maximumf %sub3A_316, %max3A_318 : vector<192x256xf32>
      %div3A = arith.divf %mul3A_313, %max3A_319 : vector<192x256xf32>
      %gt3A_320 = arith.constant 5.000000e-01 : f32
      %gt3A_321 = vector.broadcast %gt3A_320 : f32 to vector<192x256xf32>
      %gt3A_322 = arith.cmpf ogt, %div3A, %gt3A_321 : vector<192x256xf32>
      %ne3A = vector.broadcast %scan3A_270 : i32 to vector<192x256xi32>
      %ne3A_323 = arith.cmpi ne, %add3A_201, %ne3A : vector<192x256xi32>
      %and3A_324 = arith.andi %gt3A_322, %ne3A_323 : vector<192x256xi1>
      %and3A_325 = vector.broadcast %and3A_298 : vector<1x256xi1> to vector<192x256xi1>
      %and3A_326 = arith.andi %and3A_324, %and3A_325 : vector<192x256xi1>
      %get3A_327 = arith.constant 448 : index
      %get3A_328 = arith.constant 0 : index
      %get3A_329 = vector.load %arg7[%get3A_327, %get3A_328] : memref<640x256xf32, #tpu.memory_space<vmem>>, vector<192x256xf32>
      %jit3A_330 = arith.constant 0.000000e+00 : f32
      %broadcast_in_dim3A_331 = vector.broadcast %jit3A_330 : f32 to vector<192x256xf32>
      %select_n3A_332 = arith.select %and3A_326, %broadcast_in_dim3A_331, %get3A_329 : vector<192x256xi1>, vector<192x256xf32>
      %swap3A_333 = arith.constant 448 : index
      %swap3A_334 = arith.constant 0 : index
      %swap3A_335 = vector.load %arg7[%swap3A_333, %swap3A_334] : memref<640x256xf32, #tpu.memory_space<vmem>>, vector<192x256xf32>
      tpu.vector_store %arg7[%swap3A_333, %swap3A_334], %select_n3A_332 {strides = array<i32>} : memref<640x256xf32, #tpu.memory_space<vmem>>, vector<192x256xf32>,
    }
    %scan3A_206 = arith.constant 64 : i32
    %get3A_207 = arith.constant 512 : index
    %get3A_208 = arith.constant 0 : index
    %get3A_209 = vector.load %arg0[%get3A_207, %get3A_208] : memref<640x256xf32, #tpu.memory_space<vmem>>, vector<128x256xf32>
    %get3A_210 = arith.constant 512 : index
    %get3A_211 = arith.constant 0 : index
    %get3A_212 = vector.load %arg1[%get3A_210, %get3A_211] : memref<640x256xf32, #tpu.memory_space<vmem>>, vector<128x256xf32>
    %get3A_213 = arith.constant 512 : index
    %get3A_214 = arith.constant 0 : index
    %get3A_215 = vector.load %arg2[%get3A_213, %get3A_214] : memref<640x256xf32, #tpu.memory_space<vmem>>, vector<128x256xf32>
    %get3A_216 = arith.constant 512 : index
    %get3A_217 = arith.constant 0 : index
    %get3A_218 = vector.load %arg3[%get3A_216, %get3A_217] : memref<640x256xf32, #tpu.memory_space<vmem>>, vector<128x256xf32>
    %get3A_219 = arith.constant 512 : index
    %get3A_220 = arith.constant 0 : index
    %get3A_221 = vector.load %arg6[%get3A_219, %get3A_220] : memref<640x256xf32, #tpu.memory_space<vmem>>, vector<128x256xf32>
    %iota3A_222 = tpu.iota {dimensions = array<i32: 0>} : vector<128x256xi32>
    %add3A_223 = arith.constant 512 : i32
    %add3A_224 = vector.broadcast %add3A_223 : i32 to vector<128x256xi32>
    %add3A_225 = arith.addi %iota3A_222, %add3A_224 : vector<128x256xi32>
    %scan3A_226 = arith.constant 512 : i32
    %scan3A_227 = arith.constant 64 : i32
    %scan3A_228 = arith.addi %scan3A_226, %scan3A_227 : i32
    %scan3A_229 = arith.constant 1 : i32
    scf.for %scan3A_270 = %scan3A_226 to %scan3A_228 step %scan3A_229  : i32 {
      %get3A_271 = arith.index_cast %scan3A_270 : i32 to index
      %get3A_272 = arith.constant 0 : index
      %get3A_273 = vector.load %arg0[%get3A_271, %get3A_272] : memref<640x256xf32, #tpu.memory_space<vmem>>, vector<1x256xf32>
      %get3A_274 = arith.index_cast %scan3A_270 : i32 to index
      %get3A_275 = arith.constant 0 : index
      %get3A_276 = vector.load %arg1[%get3A_274, %get3A_275] : memref<640x256xf32, #tpu.memory_space<vmem>>, vector<1x256xf32>
      %get3A_277 = arith.index_cast %scan3A_270 : i32 to index
      %get3A_278 = arith.constant 0 : index
      %get3A_279 = vector.load %arg2[%get3A_277, %get3A_278] : memref<640x256xf32, #tpu.memory_space<vmem>>, vector<1x256xf32>
      %get3A_280 = arith.index_cast %scan3A_270 : i32 to index
      %get3A_281 = arith.constant 0 : index
      %get3A_282 = vector.load %arg3[%get3A_280, %get3A_281] : memref<640x256xf32, #tpu.memory_space<vmem>>, vector<1x256xf32>
      %get3A_283 = arith.index_cast %scan3A_270 : i32 to index
      %get3A_284 = arith.constant 0 : index
      %get3A_285 = vector.load %arg4[%get3A_283, %get3A_284] : memref<640x256xf32, #tpu.memory_space<vmem>>, vector<1x256xf32>
      %get3A_286 = arith.index_cast %scan3A_270 : i32 to index
      %get3A_287 = arith.constant 0 : index
      %get3A_288 = vector.load %arg7[%get3A_286, %get3A_287] : memref<640x256xf32, #tpu.memory_space<vmem>>, vector<1x256xf32>
      %get3A_289 = arith.index_cast %scan3A_270 : i32 to index
      %get3A_290 = arith.constant 0 : index
      %get3A_291 = vector.load %arg6[%get3A_289, %get3A_290] : memref<640x256xf32, #tpu.memory_space<vmem>>, vector<1x256xf32>
      %gt3A_292 = arith.constant 0.000000e+00 : f32
      %gt3A_293 = vector.broadcast %gt3A_292 : f32 to vector<1x256xf32>
      %gt3A_294 = arith.cmpf ogt, %get3A_288, %gt3A_293 : vector<1x256xf32>
      %gt3A_295 = arith.constant 5.000000e-01 : f32
      %gt3A_296 = vector.broadcast %gt3A_295 : f32 to vector<1x256xf32>
      %gt3A_297 = arith.cmpf ogt, %get3A_285, %gt3A_296 : vector<1x256xf32>
      %and3A_298 = arith.andi %gt3A_294, %gt3A_297 : vector<1x256xi1>
      %min3A = vector.broadcast %get3A_279 : vector<1x256xf32> to vector<128x256xf32>
      %min3A_299 = arith.minimumf %get3A_215, %min3A : vector<128x256xf32>
      %max3A = vector.broadcast %get3A_273 : vector<1x256xf32> to vector<128x256xf32>
      %max3A_300 = arith.maximumf %get3A_209, %max3A : vector<128x256xf32>
      %sub3A_301 = arith.subf %min3A_299, %max3A_300 : vector<128x256xf32>
      %max3A_302 = arith.constant 0.000000e+00 : f32
      %max3A_303 = vector.broadcast %max3A_302 : f32 to vector<128x256xf32>
      %max3A_304 = arith.maximumf %sub3A_301, %max3A_303 : vector<128x256xf32>
      %min3A_305 = vector.broadcast %get3A_282 : vector<1x256xf32> to vector<128x256xf32>
      %min3A_306 = arith.minimumf %get3A_218, %min3A_305 : vector<128x256xf32>
      %max3A_307 = vector.broadcast %get3A_276 : vector<1x256xf32> to vector<128x256xf32>
      %max3A_308 = arith.maximumf %get3A_212, %max3A_307 : vector<128x256xf32>
      %sub3A_309 = arith.subf %min3A_306, %max3A_308 : vector<128x256xf32>
      %max3A_310 = arith.constant 0.000000e+00 : f32
      %max3A_311 = vector.broadcast %max3A_310 : f32 to vector<128x256xf32>
      %max3A_312 = arith.maximumf %sub3A_309, %max3A_311 : vector<128x256xf32>
      %mul3A_313 = arith.mulf %max3A_304, %max3A_312 : vector<128x256xf32>
      %add3A_314 = vector.broadcast %get3A_291 : vector<1x256xf32> to vector<128x256xf32>
      %add3A_315 = arith.addf %get3A_221, %add3A_314 : vector<128x256xf32>
      %sub3A_316 = arith.subf %add3A_315, %mul3A_313 : vector<128x256xf32>
      %max3A_317 = arith.constant 9.99999993E-9 : f32
      %max3A_318 = vector.broadcast %max3A_317 : f32 to vector<128x256xf32>
      %max3A_319 = arith.maximumf %sub3A_316, %max3A_318 : vector<128x256xf32>
      %div3A = arith.divf %mul3A_313, %max3A_319 : vector<128x256xf32>
      %gt3A_320 = arith.constant 5.000000e-01 : f32
      %gt3A_321 = vector.broadcast %gt3A_320 : f32 to vector<128x256xf32>
      %gt3A_322 = arith.cmpf ogt, %div3A, %gt3A_321 : vector<128x256xf32>
      %ne3A = vector.broadcast %scan3A_270 : i32 to vector<128x256xi32>
      %ne3A_323 = arith.cmpi ne, %add3A_225, %ne3A : vector<128x256xi32>
      %and3A_324 = arith.andi %gt3A_322, %ne3A_323 : vector<128x256xi1>
      %and3A_325 = vector.broadcast %and3A_298 : vector<1x256xi1> to vector<128x256xi1>
      %and3A_326 = arith.andi %and3A_324, %and3A_325 : vector<128x256xi1>
      %get3A_327 = arith.constant 512 : index
      %get3A_328 = arith.constant 0 : index
      %get3A_329 = vector.load %arg7[%get3A_327, %get3A_328] : memref<640x256xf32, #tpu.memory_space<vmem>>, vector<128x256xf32>
      %jit3A_330 = arith.constant 0.000000e+00 : f32
      %broadcast_in_dim3A_331 = vector.broadcast %jit3A_330 : f32 to vector<128x256xf32>
      %select_n3A_332 = arith.select %and3A_326, %broadcast_in_dim3A_331, %get3A_329 : vector<128x256xi1>, vector<128x256xf32>
      %swap3A_333 = arith.constant 512 : index
      %swap3A_334 = arith.constant 0 : index
      %swap3A_335 = vector.load %arg7[%swap3A_333, %swap3A_334] : memref<640x256xf32, #tpu.memory_space<vmem>>, vector<128x256xf32>
      tpu.vector_store %arg7[%swap3A_333, %swap3A_334], %select_n3A_332 {strides = array<i32>} : memref<640x256xf32, #tpu.memory_space<vmem>>, vector<128x256xf32>,
    }
    %scan3A_230 = arith.constant 64 : i32
    %get3A_231 = arith.constant 576 : index
    %get3A_232 = arith.constant 0 : index
    %get3A_233 = vector.load %arg0[%get3A_231, %get3A_232] : memref<640x256xf32, #tpu.memory_space<vmem>>, vector<64x256xf32>
    %get3A_234 = arith.constant 576 : index
    %get3A_235 = arith.constant 0 : index
    %get3A_236 = vector.load %arg1[%get3A_234, %get3A_235] : memref<640x256xf32, #tpu.memory_space<vmem>>, vector<64x256xf32>
    %get3A_237 = arith.constant 576 : index
    %get3A_238 = arith.constant 0 : index
    %get3A_239 = vector.load %arg2[%get3A_237, %get3A_238] : memref<640x256xf32, #tpu.memory_space<vmem>>, vector<64x256xf32>
    %get3A_240 = arith.constant 576 : index
    %get3A_241 = arith.constant 0 : index
    %get3A_242 = vector.load %arg3[%get3A_240, %get3A_241] : memref<640x256xf32, #tpu.memory_space<vmem>>, vector<64x256xf32>
    %get3A_243 = arith.constant 576 : index
    %get3A_244 = arith.constant 0 : index
    %get3A_245 = vector.load %arg6[%get3A_243, %get3A_244] : memref<640x256xf32, #tpu.memory_space<vmem>>, vector<64x256xf32>
    %iota3A_246 = tpu.iota {dimensions = array<i32: 0>} : vector<64x256xi32>
    %add3A_247 = arith.constant 576 : i32
    %add3A_248 = vector.broadcast %add3A_247 : i32 to vector<64x256xi32>
    %add3A_249 = arith.addi %iota3A_246, %add3A_248 : vector<64x256xi32>
    %scan3A_250 = arith.constant 576 : i32
    %scan3A_251 = arith.constant 24 : i32
    %scan3A_252 = arith.addi %scan3A_250, %scan3A_251 : i32
    %scan3A_253 = arith.constant 1 : i32
    scf.for %scan3A_270 = %scan3A_250 to %scan3A_252 step %scan3A_253  : i32 {
      %get3A_271 = arith.index_cast %scan3A_270 : i32 to index
      %get3A_272 = arith.constant 0 : index
      %get3A_273 = vector.load %arg0[%get3A_271, %get3A_272] : memref<640x256xf32, #tpu.memory_space<vmem>>, vector<1x256xf32>
      %get3A_274 = arith.index_cast %scan3A_270 : i32 to index
      %get3A_275 = arith.constant 0 : index
      %get3A_276 = vector.load %arg1[%get3A_274, %get3A_275] : memref<640x256xf32, #tpu.memory_space<vmem>>, vector<1x256xf32>
      %get3A_277 = arith.index_cast %scan3A_270 : i32 to index
      %get3A_278 = arith.constant 0 : index
      %get3A_279 = vector.load %arg2[%get3A_277, %get3A_278] : memref<640x256xf32, #tpu.memory_space<vmem>>, vector<1x256xf32>
      %get3A_280 = arith.index_cast %scan3A_270 : i32 to index
      %get3A_281 = arith.constant 0 : index
      %get3A_282 = vector.load %arg3[%get3A_280, %get3A_281] : memref<640x256xf32, #tpu.memory_space<vmem>>, vector<1x256xf32>
      %get3A_283 = arith.index_cast %scan3A_270 : i32 to index
      %get3A_284 = arith.constant 0 : index
      %get3A_285 = vector.load %arg4[%get3A_283, %get3A_284] : memref<640x256xf32, #tpu.memory_space<vmem>>, vector<1x256xf32>
      %get3A_286 = arith.index_cast %scan3A_270 : i32 to index
      %get3A_287 = arith.constant 0 : index
      %get3A_288 = vector.load %arg7[%get3A_286, %get3A_287] : memref<640x256xf32, #tpu.memory_space<vmem>>, vector<1x256xf32>
      %get3A_289 = arith.index_cast %scan3A_270 : i32 to index
      %get3A_290 = arith.constant 0 : index
      %get3A_291 = vector.load %arg6[%get3A_289, %get3A_290] : memref<640x256xf32, #tpu.memory_space<vmem>>, vector<1x256xf32>
      %gt3A_292 = arith.constant 0.000000e+00 : f32
      %gt3A_293 = vector.broadcast %gt3A_292 : f32 to vector<1x256xf32>
      %gt3A_294 = arith.cmpf ogt, %get3A_288, %gt3A_293 : vector<1x256xf32>
      %gt3A_295 = arith.constant 5.000000e-01 : f32
      %gt3A_296 = vector.broadcast %gt3A_295 : f32 to vector<1x256xf32>
      %gt3A_297 = arith.cmpf ogt, %get3A_285, %gt3A_296 : vector<1x256xf32>
      %and3A_298 = arith.andi %gt3A_294, %gt3A_297 : vector<1x256xi1>
      %min3A = vector.broadcast %get3A_279 : vector<1x256xf32> to vector<64x256xf32>
      %min3A_299 = arith.minimumf %get3A_239, %min3A : vector<64x256xf32>
      %max3A = vector.broadcast %get3A_273 : vector<1x256xf32> to vector<64x256xf32>
      %max3A_300 = arith.maximumf %get3A_233, %max3A : vector<64x256xf32>
      %sub3A_301 = arith.subf %min3A_299, %max3A_300 : vector<64x256xf32>
      %max3A_302 = arith.constant 0.000000e+00 : f32
      %max3A_303 = vector.broadcast %max3A_302 : f32 to vector<64x256xf32>
      %max3A_304 = arith.maximumf %sub3A_301, %max3A_303 : vector<64x256xf32>
      %min3A_305 = vector.broadcast %get3A_282 : vector<1x256xf32> to vector<64x256xf32>
      %min3A_306 = arith.minimumf %get3A_242, %min3A_305 : vector<64x256xf32>
      %max3A_307 = vector.broadcast %get3A_276 : vector<1x256xf32> to vector<64x256xf32>
      %max3A_308 = arith.maximumf %get3A_236, %max3A_307 : vector<64x256xf32>
      %sub3A_309 = arith.subf %min3A_306, %max3A_308 : vector<64x256xf32>
      %max3A_310 = arith.constant 0.000000e+00 : f32
      %max3A_311 = vector.broadcast %max3A_310 : f32 to vector<64x256xf32>
      %max3A_312 = arith.maximumf %sub3A_309, %max3A_311 : vector<64x256xf32>
      %mul3A_313 = arith.mulf %max3A_304, %max3A_312 : vector<64x256xf32>
      %add3A_314 = vector.broadcast %get3A_291 : vector<1x256xf32> to vector<64x256xf32>
      %add3A_315 = arith.addf %get3A_245, %add3A_314 : vector<64x256xf32>
      %sub3A_316 = arith.subf %add3A_315, %mul3A_313 : vector<64x256xf32>
      %max3A_317 = arith.constant 9.99999993E-9 : f32
      %max3A_318 = vector.broadcast %max3A_317 : f32 to vector<64x256xf32>
      %max3A_319 = arith.maximumf %sub3A_316, %max3A_318 : vector<64x256xf32>
      %div3A = arith.divf %mul3A_313, %max3A_319 : vector<64x256xf32>
      %gt3A_320 = arith.constant 5.000000e-01 : f32
      %gt3A_321 = vector.broadcast %gt3A_320 : f32 to vector<64x256xf32>
      %gt3A_322 = arith.cmpf ogt, %div3A, %gt3A_321 : vector<64x256xf32>
      %ne3A = vector.broadcast %scan3A_270 : i32 to vector<64x256xi32>
      %ne3A_323 = arith.cmpi ne, %add3A_249, %ne3A : vector<64x256xi32>
      %and3A_324 = arith.andi %gt3A_322, %ne3A_323 : vector<64x256xi1>
      %and3A_325 = vector.broadcast %and3A_298 : vector<1x256xi1> to vector<64x256xi1>
      %and3A_326 = arith.andi %and3A_324, %and3A_325 : vector<64x256xi1>
      %get3A_327 = arith.constant 576 : index
      %get3A_328 = arith.constant 0 : index
      %get3A_329 = vector.load %arg7[%get3A_327, %get3A_328] : memref<640x256xf32, #tpu.memory_space<vmem>>, vector<64x256xf32>
      %jit3A_330 = arith.constant 0.000000e+00 : f32
      %broadcast_in_dim3A_331 = vector.broadcast %jit3A_330 : f32 to vector<64x256xf32>
      %select_n3A_332 = arith.select %and3A_326, %broadcast_in_dim3A_331, %get3A_329 : vector<64x256xi1>, vector<64x256xf32>
      %swap3A_333 = arith.constant 576 : index
      %swap3A_334 = arith.constant 0 : index
      %swap3A_335 = vector.load %arg7[%swap3A_333, %swap3A_334] : memref<640x256xf32, #tpu.memory_space<vmem>>, vector<64x256xf32>
      tpu.vector_store %arg7[%swap3A_333, %swap3A_334], %select_n3A_332 {strides = array<i32>} : memref<640x256xf32, #tpu.memory_space<vmem>>, vector<64x256xf32>,
    }
    %scan3A_254 = arith.constant 24 : i32
    %get3A_255 = arith.constant 0 : index
    %get3A_256 = arith.constant 0 : index
    %get3A_257 = vector.load %arg4[%get3A_255, %get3A_256] : memref<640x256xf32, #tpu.memory_space<vmem>>, vector<640x256xf32>
    %get3A_258 = arith.constant 0 : index
    %get3A_259 = arith.constant 0 : index
    %get3A_260 = vector.load %arg7[%get3A_258, %get3A_259] : memref<640x256xf32, #tpu.memory_space<vmem>>, vector<640x256xf32>
    %gt3A = arith.constant 0.000000e+00 : f32
    %gt3A_261 = vector.broadcast %gt3A : f32 to vector<640x256xf32>
    %gt3A_262 = arith.cmpf ogt, %get3A_260, %gt3A_261 : vector<640x256xf32>
    %gt3A_263 = arith.constant 5.000000e-01 : f32
    %gt3A_264 = vector.broadcast %gt3A_263 : f32 to vector<640x256xf32>
    %gt3A_265 = arith.cmpf ogt, %get3A_257, %gt3A_264 : vector<640x256xf32>
    %and3A = arith.andi %gt3A_262, %gt3A_265 : vector<640x256xi1>
    %jit3A = arith.constant -1.000000e+00 : f32
    %broadcast_in_dim3A_266 = vector.broadcast %jit3A : f32 to vector<640x256xf32>
    %select_n3A = arith.select %and3A, %get3A_257, %broadcast_in_dim3A_266 : vector<640x256xi1>, vector<640x256xf32>
    %swap3A_267 = arith.constant 0 : index
    %swap3A_268 = arith.constant 0 : index
    %swap3A_269 = vector.load %arg5[%swap3A_267, %swap3A_268] : memref<640x256xf32, #tpu.memory_space<vmem>>, vector<640x256xf32>
    tpu.vector_store %arg5[%swap3A_267, %swap3A_268], %select_n3A {strides = array<i32>} : memref<640x256xf32, #tpu.memory_space<vmem>>, vector<640x256xf32>,
    return
  }
}

</mosaic_0001>

<sc_bundles>
// kernel: gather_offload_async_start.1
scs
__scs_entry_jumppad:
0x0: {  	(pc) =	sbr.rel $0x88, $3  }
0x1: {  	(tag) =	ssettag $0x0;
	lr =	simm.s32 $0x1  }
0x2: {  	[smem:$0x3F9E] =	sst lr;
	_ =	strace $0xD0000000  }
0x3: {  	_ = 	snop  }
0x4: {  	_ = 	snop  }
0x5: {  	_ = 	snop  }
0x6: {  	_ = 	snop  }
0x7: {  	_ = 	snop  }
__scs_overlays_trampoline_lowered:
0x8: {  	[smem:$0x3FAD] =	sst s0  }
0x9: {  	[smem:$0x3FAE] =	sst s1  }
0xa: {  	[smem:$0x3FAF] =	sst s2  }
0xb: {  	[smem:$0x3FB0] =	sst s3  }
0xc: {  	[smem:$0x3FB1] =	sst s4  }
0xd: {  	[smem:$0x3FB2] =	sst s5  }
0xe: {  	[smem:$0x3FB3] =	sst s6  }
0xf: {  	[smem:$0x3FB4] =	sst s7  }
0x10: {  	[smem:$0x3FB5] =	sst s8  }
0x11: {  	[smem:$0x3FB6] =	sst s9;
	s0 =	simm.s32 @!p0 $0x0  }
0x12: {  	s1 =	sld [smem:$0x3F9C];
	s0 =	simm.s32 @p0 $0x1  }
0x13: {  	[smem:$0x3FB7] =	sst s0;
	s0 =	simm.s32 @!p1 $0x0  }
0x14: {  	s2 =	sld [smem:$0x3F9B];
	s0 =	simm.s32 @p1 $0x1  }
0x15: {  	[smem:$0x3FB8] =	sst s0;
	s0 =	simm.s32 @!p2 $0x0  }
0x16: {  	s3 =	sld [smem:$0x3FDB];
	s0 =	simm.s32 @p2 $0x1  }
0x17: {  	s4 =	simm.s32 $0x1BF5;
	[smem:$0x3FBA] =	sst s0  }
0x18: {  	s0 =	sld [smem:$0x3F9D];
	_ =	swait.ge [sflag:s4], $0x0  }
0x19: {  	s7 =	sld [smem:$0x3F9E]  }
0x1a: {  	s8 =	sadd.s32 $0xFFFFE003, lr  }
0x1b: {  	s9 =	sadd.s32 $0xFFFFFEF7, lr;
	s5 =	simm.s32 $0xFFFFFFFF;
	p2 =	slt.u32 s8, $0xFFFFF086  }
0x1c: {  	p1 =	slt.u32 s9, $0xF7A;
	s5 =	simm.s32 @!p2 $0x0  }
0x1d: {  	s5 =	simm.s32 @p1 $0x1;
	p0 =	seq.s32 s7, s2  }
0x1e: {  	s7 =	smul.u32 @!p0 $0xF7A, s2;
	p2 =	seq.s32 @!p0 s5, $0x0  }
0x1f: {  	s9 =	smul.u32 $0xF7A, s1;
	s8 =	simm.s32 @!p0 $0x1BF5;
	p2 =	por !p2, p0  }
0x20: {  	[sflag:s8] =	ssyncset.s32 @!p0 $0xFFFFF086;
	s6 =	sadd.s32 @!p0 s3, s7;
	s7 =	simm.s32 @!p0 $0x108  }
0x21: {  	s3 =	sadd.s32 s3, s9;
	s6 =	sadd.s32 @!p0 $0x88, s6;
	s7 =	simm.s32 @p2 $0x1082  }
0x22: {  	[simem:s7], [sflag:s8] =	dma.local @!p0 [hbm:s6], $0xF7A  }
0x23: {  	s9 =	sor.u32 $0xD0000000, s2;
	s6 =	simm.s32 $0x108;
	_ =	swait.ge @!p0 [sflag:s8], $0x0  }
0x24: {  	s3 =	sadd.s32 $0x88, s3;
	s6 =	simm.s32 @!p1 $0x1082;
	[sflag:s4] =	ssyncset.s32 $0xFFFFF086  }
0x25: {  	[simem:s6], [sflag:s4] =	dma.local [hbm:s3], $0xF7A  }
0x26: {  	[smem:$0x3F9E] =	sst s1;
	(tag) =	ssettag s2;
	_ =	strace s9  }
0x27: {  	s1 =	sld [smem:$0x3FAE]  }
0x28: {  	s2 =	sld [smem:$0x3FAF]  }
0x29: {  	s4 =	sld [smem:$0x3FB1]  }
0x2a: {  	p0 =	seq.s32 s5, $0x0;
	s5 =	sld [smem:$0x3FB2]  }
0x2b: {  	s6 =	sld [smem:$0x3FB3]  }
0x2c: {  	s7 =	sld [smem:$0x3FB4]  }
0x2d: {  	s3 =	simm.s32 $0x108;
	s8 =	sld [smem:$0x3FB5]  }
0x2e: {  	s3 =	simm.s32 @!p0 $0x1082;
	s9 =	sld [smem:$0x3FB6]  }
0x2f: {  	lr =	sadd.s32 s0, s3;
	s0 =	sld [smem:$0x3FAD]  }
0x30: {  	s3 =	sld [smem:$0x3FB0]  }
0x31: {  	[smem:$0x3FB9] =	sst s10  }
0x32: {  	s10 =	sld [smem:$0x3FB7];
	_ =	sdelay $0x3  }
0x33: {  	p0 =	seq.s32 s10, $0x1;
	s10 =	sld [smem:$0x3FB9];
	_ =	sdelay $0x3  }
0x34: {  	[smem:$0x3FB9] =	sst s10  }
0x35: {  	s10 =	sld [smem:$0x3FB8];
	_ =	sdelay $0x3  }
0x36: {  	p1 =	seq.s32 s10, $0x1;
	s10 =	sld [smem:$0x3FB9];
	_ =	sdelay $0x3  }
0x37: {  	[smem:$0x3FB9] =	sst s10  }
0x38: {  	s10 =	sld [smem:$0x3FBA]  }
0x39: {  	_ = 	snop;
	(pc) =	sbr.ind lr, $3  }
0x3a: {  	_ = 	snop  }
0x3b: {  	_ = 	snop  }
0x3c: {  	p2 =	seq.s32 s10, $0x1;
	s10 =	sld [smem:$0x3FB9]  }
0x3d: {  	_ =	shalt  }
0x3e: {  	_ =	shalt  }
0x3f: {  	_ =	shalt  }
0x40: {  	_ =	shalt  }
0x41: {  	_ =	shalt  }
0x42: {  	_ =	shalt  }
0x43: {  	_ =	shalt  }
0x44: {  	_ =	shalt  }
0x45: {  	_ =	shalt  }
0x46: {  	_ =	shalt  }
0x47: {  	_ =	shalt  }
0x48: {  	_ =	shalt  }
0x49: {  	_ =	shalt  }
0x4a: {  	_ =	shalt  }
0x4b: {  	_ =	shalt  }
0x4c: {  	_ =	shalt  }
0x4d: {  	_ =	shalt  }
0x4e: {  	_ =	shalt  }
0x4f: {  	_ =	shalt  }
0x50: {  	_ =	shalt  }
0x51: {  	_ =	shalt  }
0x52: {  	_ =	shalt  }
0x53: {  	_ =	shalt  }
0x54: {  	_ =	shalt  }
0x55: {  	_ =	shalt  }
0x56: {  	_ =	shalt  }
0x57: {  	_ =	shalt  }
0x58: {  	_ =	shalt  }
0x59: {  	_ =	shalt  }
0x5a: {  	_ =	shalt  }
0x5b: {  	_ =	shalt  }
0x5c: {  	_ =	shalt  }
0x5d: {  	_ =	shalt  }
0x5e: {  	_ =	shalt  }
0x5f: {  	_ =	shalt  }
0x60: {  	_ =	shalt  }
0x61: {  	_ =	shalt  }
0x62: {  	_ =	shalt  }
0x63: {  	_ =	shalt  }
0x64: {  	_ =	shalt  }
0x65: {  	_ =	shalt  }
0x66: {  	_ =	shalt  }
0x67: {  	_ =	shalt  }
0x68: {  	_ =	shalt  }
0x69: {  	_ =	shalt  }
0x6a: {  	_ =	shalt  }
0x6b: {  	_ =	shalt  }
0x6c: {  	_ =	shalt  }
0x6d: {  	_ =	shalt  }
0x6e: {  	_ =	shalt  }
0x6f: {  	_ =	shalt  }
0x70: {  	_ =	shalt  }
0x71: {  	_ =	shalt  }
0x72: {  	_ =	shalt  }
0x73: {  	_ =	shalt  }
0x74: {  	_ =	shalt  }
0x75: {  	_ =	shalt  }
0x76: {  	_ =	shalt  }
0x77: {  	_ =	shalt  }
0x78: {  	_ =	shalt  }
0x79: {  	_ =	shalt  }
0x7a: {  	_ =	shalt  }
0x7b: {  	_ =	shalt  }
0x7c: {  	_ =	shalt  }
0x7d: {  	_ =	shalt  }
0x7e: {  	_ =	shalt  }
0x7f: {  	_ =	shalt  }
0x80: {  	_ =	shalt  }
0x81: {  	_ =	shalt  }
0x82: {  	_ =	shalt  }
0x83: {  	_ =	shalt  }
0x84: {  	_ =	shalt  }
0x85: {  	_ =	shalt  }
0x86: {  	_ =	shalt  }
0x87: {  	_ =	shalt  }
.Lfunc_end0:
.L_simem_size_0:
called_computation.1_lowered:
.L_overlay_start_0:
0x88: {  	s2 =	sld [smem:$0x3FD9]  }
0x89: {  	s3 =	sld [smem:$0x3FFE];
	_ =	sdelay $0x1  }
0x8a: {  	s1 =	srdreg.scid  }
0x8b: {  	s0 =	sand.u32 $0x1, s1  }
0x8c: {  	s14 =	sshll.u32 s0, $0xA;
	s2 =	sadd.s32 s3, s2  }
0x8d: {  	s2 =	sadd.s32 s2, s14  }
0x8e: {  	[smem:$0x3FC5] =	sst s2  }
0x8f: {  	_ = 	snop  }
0x90: {  	s2 =	sld [smem:$0x3FD0];
	_ =	sdelay $0x2  }
0x91: {  	s15 =	simm.s32 $0xB;
	s4 =	simm.s32 $0x10  }
0x92: {  	[smem:s4], [sflag:s15] =	dma.local [hbm:s2], $0x1  }
0x93: {  	_ =	swait.eq [sflag:s15], $0x1  }
0x94: {  	[sflag:s15] =	ssyncset.done $0x0  }
0x95: {  	[sflag:s15] =	ssyncadd.s32 $0xFFFFFFFF  }
0x96: {  	s16 =	sld [smem:$0x11];
	(tm) =	ssettm $0x1  }
0x97: {  	s17 =	sld [smem:$0x3FFB];
	_ =	sdelay $0x3  }
0x98: {  	_ =	strace s17  }
0x99: {  	s3 =	sld [smem:$0x3FFC];
	_ =	sdelay $0x3  }
0x9a: {  	_ =	strace s3  }
0x9b: {  	s3 =	sld [smem:$0x3FFD];
	_ =	sdelay $0x3  }
0x9c: {  	_ =	strace s3  }
0x9d: {  	_ =	strace $0x8FFFFFFF  }
0x9e: {  	s18 =	sld [smem:$0x3FDB];
	_ =	sdelay $0x1  }
0x9f: {  	s19 =	simm.s32 $_scs_section_size  }
0xa0: {  	s5 =	simm.s32 $_size__tile_overlayer_lowered;
	s6 =	simm.s32 $_tile_overlayer_lowered  }
0xa1: {  	s22 =	simm.s32 $0x1BFF;
	s21 =	sshll.u32 s6, $0x1;
	s3 =	sadd.s32 s19, s18  }
0xa2: {  	s7 =	simm.s32 $0x0;
	s20 =	sshll.u32 s5, $0x1;
	s5 =	sadd.s32 s21, s3  }
0xa3: {  	[timem:s7], [sflag:s22] =	dma.local [hbm:s5], s20  }
0xa4: {  	_ =	swait.ge [sflag:s22], s20  }
0xa5: {  	s4 =	ssub.s32 $0x0, s20;
	[sflag:s22] =	ssyncset.done $0x0  }
0xa6: {  	[sflag:s22] =	ssyncadd.s32 s4;
	_ =	sdelay $0x1  }
0xa7: {  	s23 =	simm.s32 $0x1B8B  }
0xa8: {  	_ =	swait.ge [sflag:s23], $0x1  }
0xa9: {  	[sflag:s23] =	ssyncset.done $0x0  }
0xaa: {  	s25 =	simm.s32 $0x1B8E;
	s24 =	sld [smem:$0x3FFE];
	[sflag:s23] =	ssyncadd.s32 $0xFFFFFFFF  }
0xab: {  	s26 =	simm.s32 $execute0_lowered;
	[smem:$0x3FD2] =	sst s25  }
0xac: {  	s5 =	sshll.u32 s26, $0x1;
	_ =	strace $0x80000055;
	[dreg:$0x1] =	wrdreg $0xFFFFFFFF  }
0xad: {  	s28 =	simm.s32 $_size_execute0_lowered;
	s3 =	sadd.s32 s3, s5;
	[dreg:$0x0] =	wrdreg $0x0  }
0xae: {  	s5 =	sshll.u32 s28, $0x1;
	[dreg:$0x2] =	wrdreg s3  }
0xaf: {  	[dreg:$0x3] =	wrdreg s5  }
0xb0: {  	[dreg:$0x4] =	wrdreg $0xC0  }
0xb1: {  	_ =	task [dreg:s7], $0x5FFFF  }
0xb2: {  	[dreg:$0x1] =	wrdreg $0xFFFFFFFF  }
0xb3: {  	[dreg:$0x0] =	wrdreg $0x60  }
0xb4: {  	[dreg:$0x2] =	wrdreg s24  }
0xb5: {  	[dreg:$0x3] =	wrdreg s16  }
0xb6: {  	[dreg:$0x4] =	wrdreg $0x9  }
0xb7: {  	_ =	task.clear_ibuf [dreg:s7], $0x5FFFF;
	_ =	strace $0x90000055  }
0xb8: {  	s29 =	simm.s32 $0x9;
	_ =	strace $0x80000057  }
0xb9: {  	_ =	swait.ge [sflag:s29], $0x1  }
0xba: {  	[sflag:s29] =	ssyncadd.s32 $0xFFFFFFFF  }
0xbb: {  	_ =	strace $0x90000057  }
0xbc: {  	_ =	sfence  }
0xbd: {  	s30 =	sld [smem:$0x0];
	_ =	sdelay $0x2  }
0xbe: {  	s31 =	sshll.u32 s1, $0xD;
	s1 =	sshrl.u32 s1, $0x2  }
0xbf: {  	s3 =	sand.u32 $0x4000, s31;
	s1 =	sadd.s32 s1, s30  }
0xc0: {  	s0 =	sor.u32 s3, s0;
	s1 =	sshll.u32 s1, $0x11  }
0xc1: {  	s0 =	sor.u32 s1, s0  }
0xc2: {  	s0 =	sadd.s32 $0x8F2B, s0  }
0xc3: {  	[sflag:s0] =	ssyncadd.remote.s32 $0x1  }
0xc4: {  	_ =	sfence.sel $0xFFFF  }
0xc5: {  	[dreg:$0x0] =	wrdreg $0xFFFFFFFF;
	(pc) =	sbr.abs _section_cstart, $3  }
0xc6: {  	[dreg:$0x1] =	wrdreg $0xFFFFFFFF  }
0xc7: {  	_ =	task.clear_ibuf [dreg:s7], $0x2FFFF;
	_ =	strace $0x9FFFFFFF  }
0xc8: {  	(tm) =	ssettm $0x7FFFFFFF  }
0xc9: {  	_ =	shalt  }
tec
execute0_lowered:
.L_overlay_start_1:
0x0: {  	(tag) =	ssettag $0x1  }
0x1: {  	s1 =	srdreg.scid;
	s8 =	rddreg [dreg:$0x0]  }
0x2: {  	s0 =	stileid.u32;
	s2 =	rddreg [dreg:$0x1]  }
0x3: {  	s5 =	simm.s32 $0x1;
	s9 =	simm.s32 $0x1;
	s1 =	sshll.u32 s1, $0x5  }
0x4: {  	s10 =	simm.s32 $0x3;
	s3 =	sshll.u32 s0, $0x6;
	s4 =	sand.u32 $0x20, s1  }
0x5: {  	s13 =	simm.s32 $0x0;
	s12 =	simm.s32 $0x0;
	s3 =	sor.u32 s3, s4  }
0x6: {  	s1 =	rddreg [dreg:$0x2];
	_ =	strace $0x80000056;
	s7 =	ssub.s32 $0x640, s3  }
.Ltmp0:
0x7: {  	s4 =	sadd.s32 $0x3600, s8;
	s6 =	sand.u32 $0x3E0, s7;
	(pc) =	sbr.rel .LBB2_1-.Ltmp0, $4  }
0x8: {  	[sflag:s5] =	ssyncpa.u1 $0x0;
	s8 =	sadd.s32 $0x4FA00, s8;
	p0 =	sne.s32 s6, $0x0  }
0x9: {  	s7 =	sshrl.u32 s7, $0xA;
	s6 =	simm.s32 $0x2;
	s9 =	simm.s32 @!p0 $0x0  }
0xa: {  	s11 =	smov.u32 s3;
	[sflag:s6] =	ssyncpa.u1 $0x0;
	s7 =	sadd.s32 s9, s7  }
0xb: {  	vm0 =	vmmov $0xffff;
	[sflag:s10] =	ssyncpa.u1 $0x0;
	s10 =	simm.s32 $0x0;
	s9 =	sadd.s32 $0x1, s7  }
.LBB2_5:
0xc: {  	s15 =	sadd.s32 $0x400, s11  }
0xd: {  	p1 =	sgt.s32 s15, $0x63F  }
0xe: {  	s15 =	smov.u32 @p1 s3;
	p1 =	sne.s32 s12, s9  }
.Ltmp1:
0xf: {  	p0 =	slt.u32 s12, $0x2;
	(pc) =	sbr.rel @!p1 .LBB2_6-.Ltmp1, $4  }
0x10: {  	s14 =	simm.s32 @!p0 $0x3  }
0x11: {  	_ =	swait.ge @!p0 [sflag:s14], $0x20  }
0x12: {  	s16 =	sadd.s32 $0x1, s12;
	s13 =	smov.u32 s11;
	[sflag:s14] =	ssyncset.done @!p0 $0x0  }
0x13: {  	s12 =	smov.u32 s16;
	s11 =	smov.u32 s15;
	[sflag:s14] =	ssyncadd.s32 @!p0 $0xFFFFFFE0  }
.LBB2_1:
0x14: {  	p0 =	sge.u32 s12, s7  }
0x15: {  	s14 =	sxor.u32 @!p0 $0xFFFFFFFF, s12  }
0x16: {  	s31 =	sadd.s32 $0xFFFFFFFF, s12;
	s15 =	sshrl.u32 @!p0 s11, $0x3;
	s14 =	sshll.u32 @!p0 s14, $0x5  }
0x17: {  	s16 =	sand.u32 @!p0 $0x7, s11;
	s15 =	sadd.s32 @!p0 s8, s15;
	s14 =	sand.u32 @!p0 $0x20, s14  }
0x18: {  	[tilespmem:s14], [sflag:$0x2] =	stream.linear.gather @!p0 [hbm4b:s15+s16], $0x20, $0x38;
	[tilespmem:$0x80] =	vst v63  }
0x19: {  	p0 =	sge.u32 s31, s7  }
.Ltmp2:
0x1a: {  	_ = 	snop;
	(pc) =	sbr.rel @p0 .LBB2_5-.Ltmp2, $1  }
0x1b: {  	_ =	sdelay $0x3  }
0x1c: {  	_ =	swait.ge [sflag:s6], $0x20;
	s14 =	sshll.u32 s12, $0x5;
	s16 =	simm.s32 $0x0  }
0x1d: {  	p0 =	por $0x1, $0x1;
	[sflag:s6] =	ssyncset.done $0x0;
	s15 =	sand.u32 $0x20, s14  }
0x1e: {  	[sflag:s6] =	ssyncadd.s32 $0xFFFFFFE0;
	(ifvalue) =	ssetifvalue $0x7FFFFFFF;
	s14 =	sor.u32 $0x40, s15  }
.LBB2_3:
0x1f: {  	s17 =	sadd.s32 s16, s15  }
0x20: {  	v0 =	vld.msk [tilespmem:s17+$0x0 ss:$0x1], $0xffff;
	_ =	sdelay $0x4  }
0x21: {  	vm1 =	veq.s32 v0, $0x80000000;
	v1 =	vand.u32 $0x7, v0;
	v0 =	vshrl.u32 v0, $0x3  }
0x22: {  	v1 =	vsel vm1, $0xFFFFFFFF, v1;
	v0 =	vand.u32 $0x1FFF, v0  }
0x23: {  	v0 =	vsel vm1, $0xFFFFFFFF, v0;
	v2 =	vshrl.u32 v1, $0x3  }
0x24: {  	v2 =	vmul.u32 $0x8400, v2;
	v3 =	vshll.u32 v0, $0x3  }
0x25: {  	v1 =	vshll.u32 v1, $0x7;
	v3 =	vand.u32 $0xFFFFFC00, v3  }
0x26: {  	v1 =	vand.u32 $0x380, v1;
	v2 =	vadd.s32 v2, v3  }
0x27: {  	v0 =	vand.u32 $0x7F, v0;
	v1 =	vor.u32 v1, v2  }
0x28: {  	p1 =	por p0, p0;
	v0 =	vor.u32 v0, v1  }
.Ltmp3:
0x29: {  	_ = 	snop;
	(pc) =	sbr.rel @p1 .LBB2_3-.Ltmp3, $4  }
0x2a: {  	_ = 	snop  }
0x2b: {  	s31 =	sadd.s32 s16, s14  }
0x2c: {  	s16 =	simm.s32 $0x10;
	p0 =	por $0x0, $0x0;
	(ifvalue) =	ssetifvalue $0x7FFFFFFF  }
0x2d: {  	[tilespmem:s31], [sflag:$0x1] =	stream.indirect_vreg.gather [hbm4b:s4+s10], $0x1, v0, vm0, $0x4038;
	[tilespmem:$0x80] =	vst v63  }
.Ltmp4:
0x2e: {  	(pc) =	sbr.rel .LBB2_5-.Ltmp4, $4  }
0x2f: {  	_ =	swait.ge [sflag:s5], $0x20  }
0x30: {  	s15 =	sshrl.u32 s13, $0x3;
	[sflag:s5] =	ssyncset.done $0x0  }
0x31: {  	s31 =	sand.u32 $0x7, s13;
	s15 =	sadd.s32 s2, s15;
	[sflag:s5] =	ssyncadd.s32 $0xFFFFFFE0  }
0x32: {  	[hbm4b:s15+s31] =	stream.linear.scatter [tilespmem:s14], [sflag:$0x3], $0x20, $0x38;
	[tilespmem:$0x80] =	vst v63  }
.LBB2_6:
0x33: {  	_ =	sfence.sel $0x180000  }
0x34: {  	s2 =	simm.s32 $0x2;
	[bflag:$0x0] =	sbarrier.arrive $0xFFFF  }
0x35: {  	s30 =	simm.s32 $0x3;
	[sflag:s2] =	ssyncpa.u1 $0x1  }
0x36: {  	s31 =	simm.s32 $0x1;
	[sflag:s30] =	ssyncpa.u1 $0x1  }
0x37: {  	[sflag:s31] =	ssyncpa.u1 $0x1  }
0x38: {  	p0 =	sne.s32 s0, $0x0;
	_ =	strace $0x90000056  }
0x39: {  	s0 =	sadd.s32 @!p0 $0x100000, s1;
	[bflag:$0x2] =	sbarrier.arrive $0xFFFF  }
0x3a: {  	[sflag:s0] =	ssyncadd.tile.s32 @!p0 $0x1;
	_ =	shalt  }
.Lfunc_end2:
_tile_overlayer_lowered:
.L_overlay_start_2:
0x3b: {  	(tag) =	ssettag $0x2  }
0x3c: {  	s0 =	rddreg [dreg:$0x0];
	s2 =	stileid.u32  }
0x3d: {  	s1 =	rddreg [dreg:$0x1];
	p0 =	sne.s32 s2, $0x0  }
0x3e: {  	s3 =	rddreg [dreg:$0x2];
	[bflag:$0x3] =	sbarrier.arrive $0xFFFF;
	s2 =	simm.s32 @!p0 $0x1C01  }
0x3f: {  	[timem:s3], [sflag:s2] =	dma.local @!p0 [hbm:s0], s1  }
0x40: {  	s0 =	simm.s32 @!p0 $0x1  }
0x41: {  	_ =	swait.ge @!p0 [sflag:s0], s1  }
0x42: {  	s1 =	ssub.s32 @!p0 $0x0, s1;
	[sflag:s0] =	ssyncset.done @!p0 $0x0  }
0x43: {  	[sflag:s0] =	ssyncadd.s32 @!p0 s1  }
0x44: {  	[bflag:$0x3] =	sbarrier.arrive $0xFFFF  }
0x45: {  	_ =	shalt  }

// kernel: gather_offload_async_start.2
scs
__scs_entry_jumppad:
0x0: {  	(pc) =	sbr.rel $0x88, $3  }
0x1: {  	(tag) =	ssettag $0x0;
	lr =	simm.s32 $0x1  }
0x2: {  	[smem:$0x3F9E] =	sst lr;
	_ =	strace $0xD0000000  }
0x3: {  	_ = 	snop  }
0x4: {  	_ = 	snop  }
0x5: {  	_ = 	snop  }
0x6: {  	_ = 	snop  }
0x7: {  	_ = 	snop  }
__scs_overlays_trampoline_lowered:
0x8: {  	[smem:$0x3FAD] =	sst s0  }
0x9: {  	[smem:$0x3FAE] =	sst s1  }
0xa: {  	[smem:$0x3FAF] =	sst s2  }
0xb: {  	[smem:$0x3FB0] =	sst s3  }
0xc: {  	[smem:$0x3FB1] =	sst s4  }
0xd: {  	[smem:$0x3FB2] =	sst s5  }
0xe: {  	[smem:$0x3FB3] =	sst s6  }
0xf: {  	[smem:$0x3FB4] =	sst s7  }
0x10: {  	[smem:$0x3FB5] =	sst s8  }
0x11: {  	[smem:$0x3FB6] =	sst s9;
	s0 =	simm.s32 @!p0 $0x0  }
0x12: {  	s1 =	sld [smem:$0x3F9C];
	s0 =	simm.s32 @p0 $0x1  }
0x13: {  	[smem:$0x3FB7] =	sst s0;
	s0 =	simm.s32 @!p1 $0x0  }
0x14: {  	s2 =	sld [smem:$0x3F9B];
	s0 =	simm.s32 @p1 $0x1  }
0x15: {  	[smem:$0x3FB8] =	sst s0;
	s0 =	simm.s32 @!p2 $0x0  }
0x16: {  	s3 =	sld [smem:$0x3FDB];
	s0 =	simm.s32 @p2 $0x1  }
0x17: {  	s4 =	simm.s32 $0x1BF5;
	[smem:$0x3FBA] =	sst s0  }
0x18: {  	s0 =	sld [smem:$0x3F9D];
	_ =	swait.ge [sflag:s4], $0x0  }
0x19: {  	s7 =	sld [smem:$0x3F9E]  }
0x1a: {  	s8 =	sadd.s32 $0xFFFFE003, lr  }
0x1b: {  	s9 =	sadd.s32 $0xFFFFFEF7, lr;
	s5 =	simm.s32 $0xFFFFFFFF;
	p2 =	slt.u32 s8, $0xFFFFF086  }
0x1c: {  	p1 =	slt.u32 s9, $0xF7A;
	s5 =	simm.s32 @!p2 $0x0  }
0x1d: {  	s5 =	simm.s32 @p1 $0x1;
	p0 =	seq.s32 s7, s2  }
0x1e: {  	s7 =	smul.u32 @!p0 $0xF7A, s2;
	p2 =	seq.s32 @!p0 s5, $0x0  }
0x1f: {  	s9 =	smul.u32 $0xF7A, s1;
	s8 =	simm.s32 @!p0 $0x1BF5;
	p2 =	por !p2, p0  }
0x20: {  	[sflag:s8] =	ssyncset.s32 @!p0 $0xFFFFF086;
	s6 =	sadd.s32 @!p0 s3, s7;
	s7 =	simm.s32 @!p0 $0x108  }
0x21: {  	s3 =	sadd.s32 s3, s9;
	s6 =	sadd.s32 @!p0 $0x88, s6;
	s7 =	simm.s32 @p2 $0x1082  }
0x22: {  	[simem:s7], [sflag:s8] =	dma.local @!p0 [hbm:s6], $0xF7A  }
0x23: {  	s9 =	sor.u32 $0xD0000000, s2;
	s6 =	simm.s32 $0x108;
	_ =	swait.ge @!p0 [sflag:s8], $0x0  }
0x24: {  	s3 =	sadd.s32 $0x88, s3;
	s6 =	simm.s32 @!p1 $0x1082;
	[sflag:s4] =	ssyncset.s32 $0xFFFFF086  }
0x25: {  	[simem:s6], [sflag:s4] =	dma.local [hbm:s3], $0xF7A  }
0x26: {  	[smem:$0x3F9E] =	sst s1;
	(tag) =	ssettag s2;
	_ =	strace s9  }
0x27: {  	s1 =	sld [smem:$0x3FAE]  }
0x28: {  	s2 =	sld [smem:$0x3FAF]  }
0x29: {  	s4 =	sld [smem:$0x3FB1]  }
0x2a: {  	p0 =	seq.s32 s5, $0x0;
	s5 =	sld [smem:$0x3FB2]  }
0x2b: {  	s6 =	sld [smem:$0x3FB3]  }
0x2c: {  	s7 =	sld [smem:$0x3FB4]  }
0x2d: {  	s3 =	simm.s32 $0x108;
	s8 =	sld [smem:$0x3FB5]  }
0x2e: {  	s3 =	simm.s32 @!p0 $0x1082;
	s9 =	sld [smem:$0x3FB6]  }
0x2f: {  	lr =	sadd.s32 s0, s3;
	s0 =	sld [smem:$0x3FAD]  }
0x30: {  	s3 =	sld [smem:$0x3FB0]  }
0x31: {  	[smem:$0x3FB9] =	sst s10  }
0x32: {  	s10 =	sld [smem:$0x3FB7];
	_ =	sdelay $0x3  }
0x33: {  	p0 =	seq.s32 s10, $0x1;
	s10 =	sld [smem:$0x3FB9];
	_ =	sdelay $0x3  }
0x34: {  	[smem:$0x3FB9] =	sst s10  }
0x35: {  	s10 =	sld [smem:$0x3FB8];
	_ =	sdelay $0x3  }
0x36: {  	p1 =	seq.s32 s10, $0x1;
	s10 =	sld [smem:$0x3FB9];
	_ =	sdelay $0x3  }
0x37: {  	[smem:$0x3FB9] =	sst s10  }
0x38: {  	s10 =	sld [smem:$0x3FBA]  }
0x39: {  	_ = 	snop;
	(pc) =	sbr.ind lr, $3  }
0x3a: {  	_ = 	snop  }
0x3b: {  	_ = 	snop  }
0x3c: {  	p2 =	seq.s32 s10, $0x1;
	s10 =	sld [smem:$0x3FB9]  }
0x3d: {  	_ =	shalt  }
0x3e: {  	_ =	shalt  }
0x3f: {  	_ =	shalt  }
0x40: {  	_ =	shalt  }
0x41: {  	_ =	shalt  }
0x42: {  	_ =	shalt  }
0x43: {  	_ =	shalt  }
0x44: {  	_ =	shalt  }
0x45: {  	_ =	shalt  }
0x46: {  	_ =	shalt  }
0x47: {  	_ =	shalt  }
0x48: {  	_ =	shalt  }
0x49: {  	_ =	shalt  }
0x4a: {  	_ =	shalt  }
0x4b: {  	_ =	shalt  }
0x4c: {  	_ =	shalt  }
0x4d: {  	_ =	shalt  }
0x4e: {  	_ =	shalt  }
0x4f: {  	_ =	shalt  }
0x50: {  	_ =	shalt  }
0x51: {  	_ =	shalt  }
0x52: {  	_ =	shalt  }
0x53: {  	_ =	shalt  }
0x54: {  	_ =	shalt  }
0x55: {  	_ =	shalt  }
0x56: {  	_ =	shalt  }
0x57: {  	_ =	shalt  }
0x58: {  	_ =	shalt  }
0x59: {  	_ =	shalt  }
0x5a: {  	_ =	shalt  }
0x5b: {  	_ =	shalt  }
0x5c: {  	_ =	shalt  }
0x5d: {  	_ =	shalt  }
0x5e: {  	_ =	shalt  }
0x5f: {  	_ =	shalt  }
0x60: {  	_ =	shalt  }
0x61: {  	_ =	shalt  }
0x62: {  	_ =	shalt  }
0x63: {  	_ =	shalt  }
0x64: {  	_ =	shalt  }
0x65: {  	_ =	shalt  }
0x66: {  	_ =	shalt  }
0x67: {  	_ =	shalt  }
0x68: {  	_ =	shalt  }
0x69: {  	_ =	shalt  }
0x6a: {  	_ =	shalt  }
0x6b: {  	_ =	shalt  }
0x6c: {  	_ =	shalt  }
0x6d: {  	_ =	shalt  }
0x6e: {  	_ =	shalt  }
0x6f: {  	_ =	shalt  }
0x70: {  	_ =	shalt  }
0x71: {  	_ =	shalt  }
0x72: {  	_ =	shalt  }
0x73: {  	_ =	shalt  }
0x74: {  	_ =	shalt  }
0x75: {  	_ =	shalt  }
0x76: {  	_ =	shalt  }
0x77: {  	_ =	shalt  }
0x78: {  	_ =	shalt  }
0x79: {  	_ =	shalt  }
0x7a: {  	_ =	shalt  }
0x7b: {  	_ =	shalt  }
0x7c: {  	_ =	shalt  }
0x7d: {  	_ =	shalt  }
0x7e: {  	_ =	shalt  }
0x7f: {  	_ =	shalt  }
0x80: {  	_ =	shalt  }
0x81: {  	_ =	shalt  }
0x82: {  	_ =	shalt  }
0x83: {  	_ =	shalt  }
0x84: {  	_ =	shalt  }
0x85: {  	_ =	shalt  }
0x86: {  	_ =	shalt  }
0x87: {  	_ =	shalt  }
.Lfunc_end0:
.L_simem_size_0:
called_computation.2_lowered:
.L_overlay_start_0:
0x88: {  	s2 =	sld [smem:$0x3FD9]  }
0x89: {  	s3 =	sld [smem:$0x3FFE];
	_ =	sdelay $0x1  }
0x8a: {  	s1 =	srdreg.scid  }
0x8b: {  	s0 =	sand.u32 $0x1, s1  }
0x8c: {  	s16 =	sshll.u32 s0, $0xA;
	s2 =	sadd.s32 s3, s2  }
0x8d: {  	s2 =	sadd.s32 s2, s16  }
0x8e: {  	[smem:$0x3FC5] =	sst s2  }
0x8f: {  	_ = 	snop  }
0x90: {  	(tm) =	ssettm $0x1  }
0x91: {  	s17 =	sld [smem:$0x3FFB];
	_ =	sdelay $0x3  }
0x92: {  	_ =	strace s17  }
0x93: {  	s2 =	sld [smem:$0x3FFC];
	_ =	sdelay $0x3  }
0x94: {  	_ =	strace s2  }
0x95: {  	s2 =	sld [smem:$0x3FFD];
	_ =	sdelay $0x3  }
0x96: {  	_ =	strace s2  }
0x97: {  	_ =	strace $0x8FFFFFFF  }
0x98: {  	s18 =	sld [smem:$0x3FDB];
	_ =	sdelay $0x1  }
0x99: {  	s19 =	simm.s32 $_scs_section_size  }
0x9a: {  	s4 =	simm.s32 $_size__tile_overlayer_lowered;
	s5 =	simm.s32 $_tile_overlayer_lowered  }
0x9b: {  	s22 =	simm.s32 $0x1BFF;
	s21 =	sshll.u32 s5, $0x1;
	s2 =	sadd.s32 s19, s18  }
0x9c: {  	s6 =	simm.s32 $0x0;
	s20 =	sshll.u32 s4, $0x1;
	s4 =	sadd.s32 s21, s2  }
0x9d: {  	[timem:s6], [sflag:s22] =	dma.local [hbm:s4], s20  }
0x9e: {  	_ =	swait.ge [sflag:s22], s20  }
0x9f: {  	s3 =	ssub.s32 $0x0, s20;
	[sflag:s22] =	ssyncset.done $0x0  }
0xa0: {  	[sflag:s22] =	ssyncadd.s32 s3;
	_ =	sdelay $0x1  }
0xa1: {  	s23 =	simm.s32 $0x1B8B  }
0xa2: {  	_ =	swait.ge [sflag:s23], $0x1  }
0xa3: {  	[sflag:s23] =	ssyncset.done $0x0  }
0xa4: {  	s25 =	simm.s32 $0x1B8E;
	s24 =	sld [smem:$0x3FFE];
	[sflag:s23] =	ssyncadd.s32 $0xFFFFFFFF  }
0xa5: {  	s26 =	simm.s32 $execute0_lowered;
	[smem:$0x3FD2] =	sst s25  }
0xa6: {  	s4 =	sshll.u32 s26, $0x1;
	_ =	strace $0x80000049;
	[dreg:$0x1] =	wrdreg $0xFFFFFFFF  }
0xa7: {  	s28 =	simm.s32 $_size_execute0_lowered;
	s2 =	sadd.s32 s2, s4;
	[dreg:$0x0] =	wrdreg $0x0  }
0xa8: {  	s4 =	sshll.u32 s28, $0x1;
	[dreg:$0x2] =	wrdreg s2  }
0xa9: {  	[dreg:$0x3] =	wrdreg s4  }
0xaa: {  	[dreg:$0x4] =	wrdreg $0xC0  }
0xab: {  	_ =	task [dreg:s6], $0x5FFFF  }
0xac: {  	[dreg:$0x1] =	wrdreg $0xFFFFFFFF  }
0xad: {  	[dreg:$0x0] =	wrdreg $0x60  }
0xae: {  	[dreg:$0x2] =	wrdreg s24  }
0xaf: {  	[dreg:$0x3] =	wrdreg $0x9  }
0xb0: {  	_ =	task.clear_ibuf [dreg:s6], $0x4FFFF;
	_ =	strace $0x90000049  }
0xb1: {  	s29 =	simm.s32 $0x9;
	_ =	strace $0x8000004B  }
0xb2: {  	_ =	swait.ge [sflag:s29], $0x1  }
0xb3: {  	[sflag:s29] =	ssyncadd.s32 $0xFFFFFFFF  }
0xb4: {  	_ =	strace $0x9000004B  }
0xb5: {  	_ =	sfence  }
0xb6: {  	s30 =	sld [smem:$0x0];
	_ =	sdelay $0x2  }
0xb7: {  	s31 =	sshll.u32 s1, $0xD;
	s1 =	sshrl.u32 s1, $0x2  }
0xb8: {  	s3 =	sand.u32 $0x4000, s31;
	s1 =	sadd.s32 s1, s30  }
0xb9: {  	s0 =	sor.u32 s3, s0;
	s1 =	sshll.u32 s1, $0x11  }
0xba: {  	s0 =	sor.u32 s1, s0  }
0xbb: {  	s0 =	sadd.s32 $0x8F2B, s0  }
0xbc: {  	[sflag:s0] =	ssyncadd.remote.s32 $0x1  }
0xbd: {  	_ =	sfence.sel $0xFFFF  }
0xbe: {  	[dreg:$0x0] =	wrdreg $0xFFFFFFFF;
	(pc) =	sbr.abs _section_cstart, $3  }
0xbf: {  	[dreg:$0x1] =	wrdreg $0xFFFFFFFF  }
0xc0: {  	_ =	task.clear_ibuf [dreg:s6], $0x2FFFF;
	_ =	strace $0x9FFFFFFF  }
0xc1: {  	(tm) =	ssettm $0x7FFFFFFF  }
tec
execute0_lowered:
.L_overlay_start_1:
0x0: {  	(tag) =	ssettag $0x1  }
0x1: {  	s2 =	rddreg [dreg:$0x0]  }
0x2: {  	s0 =	rddreg [dreg:$0x1];
	s1 =	stileid.u32  }
0x3: {  	s3 =	srdreg.scid;
	_ =	strace $0x8000004A;
	s4 =	simm.s32 $0x1  }
0x4: {  	s7 =	simm.s32 $0x1;
	s8 =	simm.s32 $0x1;
	s9 =	simm.s32 $0x3  }
0x5: {  	s10 =	simm.s32 $0x0;
	s5 =	sand.u32 $0x1, s3;
	s6 =	sshll.u32 s1, $0x1  }
0x6: {  	s13 =	simm.s32 $0x0;
	s12 =	simm.s32 $0x0;
	s5 =	sor.u32 s6, s5  }
.Ltmp0:
0x7: {  	[sflag:s4] =	ssyncpa.u1 $0x0;
	p0 =	slt.u32 s5, $0xB;
	(pc) =	sbr.rel .LBB2_1-.Ltmp0, $4  }
0x8: {  	s6 =	simm.s32 $0x2;
	s7 =	simm.s32 @!p0 $0x0;
	p0 =	sne.s32 s5, $0xA  }
0x9: {  	[sflag:s6] =	ssyncpa.u1 $0x0;
	s5 =	smul.u32 $0x320, s5;
	s8 =	simm.s32 @!p0 $0x0  }
0xa: {  	s3 =	sadd.s32 $0x4FC00, s2;
	[sflag:s9] =	ssyncpa.u1 $0x0;
	s7 =	sadd.s32 s8, s7  }
0xb: {  	vm0 =	vmmov $0xffff;
	s8 =	sadd.s32 $0x50E00, s2;
	s11 =	smov.u32 s5;
	s9 =	sadd.s32 $0x1, s7  }
.LBB2_4:
0xc: {  	v5 =	vshrl.u32 v1, $0x3;
	v6 =	vshll.u32 v1, $0x2  }
0xd: {  	v3 =	vor.u32 v4, v3;
	vm1 =	veq.s32 v1, $0x80000000;
	v58 =	vand.u32 $0x7, v1  }
0xe: {  	v1 =	vsel vm1, $0xFFFFFFFF, v58;
	v59 =	vand.u32 $0x1F, v5;
	v60 =	vand.u32 $0xFFC00, v6  }
0xf: {  	v4 =	vsel vm1, $0xFFFFFFFF, v59;
	v5 =	vsel vm1, $0xFFFFFC00, v60;
	v61 =	vand.u32 $0xFFFFFC00, v1  }
0x10: {  	v1 =	vshll.u32 v1, $0x7;
	v5 =	vadd.s32 v61, v5;
	v62 =	vand.u32 $0xFFFFFC00, v4  }
0x11: {  	v2 =	vor.u32 v2, v3;
	v1 =	vand.u32 $0x380, v1;
	v63 =	vadd.s32 v62, v5  }
0x12: {  	v4 =	vand.u32 $0x7F, v4;
	v1 =	vor.u32 v1, v63  }
0x13: {  	v1 =	vor.u32 v4, v1  }
0x14: {  	[tilespmem:s16], [sflag:$0x1] =	stream.indirect_vreg.gather [hbm4b:s2+s10], $0x1, v0, vm0, $0x4038;
	[tilespmem:$0xC80] =	vst v63  }
0x15: {  	(ifvalue) =	ssetifvalue $0x7FFFFFFF  }
0x16: {  	[tilespmem:s15], [sflag:$0x1] =	stream.indirect_vreg.gather [hbm4b:s2+s10], $0x1, v2, vm0, $0x4038;
	[tilespmem:$0xC80] =	vst v63  }
0x17: {  	s29 =	sadd.s32 $0x10, s15;
	(ifvalue) =	ssetifvalue $0x7FFFFFFF  }
0x18: {  	[tilespmem:s29], [sflag:$0x1] =	stream.indirect_vreg.gather [hbm4b:s2+s10], $0x1, v1, vm0, $0x4038;
	[tilespmem:$0xC80] =	vst v63  }
0x19: {  	_ =	swait.ge [sflag:s4], $0x320  }
0x1a: {  	s30 =	sshrl.u32 s13, $0x3;
	[sflag:s4] =	ssyncset.done $0x0  }
0x1b: {  	s31 =	sand.u32 $0x7, s13;
	s15 =	sadd.s32 s8, s30;
	[sflag:s4] =	ssyncadd.s32 $0xFFFFFCE0  }
0x1c: {  	[hbm4b:s15+s31] =	stream.linear.scatter [tilespmem:s14], [sflag:$0x3], $0x320, $0x38;
	[tilespmem:$0xC80] =	vst v63  }
.LBB2_5:
0x1d: {  	s15 =	sadd.s32 $0x6400, s11  }
0x1e: {  	p1 =	sgt.s32 s15, $0x833F  }
0x1f: {  	s15 =	smov.u32 @p1 s5;
	p1 =	sne.s32 s12, s9  }
.Ltmp1:
0x20: {  	p0 =	slt.u32 s12, $0x2;
	(pc) =	sbr.rel @!p1 .LBB2_6-.Ltmp1, $4  }
0x21: {  	s14 =	simm.s32 @!p0 $0x3  }
0x22: {  	_ =	swait.ge @!p0 [sflag:s14], $0x320  }
0x23: {  	s16 =	sadd.s32 $0x1, s12;
	s13 =	smov.u32 s11;
	[sflag:s14] =	ssyncset.done @!p0 $0x0  }
0x24: {  	s12 =	smov.u32 s16;
	s11 =	smov.u32 s15;
	[sflag:s14] =	ssyncadd.s32 @!p0 $0xFFFFFCE0  }
.LBB2_1:
0x25: {  	p0 =	sge.u32 s12, s7  }
0x26: {  	s14 =	sxor.u32 @!p0 $0x1, s12  }
0x27: {  	s14 =	smul.u32 @!p0 $0xC80, s14  }
0x28: {  	s31 =	sadd.s32 $0xFFFFFFFF, s12;
	s15 =	sshrl.u32 @!p0 s11, $0x3  }
0x29: {  	s16 =	sand.u32 @!p0 $0x7, s11;
	s15 =	sadd.s32 @!p0 s3, s15;
	s14 =	sshra.s32 @!p0 s14, $0x2  }
0x2a: {  	[tilespmem:s14], [sflag:$0x2] =	stream.linear.gather @!p0 [hbm4b:s15+s16], $0x320, $0x38;
	[tilespmem:$0xC80] =	vst v63  }
0x2b: {  	p0 =	sge.u32 s31, s7  }
.Ltmp2:
0x2c: {  	_ = 	snop;
	(pc) =	sbr.rel @p0 .LBB2_5-.Ltmp2, $1  }
0x2d: {  	_ =	sdelay $0x3  }
0x2e: {  	s14 =	sand.u32 $0x1, s12  }
0x2f: {  	_ =	swait.ge [sflag:s6], $0x320;
	p0 =	seq.s32 s14, $0x1;
	s14 =	simm.s32 $0x320  }
0x30: {  	[sflag:s6] =	ssyncset.done $0x0;
	s14 =	simm.s32 @!p0 $0x0  }
0x31: {  	[sflag:s6] =	ssyncadd.s32 $0xFFFFFCE0;
	(ifvalue) =	ssetifvalue $0x7FFFFFFF;
	v0 =	vld.msk [tilespmem:s14+$0x0 ss:$0x1], $0xffff;
	_ =	sdelay $0x3  }
0x32: {  	s15 =	sadd.s32 $0x10, s14  }
0x33: {  	v2 =	vld.msk [tilespmem:s15+$0x0 ss:$0x1], $0xffff;
	v1 =	vshrl.u32 v0, $0x3  }
0x34: {  	v3 =	vshll.u32 v0, $0x2;
	vm1 =	veq.s32 v0, $0x80000000;
	v0 =	vand.u32 $0x7, v0  }
0x35: {  	v0 =	vsel vm1, $0xFFFFFFFF, v0;
	v1 =	vand.u32 $0x1F, v1;
	v3 =	vand.u32 $0xFFC00, v3  }
0x36: {  	v1 =	vsel vm1, $0xFFFFFFFF, v1;
	v3 =	vsel vm1, $0xFFFFFC00, v3;
	v4 =	vand.u32 $0xFFFFFC00, v0  }
0x37: {  	v0 =	vshll.u32 v0, $0x7;
	v3 =	vadd.s32 v4, v3;
	v4 =	vand.u32 $0xFFFFFC00, v1  }
0x38: {  	v5 =	vshll.u32 v2, $0x2;
	v0 =	vand.u32 $0x380, v0;
	v3 =	vadd.s32 v4, v3  }
0x39: {  	vm1 =	veq.s32 v2, $0x80000000;
	v1 =	vand.u32 $0x7F, v1;
	v0 =	vor.u32 v0, v3  }
0x3a: {  	v4 =	vshrl.u32 v2, $0x3;
	v2 =	vand.u32 $0x7, v2;
	v0 =	vor.u32 v1, v0  }
0x3b: {  	s15 =	sadd.s32 $0x10, s15;
	v2 =	vsel vm1, $0xFFFFFFFF, v2;
	v3 =	vand.u32 $0xFFC00, v5;
	v1 =	vand.u32 $0x1F, v4  }
0x3c: {  	s14 =	sadd.s32 $0x640, s14;
	v3 =	vsel vm1, $0xFFFFFC00, v3;
	v5 =	vand.u32 $0xFFFFFC00, v2;
	v4 =	vsel vm1, $0xFFFFFFFF, v1;
	v1 =	vld.msk [tilespmem:s15+$0x0 ss:$0x1], $0xffff  }
0x3d: {  	s17 =	simm.s32 $0x20;
	s16 =	smov.u32 s14;
	v6 =	vshll.u32 v2, $0x7;
	v3 =	vadd.s32 v5, v3;
	v5 =	vand.u32 $0xFFFFFC00, v4  }
0x3e: {  	s18 =	sadd.s32 $0x10, s15;
	(ifvalue) =	ssetifvalue $0x7FFFFFFF;
	s15 =	sadd.s32 $0x10, s14;
	v2 =	vand.u32 $0x7F, v4;
	v4 =	vand.u32 $0x380, v6;
	v3 =	vadd.s32 v5, v3  }
.LBB2_3:
0x3f: {  	[tilespmem:s16], [sflag:$0x1] =	stream.indirect_vreg.gather [hbm4b:s2+s10], $0x1, v0, vm0, $0x4038;
	[tilespmem:$0xC80] =	vst v63  }
0x40: {  	s17 =	sadd.s32 $0x10, s17  }
0x41: {  	v5 =	vshrl.u32 v1, $0x3;
	v6 =	vshll.u32 v1, $0x2;
	v3 =	vor.u32 v4, v3;
	v0 =	vmovc v1;
	v1 =	vld.msk [tilespmem:s18+$0x0 ss:$0x1], $0xffff;
	p0 =	slt.u32 s17, $0x310  }
.Ltmp3:
0x42: {  	s16 =	smov.u32 s15;
	vm1 =	veq.s32 v0, $0x80000000;
	v4 =	vand.u32 $0x7, v0;
	v0 =	vor.u32 v2, v3;
	(pc) =	sbr.rel @p0 .LBB2_3-.Ltmp3, $4  }
0x43: {  	v3 =	vand.u32 $0x1F, v5;
	v2 =	vsel vm1, $0xFFFFFFFF, v4;
	v4 =	vand.u32 $0xFFC00, v6  }
0x44: {  	v3 =	vsel vm1, $0xFFFFFFFF, v3;
	v4 =	vsel vm1, $0xFFFFFC00, v4;
	v5 =	vand.u32 $0xFFFFFC00, v2  }
0x45: {  	v6 =	vshll.u32 v2, $0x7;
	v4 =	vadd.s32 v5, v4;
	v5 =	vand.u32 $0xFFFFFC00, v3  }
0x46: {  	s18 =	sadd.s32 $0x10, s18;
	s15 =	sadd.s32 $0x10, s15;
	v2 =	vand.u32 $0x7F, v3;
	v3 =	vadd.s32 v5, v4;
	v4 =	vand.u32 $0x380, v6;
	(ifvalue) =	ssetifvalue $0x7FFFFFFF  }
.Ltmp4:
0x47: {  	_ = 	snop;
	(pc) =	sbr.rel .LBB2_4-.Ltmp4, $1  }
0x48: {  	_ =	sdelay $0x3  }
.LBB2_6:
0x49: {  	_ =	sfence.sel $0x180000  }
0x4a: {  	s2 =	simm.s32 $0x2;
	[bflag:$0x0] =	sbarrier.arrive $0xFFFF  }
0x4b: {  	s30 =	simm.s32 $0x3;
	[sflag:s2] =	ssyncpa.u1 $0x1  }
0x4c: {  	s31 =	simm.s32 $0x1;
	[sflag:s30] =	ssyncpa.u1 $0x1  }
0x4d: {  	[sflag:s31] =	ssyncpa.u1 $0x1  }
0x4e: {  	p0 =	sne.s32 s1, $0x0;
	_ =	strace $0x9000004A  }
0x4f: {  	s0 =	sadd.s32 @!p0 $0x100000, s0;
	[bflag:$0x2] =	sbarrier.arrive $0xFFFF  }
0x50: {  	[sflag:s0] =	ssyncadd.tile.s32 @!p0 $0x1;
	_ =	shalt  }
.Lfunc_end2:
_tile_overlayer_lowered:
.L_overlay_start_2:
0x51: {  	(tag) =	ssettag $0x2  }
0x52: {  	s0 =	rddreg [dreg:$0x0];
	s2 =	stileid.u32  }
0x53: {  	s1 =	rddreg [dreg:$0x1];
	p0 =	sne.s32 s2, $0x0  }
0x54: {  	s3 =	rddreg [dreg:$0x2];
	[bflag:$0x3] =	sbarrier.arrive $0xFFFF;
	s2 =	simm.s32 @!p0 $0x1C01  }
0x55: {  	[timem:s3], [sflag:s2] =	dma.local @!p0 [hbm:s0], s1  }
0x56: {  	s0 =	simm.s32 @!p0 $0x1  }
0x57: {  	_ =	swait.ge @!p0 [sflag:s0], s1  }
0x58: {  	s1 =	ssub.s32 @!p0 $0x0, s1;
	[sflag:s0] =	ssyncset.done @!p0 $0x0  }
0x59: {  	[sflag:s0] =	ssyncadd.s32 @!p0 s1  }
0x5a: {  	[bflag:$0x3] =	sbarrier.arrive $0xFFFF  }
0x5b: {  	_ =	shalt  }

// kernel: gather_offload_async_start.3
scs
__scs_entry_jumppad:
0x0: {  	(pc) =	sbr.rel $0x88, $3  }
0x1: {  	(tag) =	ssettag $0x0;
	lr =	simm.s32 $0x1  }
0x2: {  	[smem:$0x3F9E] =	sst lr;
	_ =	strace $0xD0000000  }
0x3: {  	_ = 	snop  }
0x4: {  	_ = 	snop  }
0x5: {  	_ = 	snop  }
0x6: {  	_ = 	snop  }
0x7: {  	_ = 	snop  }
__scs_overlays_trampoline_lowered:
0x8: {  	[smem:$0x3FAD] =	sst s0  }
0x9: {  	[smem:$0x3FAE] =	sst s1  }
0xa: {  	[smem:$0x3FAF] =	sst s2  }
0xb: {  	[smem:$0x3FB0] =	sst s3  }
0xc: {  	[smem:$0x3FB1] =	sst s4  }
0xd: {  	[smem:$0x3FB2] =	sst s5  }
0xe: {  	[smem:$0x3FB3] =	sst s6  }
0xf: {  	[smem:$0x3FB4] =	sst s7  }
0x10: {  	[smem:$0x3FB5] =	sst s8  }
0x11: {  	[smem:$0x3FB6] =	sst s9;
	s0 =	simm.s32 @!p0 $0x0  }
0x12: {  	s1 =	sld [smem:$0x3F9C];
	s0 =	simm.s32 @p0 $0x1  }
0x13: {  	[smem:$0x3FB7] =	sst s0;
	s0 =	simm.s32 @!p1 $0x0  }
0x14: {  	s2 =	sld [smem:$0x3F9B];
	s0 =	simm.s32 @p1 $0x1  }
0x15: {  	[smem:$0x3FB8] =	sst s0;
	s0 =	simm.s32 @!p2 $0x0  }
0x16: {  	s3 =	sld [smem:$0x3FDB];
	s0 =	simm.s32 @p2 $0x1  }
0x17: {  	s4 =	simm.s32 $0x1BF5;
	[smem:$0x3FBA] =	sst s0  }
0x18: {  	s0 =	sld [smem:$0x3F9D];
	_ =	swait.ge [sflag:s4], $0x0  }
0x19: {  	s7 =	sld [smem:$0x3F9E]  }
0x1a: {  	s8 =	sadd.s32 $0xFFFFE003, lr  }
0x1b: {  	s9 =	sadd.s32 $0xFFFFFEF7, lr;
	s5 =	simm.s32 $0xFFFFFFFF;
	p2 =	slt.u32 s8, $0xFFFFF086  }
0x1c: {  	p1 =	slt.u32 s9, $0xF7A;
	s5 =	simm.s32 @!p2 $0x0  }
0x1d: {  	s5 =	simm.s32 @p1 $0x1;
	p0 =	seq.s32 s7, s2  }
0x1e: {  	s7 =	smul.u32 @!p0 $0xF7A, s2;
	p2 =	seq.s32 @!p0 s5, $0x0  }
0x1f: {  	s9 =	smul.u32 $0xF7A, s1;
	s8 =	simm.s32 @!p0 $0x1BF5;
	p2 =	por !p2, p0  }
0x20: {  	[sflag:s8] =	ssyncset.s32 @!p0 $0xFFFFF086;
	s6 =	sadd.s32 @!p0 s3, s7;
	s7 =	simm.s32 @!p0 $0x108  }
0x21: {  	s3 =	sadd.s32 s3, s9;
	s6 =	sadd.s32 @!p0 $0x88, s6;
	s7 =	simm.s32 @p2 $0x1082  }
0x22: {  	[simem:s7], [sflag:s8] =	dma.local @!p0 [hbm:s6], $0xF7A  }
0x23: {  	s9 =	sor.u32 $0xD0000000, s2;
	s6 =	simm.s32 $0x108;
	_ =	swait.ge @!p0 [sflag:s8], $0x0  }
0x24: {  	s3 =	sadd.s32 $0x88, s3;
	s6 =	simm.s32 @!p1 $0x1082;
	[sflag:s4] =	ssyncset.s32 $0xFFFFF086  }
0x25: {  	[simem:s6], [sflag:s4] =	dma.local [hbm:s3], $0xF7A  }
0x26: {  	[smem:$0x3F9E] =	sst s1;
	(tag) =	ssettag s2;
	_ =	strace s9  }
0x27: {  	s1 =	sld [smem:$0x3FAE]  }
0x28: {  	s2 =	sld [smem:$0x3FAF]  }
0x29: {  	s4 =	sld [smem:$0x3FB1]  }
0x2a: {  	p0 =	seq.s32 s5, $0x0;
	s5 =	sld [smem:$0x3FB2]  }
0x2b: {  	s6 =	sld [smem:$0x3FB3]  }
0x2c: {  	s7 =	sld [smem:$0x3FB4]  }
0x2d: {  	s3 =	simm.s32 $0x108;
	s8 =	sld [smem:$0x3FB5]  }
0x2e: {  	s3 =	simm.s32 @!p0 $0x1082;
	s9 =	sld [smem:$0x3FB6]  }
0x2f: {  	lr =	sadd.s32 s0, s3;
	s0 =	sld [smem:$0x3FAD]  }
0x30: {  	s3 =	sld [smem:$0x3FB0]  }
0x31: {  	[smem:$0x3FB9] =	sst s10  }
0x32: {  	s10 =	sld [smem:$0x3FB7];
	_ =	sdelay $0x3  }
0x33: {  	p0 =	seq.s32 s10, $0x1;
	s10 =	sld [smem:$0x3FB9];
	_ =	sdelay $0x3  }
0x34: {  	[smem:$0x3FB9] =	sst s10  }
0x35: {  	s10 =	sld [smem:$0x3FB8];
	_ =	sdelay $0x3  }
0x36: {  	p1 =	seq.s32 s10, $0x1;
	s10 =	sld [smem:$0x3FB9];
	_ =	sdelay $0x3  }
0x37: {  	[smem:$0x3FB9] =	sst s10  }
0x38: {  	s10 =	sld [smem:$0x3FBA]  }
0x39: {  	_ = 	snop;
	(pc) =	sbr.ind lr, $3  }
0x3a: {  	_ = 	snop  }
0x3b: {  	_ = 	snop  }
0x3c: {  	p2 =	seq.s32 s10, $0x1;
	s10 =	sld [smem:$0x3FB9]  }
0x3d: {  	_ =	shalt  }
0x3e: {  	_ =	shalt  }
0x3f: {  	_ =	shalt  }
0x40: {  	_ =	shalt  }
0x41: {  	_ =	shalt  }
0x42: {  	_ =	shalt  }
0x43: {  	_ =	shalt  }
0x44: {  	_ =	shalt  }
0x45: {  	_ =	shalt  }
0x46: {  	_ =	shalt  }
0x47: {  	_ =	shalt  }
0x48: {  	_ =	shalt  }
0x49: {  	_ =	shalt  }
0x4a: {  	_ =	shalt  }
0x4b: {  	_ =	shalt  }
0x4c: {  	_ =	shalt  }
0x4d: {  	_ =	shalt  }
0x4e: {  	_ =	shalt  }
0x4f: {  	_ =	shalt  }
0x50: {  	_ =	shalt  }
0x51: {  	_ =	shalt  }
0x52: {  	_ =	shalt  }
0x53: {  	_ =	shalt  }
0x54: {  	_ =	shalt  }
0x55: {  	_ =	shalt  }
0x56: {  	_ =	shalt  }
0x57: {  	_ =	shalt  }
0x58: {  	_ =	shalt  }
0x59: {  	_ =	shalt  }
0x5a: {  	_ =	shalt  }
0x5b: {  	_ =	shalt  }
0x5c: {  	_ =	shalt  }
0x5d: {  	_ =	shalt  }
0x5e: {  	_ =	shalt  }
0x5f: {  	_ =	shalt  }
0x60: {  	_ =	shalt  }
0x61: {  	_ =	shalt  }
0x62: {  	_ =	shalt  }
0x63: {  	_ =	shalt  }
0x64: {  	_ =	shalt  }
0x65: {  	_ =	shalt  }
0x66: {  	_ =	shalt  }
0x67: {  	_ =	shalt  }
0x68: {  	_ =	shalt  }
0x69: {  	_ =	shalt  }
0x6a: {  	_ =	shalt  }
0x6b: {  	_ =	shalt  }
0x6c: {  	_ =	shalt  }
0x6d: {  	_ =	shalt  }
0x6e: {  	_ =	shalt  }
0x6f: {  	_ =	shalt  }
0x70: {  	_ =	shalt  }
0x71: {  	_ =	shalt  }
0x72: {  	_ =	shalt  }
0x73: {  	_ =	shalt  }
0x74: {  	_ =	shalt  }
0x75: {  	_ =	shalt  }
0x76: {  	_ =	shalt  }
0x77: {  	_ =	shalt  }
0x78: {  	_ =	shalt  }
0x79: {  	_ =	shalt  }
0x7a: {  	_ =	shalt  }
0x7b: {  	_ =	shalt  }
0x7c: {  	_ =	shalt  }
0x7d: {  	_ =	shalt  }
0x7e: {  	_ =	shalt  }
0x7f: {  	_ =	shalt  }
0x80: {  	_ =	shalt  }
0x81: {  	_ =	shalt  }
0x82: {  	_ =	shalt  }
0x83: {  	_ =	shalt  }
0x84: {  	_ =	shalt  }
0x85: {  	_ =	shalt  }
0x86: {  	_ =	shalt  }
0x87: {  	_ =	shalt  }
.Lfunc_end0:
.L_simem_size_0:
called_computation.3_lowered:
.L_overlay_start_0:
0x88: {  	s2 =	sld [smem:$0x3FD9]  }
0x89: {  	s3 =	sld [smem:$0x3FFE];
	_ =	sdelay $0x1  }
0x8a: {  	s1 =	srdreg.scid  }
0x8b: {  	s0 =	sand.u32 $0x1, s1  }
0x8c: {  	s15 =	sshll.u32 s0, $0xA;
	s2 =	sadd.s32 s3, s2  }
0x8d: {  	s2 =	sadd.s32 s2, s15  }
0x8e: {  	[smem:$0x3FC5] =	sst s2  }
0x8f: {  	_ = 	snop  }
0x90: {  	s2 =	sld [smem:$0x3FD0];
	_ =	sdelay $0x2  }
0x91: {  	s16 =	simm.s32 $0xB;
	s4 =	simm.s32 $0x10  }
0x92: {  	[smem:s4], [sflag:s16] =	dma.local [hbm:s2], $0x1  }
0x93: {  	_ =	swait.eq [sflag:s16], $0x1  }
0x94: {  	[sflag:s16] =	ssyncset.done $0x0  }
0x95: {  	[sflag:s16] =	ssyncadd.s32 $0xFFFFFFFF  }
0x96: {  	s17 =	sld [smem:$0x10];
	(tm) =	ssettm $0x1  }
0x97: {  	s18 =	sld [smem:$0x3FFB];
	_ =	sdelay $0x3  }
0x98: {  	_ =	strace s18  }
0x99: {  	s2 =	sld [smem:$0x3FFC];
	_ =	sdelay $0x3  }
0x9a: {  	_ =	strace s2  }
0x9b: {  	s2 =	sld [smem:$0x3FFD];
	_ =	sdelay $0x3  }
0x9c: {  	_ =	strace s2  }
0x9d: {  	_ =	strace $0x8FFFFFFF  }
0x9e: {  	s19 =	sld [smem:$0x3FDB];
	_ =	sdelay $0x1  }
0x9f: {  	s20 =	simm.s32 $_scs_section_size  }
0xa0: {  	s5 =	simm.s32 $_size__tile_overlayer_lowered;
	s6 =	simm.s32 $_tile_overlayer_lowered  }
0xa1: {  	s7 =	simm.s32 $0x1BFF;
	s21 =	sshll.u32 s6, $0x1;
	s4 =	sadd.s32 s20, s19  }
0xa2: {  	s22 =	simm.s32 $0x0;
	s5 =	sshll.u32 s5, $0x1;
	s6 =	sadd.s32 s21, s4  }
0xa3: {  	[timem:s22], [sflag:s7] =	dma.local [hbm:s6], s5  }
0xa4: {  	_ =	swait.ge [sflag:s7], s5  }
0xa5: {  	s5 =	ssub.s32 $0x0, s5;
	[sflag:s7] =	ssyncset.done $0x0  }
0xa6: {  	[sflag:s7] =	ssyncadd.s32 s5;
	_ =	sdelay $0x1  }
0xa7: {  	s23 =	simm.s32 $0x1B8B  }
0xa8: {  	_ =	swait.ge [sflag:s23], $0x1  }
0xa9: {  	[sflag:s23] =	ssyncset.done $0x0  }
0xaa: {  	[sflag:s23] =	ssyncadd.s32 $0xFFFFFFFF  }
0xab: {  	s5 =	sld [smem:$0x0]  }
0xac: {  	s6 =	sand.u32 $0xFFFFFFFE, s1  }
0xad: {  	p0 =	sne.s32 s1, s6  }
0xae: {  	s6 =	sshll.u32 @p0 s6, $0xE  }
0xaf: {  	s6 =	sadd.s32 @p0 $0x11B8D, s6;
	s7 =	sshll.u32 @p0 s5, $0x11  }
0xb0: {  	s6 =	sor.u32 @p0 s7, s6  }
0xb1: {  	[sflag:s6] =	ssyncadd.remote.s32 @p0 $0x1;
	_ =	sdelay $0x1  }
0xb2: {  	s6 =	simm.s32 @p0 $0x1B8D  }
0xb3: {  	_ =	swait.eq @p0 [sflag:s6], $0x1  }
0xb4: {  	[sflag:s6] =	ssyncadd.s32 @p0 $0xFFFFFFFF  }
0xb5: {  	s7 =	sshll.u32 @!p0 s1, $0xE  }
0xb6: {  	s7 =	sor.u32 @!p0 $0x4000, s7;
	s6 =	simm.s32 @!p0 $0x1B8D  }
0xb7: {  	s5 =	sshll.u32 @!p0 s5, $0x11;
	s7 =	sadd.s32 @!p0 $0x11B8D, s7;
	_ =	swait.eq @!p0 [sflag:s6], $0x1  }
0xb8: {  	s5 =	sor.u32 @!p0 s5, s7;
	[sflag:s6] =	ssyncadd.s32 @!p0 $0xFFFFFFFF  }
0xb9: {  	s25 =	simm.s32 $0x1B8E;
	s24 =	sld [smem:$0x3FFE];
	[sflag:s5] =	ssyncadd.remote.s32 @!p0 $0x1  }
0xba: {  	s26 =	simm.s32 $execute0_lowered;
	[smem:$0x3FD2] =	sst s25  }
0xbb: {  	s6 =	sshll.u32 s26, $0x1;
	_ =	strace $0x8000005B;
	[dreg:$0x1] =	wrdreg $0xFFFFFFFF  }
0xbc: {  	s28 =	simm.s32 $_size_execute0_lowered;
	s4 =	sadd.s32 s4, s6;
	[dreg:$0x0] =	wrdreg $0x0  }
0xbd: {  	s6 =	sshll.u32 s28, $0x1;
	[dreg:$0x2] =	wrdreg s4  }
0xbe: {  	[dreg:$0x3] =	wrdreg s6  }
0xbf: {  	[dreg:$0x4] =	wrdreg $0xC0  }
0xc0: {  	_ =	task [dreg:s22], $0x5FFFF  }
0xc1: {  	[dreg:$0x1] =	wrdreg $0xFFFFFFFF  }
0xc2: {  	[dreg:$0x0] =	wrdreg $0x60  }
0xc3: {  	[dreg:$0x2] =	wrdreg s24  }
0xc4: {  	[dreg:$0x3] =	wrdreg s17  }
0xc5: {  	[dreg:$0x4] =	wrdreg $0x9  }
0xc6: {  	_ =	task.clear_ibuf [dreg:s22], $0x5FFFF;
	_ =	strace $0x9000005B  }
0xc7: {  	s29 =	simm.s32 $0x9;
	_ =	strace $0x8000005D  }
0xc8: {  	_ =	swait.ge [sflag:s29], $0x1  }
0xc9: {  	[sflag:s29] =	ssyncadd.s32 $0xFFFFFFFF  }
0xca: {  	_ =	strace $0x9000005D  }
0xcb: {  	_ =	sfence  }
0xcc: {  	s30 =	sld [smem:$0x0];
	_ =	sdelay $0x2  }
0xcd: {  	s31 =	sshll.u32 s1, $0xD;
	s1 =	sshrl.u32 s1, $0x2  }
0xce: {  	s4 =	sand.u32 $0x4000, s31;
	s1 =	sadd.s32 s1, s30  }
0xcf: {  	s0 =	sor.u32 s4, s0;
	s1 =	sshll.u32 s1, $0x11  }
0xd0: {  	s0 =	sor.u32 s1, s0  }
0xd1: {  	s0 =	sadd.s32 $0x8F2B, s0  }
0xd2: {  	[sflag:s0] =	ssyncadd.remote.s32 $0x1  }
0xd3: {  	_ =	sfence.sel $0xFFFF  }
0xd4: {  	[dreg:$0x0] =	wrdreg $0xFFFFFFFF;
	(pc) =	sbr.abs _section_cstart, $3  }
0xd5: {  	[dreg:$0x1] =	wrdreg $0xFFFFFFFF  }
0xd6: {  	_ =	task.clear_ibuf [dreg:s22], $0x2FFFF;
	_ =	strace $0x9FFFFFFF  }
0xd7: {  	(tm) =	ssettm $0x7FFFFFFF  }
tec
execute0_lowered:
.L_overlay_start_1:
0x0: {  	(tag) =	ssettag $0x1  }
0x1: {  	s1 =	srdreg.scid;
	s8 =	rddreg [dreg:$0x0]  }
0x2: {  	s0 =	stileid.u32;
	s2 =	rddreg [dreg:$0x1]  }
0x3: {  	s5 =	simm.s32 $0x1;
	s9 =	simm.s32 $0x1;
	s1 =	sshll.u32 s1, $0x5  }
0x4: {  	s10 =	simm.s32 $0x3;
	s3 =	sshll.u32 s0, $0x6;
	s4 =	sand.u32 $0x20, s1  }
0x5: {  	s13 =	simm.s32 $0x0;
	s12 =	simm.s32 $0x0;
	s3 =	sor.u32 s3, s4  }
0x6: {  	s1 =	rddreg [dreg:$0x2];
	_ =	strace $0x8000005C;
	s7 =	ssub.s32 $0x640, s3  }
.Ltmp0:
0x7: {  	s4 =	sadd.s32 $0x1200, s8;
	s6 =	sand.u32 $0x3E0, s7;
	(pc) =	sbr.rel .LBB2_1-.Ltmp0, $4  }
0x8: {  	[sflag:s5] =	ssyncpa.u1 $0x0;
	s8 =	sadd.s32 $0x4FA00, s8;
	p0 =	sne.s32 s6, $0x0  }
0x9: {  	s7 =	sshrl.u32 s7, $0xA;
	s6 =	simm.s32 $0x2;
	s9 =	simm.s32 @!p0 $0x0  }
0xa: {  	s11 =	smov.u32 s3;
	[sflag:s6] =	ssyncpa.u1 $0x0;
	s7 =	sadd.s32 s9, s7  }
0xb: {  	vm0 =	vmmov $0xffff;
	[sflag:s10] =	ssyncpa.u1 $0x0;
	s10 =	simm.s32 $0x0;
	s9 =	sadd.s32 $0x1, s7  }
.LBB2_5:
0xc: {  	s15 =	sadd.s32 $0x400, s11  }
0xd: {  	p1 =	sgt.s32 s15, $0x63F  }
0xe: {  	s15 =	smov.u32 @p1 s3;
	p1 =	sne.s32 s12, s9  }
.Ltmp1:
0xf: {  	p0 =	slt.u32 s12, $0x2;
	(pc) =	sbr.rel @!p1 .LBB2_6-.Ltmp1, $4  }
0x10: {  	s14 =	simm.s32 @!p0 $0x3  }
0x11: {  	_ =	swait.ge @!p0 [sflag:s14], $0x20  }
0x12: {  	s16 =	sadd.s32 $0x1, s12;
	s13 =	smov.u32 s11;
	[sflag:s14] =	ssyncset.done @!p0 $0x0  }
0x13: {  	s12 =	smov.u32 s16;
	s11 =	smov.u32 s15;
	[sflag:s14] =	ssyncadd.s32 @!p0 $0xFFFFFFE0  }
.LBB2_1:
0x14: {  	p0 =	sge.u32 s12, s7  }
0x15: {  	s14 =	sxor.u32 @!p0 $0xFFFFFFFF, s12  }
0x16: {  	s31 =	sadd.s32 $0xFFFFFFFF, s12;
	s15 =	sshrl.u32 @!p0 s11, $0x3;
	s14 =	sshll.u32 @!p0 s14, $0x5  }
0x17: {  	s16 =	sand.u32 @!p0 $0x7, s11;
	s15 =	sadd.s32 @!p0 s8, s15;
	s14 =	sand.u32 @!p0 $0x20, s14  }
0x18: {  	[tilespmem:s14], [sflag:$0x2] =	stream.linear.gather @!p0 [hbm4b:s15+s16], $0x20, $0x38;
	[tilespmem:$0x80] =	vst v63  }
0x19: {  	p0 =	sge.u32 s31, s7  }
.Ltmp2:
0x1a: {  	_ = 	snop;
	(pc) =	sbr.rel @p0 .LBB2_5-.Ltmp2, $1  }
0x1b: {  	_ =	sdelay $0x3  }
0x1c: {  	_ =	swait.ge [sflag:s6], $0x20;
	s14 =	sshll.u32 s12, $0x5;
	s16 =	simm.s32 $0x0  }
0x1d: {  	p0 =	por $0x1, $0x1;
	[sflag:s6] =	ssyncset.done $0x0;
	s15 =	sand.u32 $0x20, s14  }
0x1e: {  	[sflag:s6] =	ssyncadd.s32 $0xFFFFFFE0;
	(ifvalue) =	ssetifvalue $0x7FFFFFFF;
	s14 =	sor.u32 $0x40, s15  }
.LBB2_3:
0x1f: {  	s17 =	sadd.s32 s16, s15  }
0x20: {  	v0 =	vld.msk [tilespmem:s17+$0x0 ss:$0x1], $0xffff;
	_ =	sdelay $0x4  }
0x21: {  	vm1 =	veq.s32 v0, $0x80000000;
	v1 =	vand.u32 $0x7, v0;
	v0 =	vshrl.u32 v0, $0x3  }
0x22: {  	v1 =	vsel vm1, $0xFFFFFFFF, v1;
	v0 =	vand.u32 $0x1FFF, v0  }
0x23: {  	v0 =	vsel vm1, $0xFFFFFFFF, v0;
	v2 =	vshrl.u32 v1, $0x3  }
0x24: {  	v2 =	vmul.u32 $0x8400, v2;
	v3 =	vshll.u32 v0, $0x3  }
0x25: {  	v1 =	vshll.u32 v1, $0x7;
	v3 =	vand.u32 $0xFFFFFC00, v3  }
0x26: {  	v1 =	vand.u32 $0x380, v1;
	v2 =	vadd.s32 v2, v3  }
0x27: {  	v0 =	vand.u32 $0x7F, v0;
	v1 =	vor.u32 v1, v2  }
0x28: {  	p1 =	por p0, p0;
	v0 =	vor.u32 v0, v1  }
.Ltmp3:
0x29: {  	_ = 	snop;
	(pc) =	sbr.rel @p1 .LBB2_3-.Ltmp3, $4  }
0x2a: {  	_ = 	snop  }
0x2b: {  	s31 =	sadd.s32 s16, s14  }
0x2c: {  	s16 =	simm.s32 $0x10;
	p0 =	por $0x0, $0x0;
	(ifvalue) =	ssetifvalue $0x7FFFFFFF  }
0x2d: {  	[tilespmem:s31], [sflag:$0x1] =	stream.indirect_vreg.gather [hbm4b:s4+s10], $0x1, v0, vm0, $0x4038;
	[tilespmem:$0x80] =	vst v63  }
.Ltmp4:
0x2e: {  	(pc) =	sbr.rel .LBB2_5-.Ltmp4, $4  }
0x2f: {  	_ =	swait.ge [sflag:s5], $0x20  }
0x30: {  	s15 =	sshrl.u32 s13, $0x3;
	[sflag:s5] =	ssyncset.done $0x0  }
0x31: {  	s31 =	sand.u32 $0x7, s13;
	s15 =	sadd.s32 s2, s15;
	[sflag:s5] =	ssyncadd.s32 $0xFFFFFFE0  }
0x32: {  	[hbm4b:s15+s31] =	stream.linear.scatter [tilespmem:s14], [sflag:$0x3], $0x20, $0x38;
	[tilespmem:$0x80] =	vst v63  }
.LBB2_6:
0x33: {  	_ =	sfence.sel $0x180000  }
0x34: {  	s2 =	simm.s32 $0x2;
	[bflag:$0x0] =	sbarrier.arrive $0xFFFF  }
0x35: {  	s30 =	simm.s32 $0x3;
	[sflag:s2] =	ssyncpa.u1 $0x1  }
0x36: {  	s31 =	simm.s32 $0x1;
	[sflag:s30] =	ssyncpa.u1 $0x1  }
0x37: {  	[sflag:s31] =	ssyncpa.u1 $0x1  }
0x38: {  	p0 =	sne.s32 s0, $0x0;
	_ =	strace $0x9000005C  }
0x39: {  	s0 =	sadd.s32 @!p0 $0x100000, s1;
	[bflag:$0x2] =	sbarrier.arrive $0xFFFF  }
0x3a: {  	[sflag:s0] =	ssyncadd.tile.s32 @!p0 $0x1;
	_ =	shalt  }
.Lfunc_end2:
_tile_overlayer_lowered:
.L_overlay_start_2:
0x3b: {  	(tag) =	ssettag $0x2  }
0x3c: {  	s0 =	rddreg [dreg:$0x0];
	s2 =	stileid.u32  }
0x3d: {  	s1 =	rddreg [dreg:$0x1];
	p0 =	sne.s32 s2, $0x0  }
0x3e: {  	s3 =	rddreg [dreg:$0x2];
	[bflag:$0x3] =	sbarrier.arrive $0xFFFF;
	s2 =	simm.s32 @!p0 $0x1C01  }
0x3f: {  	[timem:s3], [sflag:s2] =	dma.local @!p0 [hbm:s0], s1  }
0x40: {  	s0 =	simm.s32 @!p0 $0x1  }
0x41: {  	_ =	swait.ge @!p0 [sflag:s0], s1  }
0x42: {  	s1 =	ssub.s32 @!p0 $0x0, s1;
	[sflag:s0] =	ssyncset.done @!p0 $0x0  }
0x43: {  	[sflag:s0] =	ssyncadd.s32 @!p0 s1  }
0x44: {  	[bflag:$0x3] =	sbarrier.arrive $0xFFFF  }
0x45: {  	_ =	shalt  }

// kernel: gather_offload_async_start.4
scs
__scs_entry_jumppad:
0x0: {  	(pc) =	sbr.rel $0x88, $3  }
0x1: {  	(tag) =	ssettag $0x0;
	lr =	simm.s32 $0x1  }
0x2: {  	[smem:$0x3F9E] =	sst lr;
	_ =	strace $0xD0000000  }
0x3: {  	_ = 	snop  }
0x4: {  	_ = 	snop  }
0x5: {  	_ = 	snop  }
0x6: {  	_ = 	snop  }
0x7: {  	_ = 	snop  }
__scs_overlays_trampoline_lowered:
0x8: {  	[smem:$0x3FAD] =	sst s0  }
0x9: {  	[smem:$0x3FAE] =	sst s1  }
0xa: {  	[smem:$0x3FAF] =	sst s2  }
0xb: {  	[smem:$0x3FB0] =	sst s3  }
0xc: {  	[smem:$0x3FB1] =	sst s4  }
0xd: {  	[smem:$0x3FB2] =	sst s5  }
0xe: {  	[smem:$0x3FB3] =	sst s6  }
0xf: {  	[smem:$0x3FB4] =	sst s7  }
0x10: {  	[smem:$0x3FB5] =	sst s8  }
0x11: {  	[smem:$0x3FB6] =	sst s9;
	s0 =	simm.s32 @!p0 $0x0  }
0x12: {  	s1 =	sld [smem:$0x3F9C];
	s0 =	simm.s32 @p0 $0x1  }
0x13: {  	[smem:$0x3FB7] =	sst s0;
	s0 =	simm.s32 @!p1 $0x0  }
0x14: {  	s2 =	sld [smem:$0x3F9B];
	s0 =	simm.s32 @p1 $0x1  }
0x15: {  	[smem:$0x3FB8] =	sst s0;
	s0 =	simm.s32 @!p2 $0x0  }
0x16: {  	s3 =	sld [smem:$0x3FDB];
	s0 =	simm.s32 @p2 $0x1  }
0x17: {  	s4 =	simm.s32 $0x1BF5;
	[smem:$0x3FBA] =	sst s0  }
0x18: {  	s0 =	sld [smem:$0x3F9D];
	_ =	swait.ge [sflag:s4], $0x0  }
0x19: {  	s7 =	sld [smem:$0x3F9E]  }
0x1a: {  	s8 =	sadd.s32 $0xFFFFE003, lr  }
0x1b: {  	s9 =	sadd.s32 $0xFFFFFEF7, lr;
	s5 =	simm.s32 $0xFFFFFFFF;
	p2 =	slt.u32 s8, $0xFFFFF086  }
0x1c: {  	p1 =	slt.u32 s9, $0xF7A;
	s5 =	simm.s32 @!p2 $0x0  }
0x1d: {  	s5 =	simm.s32 @p1 $0x1;
	p0 =	seq.s32 s7, s2  }
0x1e: {  	s7 =	smul.u32 @!p0 $0xF7A, s2;
	p2 =	seq.s32 @!p0 s5, $0x0  }
0x1f: {  	s9 =	smul.u32 $0xF7A, s1;
	s8 =	simm.s32 @!p0 $0x1BF5;
	p2 =	por !p2, p0  }
0x20: {  	[sflag:s8] =	ssyncset.s32 @!p0 $0xFFFFF086;
	s6 =	sadd.s32 @!p0 s3, s7;
	s7 =	simm.s32 @!p0 $0x108  }
0x21: {  	s3 =	sadd.s32 s3, s9;
	s6 =	sadd.s32 @!p0 $0x88, s6;
	s7 =	simm.s32 @p2 $0x1082  }
0x22: {  	[simem:s7], [sflag:s8] =	dma.local @!p0 [hbm:s6], $0xF7A  }
0x23: {  	s9 =	sor.u32 $0xD0000000, s2;
	s6 =	simm.s32 $0x108;
	_ =	swait.ge @!p0 [sflag:s8], $0x0  }
0x24: {  	s3 =	sadd.s32 $0x88, s3;
	s6 =	simm.s32 @!p1 $0x1082;
	[sflag:s4] =	ssyncset.s32 $0xFFFFF086  }
0x25: {  	[simem:s6], [sflag:s4] =	dma.local [hbm:s3], $0xF7A  }
0x26: {  	[smem:$0x3F9E] =	sst s1;
	(tag) =	ssettag s2;
	_ =	strace s9  }
0x27: {  	s1 =	sld [smem:$0x3FAE]  }
0x28: {  	s2 =	sld [smem:$0x3FAF]  }
0x29: {  	s4 =	sld [smem:$0x3FB1]  }
0x2a: {  	p0 =	seq.s32 s5, $0x0;
	s5 =	sld [smem:$0x3FB2]  }
0x2b: {  	s6 =	sld [smem:$0x3FB3]  }
0x2c: {  	s7 =	sld [smem:$0x3FB4]  }
0x2d: {  	s3 =	simm.s32 $0x108;
	s8 =	sld [smem:$0x3FB5]  }
0x2e: {  	s3 =	simm.s32 @!p0 $0x1082;
	s9 =	sld [smem:$0x3FB6]  }
0x2f: {  	lr =	sadd.s32 s0, s3;
	s0 =	sld [smem:$0x3FAD]  }
0x30: {  	s3 =	sld [smem:$0x3FB0]  }
0x31: {  	[smem:$0x3FB9] =	sst s10  }
0x32: {  	s10 =	sld [smem:$0x3FB7];
	_ =	sdelay $0x3  }
0x33: {  	p0 =	seq.s32 s10, $0x1;
	s10 =	sld [smem:$0x3FB9];
	_ =	sdelay $0x3  }
0x34: {  	[smem:$0x3FB9] =	sst s10  }
0x35: {  	s10 =	sld [smem:$0x3FB8];
	_ =	sdelay $0x3  }
0x36: {  	p1 =	seq.s32 s10, $0x1;
	s10 =	sld [smem:$0x3FB9];
	_ =	sdelay $0x3  }
0x37: {  	[smem:$0x3FB9] =	sst s10  }
0x38: {  	s10 =	sld [smem:$0x3FBA]  }
0x39: {  	_ = 	snop;
	(pc) =	sbr.ind lr, $3  }
0x3a: {  	_ = 	snop  }
0x3b: {  	_ = 	snop  }
0x3c: {  	p2 =	seq.s32 s10, $0x1;
	s10 =	sld [smem:$0x3FB9]  }
0x3d: {  	_ =	shalt  }
0x3e: {  	_ =	shalt  }
0x3f: {  	_ =	shalt  }
0x40: {  	_ =	shalt  }
0x41: {  	_ =	shalt  }
0x42: {  	_ =	shalt  }
0x43: {  	_ =	shalt  }
0x44: {  	_ =	shalt  }
0x45: {  	_ =	shalt  }
0x46: {  	_ =	shalt  }
0x47: {  	_ =	shalt  }
0x48: {  	_ =	shalt  }
0x49: {  	_ =	shalt  }
0x4a: {  	_ =	shalt  }
0x4b: {  	_ =	shalt  }
0x4c: {  	_ =	shalt  }
0x4d: {  	_ =	shalt  }
0x4e: {  	_ =	shalt  }
0x4f: {  	_ =	shalt  }
0x50: {  	_ =	shalt  }
0x51: {  	_ =	shalt  }
0x52: {  	_ =	shalt  }
0x53: {  	_ =	shalt  }
0x54: {  	_ =	shalt  }
0x55: {  	_ =	shalt  }
0x56: {  	_ =	shalt  }
0x57: {  	_ =	shalt  }
0x58: {  	_ =	shalt  }
0x59: {  	_ =	shalt  }
0x5a: {  	_ =	shalt  }
0x5b: {  	_ =	shalt  }
0x5c: {  	_ =	shalt  }
0x5d: {  	_ =	shalt  }
0x5e: {  	_ =	shalt  }
0x5f: {  	_ =	shalt  }
0x60: {  	_ =	shalt  }
0x61: {  	_ =	shalt  }
0x62: {  	_ =	shalt  }
0x63: {  	_ =	shalt  }
0x64: {  	_ =	shalt  }
0x65: {  	_ =	shalt  }
0x66: {  	_ =	shalt  }
0x67: {  	_ =	shalt  }
0x68: {  	_ =	shalt  }
0x69: {  	_ =	shalt  }
0x6a: {  	_ =	shalt  }
0x6b: {  	_ =	shalt  }
0x6c: {  	_ =	shalt  }
0x6d: {  	_ =	shalt  }
0x6e: {  	_ =	shalt  }
0x6f: {  	_ =	shalt  }
0x70: {  	_ =	shalt  }
0x71: {  	_ =	shalt  }
0x72: {  	_ =	shalt  }
0x73: {  	_ =	shalt  }
0x74: {  	_ =	shalt  }
0x75: {  	_ =	shalt  }
0x76: {  	_ =	shalt  }
0x77: {  	_ =	shalt  }
0x78: {  	_ =	shalt  }
0x79: {  	_ =	shalt  }
0x7a: {  	_ =	shalt  }
0x7b: {  	_ =	shalt  }
0x7c: {  	_ =	shalt  }
0x7d: {  	_ =	shalt  }
0x7e: {  	_ =	shalt  }
0x7f: {  	_ =	shalt  }
0x80: {  	_ =	shalt  }
0x81: {  	_ =	shalt  }
0x82: {  	_ =	shalt  }
0x83: {  	_ =	shalt  }
0x84: {  	_ =	shalt  }
0x85: {  	_ =	shalt  }
0x86: {  	_ =	shalt  }
0x87: {  	_ =	shalt  }
.Lfunc_end0:
.L_simem_size_0:
called_computation.4_lowered:
.L_overlay_start_0:
0x88: {  	s2 =	sld [smem:$0x3FD9]  }
0x89: {  	s3 =	sld [smem:$0x3FFE];
	_ =	sdelay $0x1  }
0x8a: {  	s1 =	srdreg.scid  }
0x8b: {  	s0 =	sand.u32 $0x1, s1  }
0x8c: {  	s17 =	sshll.u32 s0, $0xA;
	s2 =	sadd.s32 s3, s2  }
0x8d: {  	s2 =	sadd.s32 s2, s17  }
0x8e: {  	[smem:$0x3FC5] =	sst s2  }
0x8f: {  	_ = 	snop  }
0x90: {  	(tm) =	ssettm $0x1  }
0x91: {  	s18 =	sld [smem:$0x3FFB];
	_ =	sdelay $0x3  }
0x92: {  	_ =	strace s18  }
0x93: {  	s2 =	sld [smem:$0x3FFC];
	_ =	sdelay $0x3  }
0x94: {  	_ =	strace s2  }
0x95: {  	s2 =	sld [smem:$0x3FFD];
	_ =	sdelay $0x3  }
0x96: {  	_ =	strace s2  }
0x97: {  	_ =	strace $0x8FFFFFFF  }
0x98: {  	s19 =	sld [smem:$0x3FDB];
	_ =	sdelay $0x1  }
0x99: {  	s20 =	simm.s32 $_scs_section_size  }
0x9a: {  	s4 =	simm.s32 $_size__tile_overlayer_lowered;
	s5 =	simm.s32 $_tile_overlayer_lowered  }
0x9b: {  	s6 =	simm.s32 $0x1BFF;
	s21 =	sshll.u32 s5, $0x1;
	s3 =	sadd.s32 s20, s19  }
0x9c: {  	s22 =	simm.s32 $0x0;
	s4 =	sshll.u32 s4, $0x1;
	s5 =	sadd.s32 s21, s3  }
0x9d: {  	[timem:s22], [sflag:s6] =	dma.local [hbm:s5], s4  }
0x9e: {  	_ =	swait.ge [sflag:s6], s4  }
0x9f: {  	s4 =	ssub.s32 $0x0, s4;
	[sflag:s6] =	ssyncset.done $0x0  }
0xa0: {  	[sflag:s6] =	ssyncadd.s32 s4;
	_ =	sdelay $0x1  }
0xa1: {  	s23 =	simm.s32 $0x1B8B  }
0xa2: {  	_ =	swait.ge [sflag:s23], $0x1  }
0xa3: {  	[sflag:s23] =	ssyncset.done $0x0  }
0xa4: {  	[sflag:s23] =	ssyncadd.s32 $0xFFFFFFFF  }
0xa5: {  	s4 =	sld [smem:$0x0]  }
0xa6: {  	s5 =	sand.u32 $0xFFFFFFFE, s1  }
0xa7: {  	p0 =	sne.s32 s1, s5  }
0xa8: {  	s5 =	sshll.u32 @p0 s5, $0xE  }
0xa9: {  	s5 =	sadd.s32 @p0 $0x11B8D, s5;
	s6 =	sshll.u32 @p0 s4, $0x11  }
0xaa: {  	s5 =	sor.u32 @p0 s6, s5  }
0xab: {  	[sflag:s5] =	ssyncadd.remote.s32 @p0 $0x1;
	_ =	sdelay $0x1  }
0xac: {  	s5 =	simm.s32 @p0 $0x1B8D  }
0xad: {  	_ =	swait.eq @p0 [sflag:s5], $0x1  }
0xae: {  	[sflag:s5] =	ssyncadd.s32 @p0 $0xFFFFFFFF  }
0xaf: {  	s6 =	sshll.u32 @!p0 s1, $0xE  }
0xb0: {  	s6 =	sor.u32 @!p0 $0x4000, s6;
	s5 =	simm.s32 @!p0 $0x1B8D  }
0xb1: {  	s4 =	sshll.u32 @!p0 s4, $0x11;
	s6 =	sadd.s32 @!p0 $0x11B8D, s6;
	_ =	swait.eq @!p0 [sflag:s5], $0x1  }
0xb2: {  	s4 =	sor.u32 @!p0 s4, s6;
	[sflag:s5] =	ssyncadd.s32 @!p0 $0xFFFFFFFF  }
0xb3: {  	s25 =	simm.s32 $0x1B8E;
	s24 =	sld [smem:$0x3FFE];
	[sflag:s4] =	ssyncadd.remote.s32 @!p0 $0x1  }
0xb4: {  	s26 =	simm.s32 $execute0_lowered;
	[smem:$0x3FD2] =	sst s25  }
0xb5: {  	s5 =	sshll.u32 s26, $0x1;
	_ =	strace $0x80000052;
	[dreg:$0x1] =	wrdreg $0xFFFFFFFF  }
0xb6: {  	s28 =	simm.s32 $_size_execute0_lowered;
	s3 =	sadd.s32 s3, s5;
	[dreg:$0x0] =	wrdreg $0x0  }
0xb7: {  	s5 =	sshll.u32 s28, $0x1;
	[dreg:$0x2] =	wrdreg s3  }
0xb8: {  	[dreg:$0x3] =	wrdreg s5  }
0xb9: {  	[dreg:$0x4] =	wrdreg $0xC0  }
0xba: {  	_ =	task [dreg:s22], $0x5FFFF  }
0xbb: {  	[dreg:$0x1] =	wrdreg $0xFFFFFFFF  }
0xbc: {  	[dreg:$0x0] =	wrdreg $0x60  }
0xbd: {  	[dreg:$0x2] =	wrdreg s24  }
0xbe: {  	[dreg:$0x3] =	wrdreg $0x9  }
0xbf: {  	_ =	task.clear_ibuf [dreg:s22], $0x4FFFF;
	_ =	strace $0x90000052  }
0xc0: {  	s29 =	simm.s32 $0x9;
	_ =	strace $0x80000054  }
0xc1: {  	_ =	swait.ge [sflag:s29], $0x1  }
0xc2: {  	[sflag:s29] =	ssyncadd.s32 $0xFFFFFFFF  }
0xc3: {  	_ =	strace $0x90000054  }
0xc4: {  	_ =	sfence  }
0xc5: {  	s30 =	sld [smem:$0x0];
	_ =	sdelay $0x2  }
0xc6: {  	s31 =	sshll.u32 s1, $0xD;
	s1 =	sshrl.u32 s1, $0x2  }
0xc7: {  	s4 =	sand.u32 $0x4000, s31;
	s1 =	sadd.s32 s1, s30  }
0xc8: {  	s0 =	sor.u32 s4, s0;
	s1 =	sshll.u32 s1, $0x11  }
0xc9: {  	s0 =	sor.u32 s1, s0  }
0xca: {  	s0 =	sadd.s32 $0x8F2B, s0  }
0xcb: {  	[sflag:s0] =	ssyncadd.remote.s32 $0x1  }
0xcc: {  	_ =	sfence.sel $0xFFFF  }
0xcd: {  	[dreg:$0x0] =	wrdreg $0xFFFFFFFF;
	(pc) =	sbr.abs _section_cstart, $3  }
0xce: {  	[dreg:$0x1] =	wrdreg $0xFFFFFFFF  }
0xcf: {  	_ =	task.clear_ibuf [dreg:s22], $0x2FFFF;
	_ =	strace $0x9FFFFFFF  }
0xd0: {  	(tm) =	ssettm $0x7FFFFFFF  }
0xd1: {  	_ =	shalt  }
tec
execute0_lowered:
.L_overlay_start_1:
0x0: {  	(tag) =	ssettag $0x1  }
0x1: {  	s8 =	rddreg [dreg:$0x0]  }
0x2: {  	s0 =	rddreg [dreg:$0x1];
	_ =	strace $0x80000053;
	s1 =	stileid.u32  }
0x3: {  	s3 =	srdreg.scid;
	s4 =	simm.s32 $0x1;
	s7 =	simm.s32 $0x1  }
0x4: {  	s9 =	simm.s32 $0x1;
	s10 =	simm.s32 $0x3;
	s13 =	simm.s32 $0x0  }
0x5: {  	s12 =	simm.s32 $0x0;
	s5 =	sand.u32 $0x1, s3;
	s6 =	sshll.u32 s1, $0x1  }
0x6: {  	s2 =	sadd.s32 $0x38400, s8;
	s3 =	sadd.s32 $0x4FC00, s8;
	s5 =	sor.u32 s6, s5  }
.Ltmp0:
0x7: {  	[sflag:s4] =	ssyncpa.u1 $0x0;
	p0 =	slt.u32 s5, $0xB;
	(pc) =	sbr.rel .LBB2_1-.Ltmp0, $4  }
0x8: {  	s6 =	simm.s32 $0x2;
	s7 =	simm.s32 @!p0 $0x0;
	p0 =	sne.s32 s5, $0xA  }
0x9: {  	[sflag:s6] =	ssyncpa.u1 $0x0;
	s5 =	smul.u32 $0x320, s5;
	s9 =	simm.s32 @!p0 $0x0  }
0xa: {  	s8 =	sadd.s32 $0x600, s8;
	[sflag:s10] =	ssyncpa.u1 $0x0;
	s7 =	sadd.s32 s9, s7  }
0xb: {  	vm0 =	vmmov $0xffff;
	s10 =	simm.s32 $0x0;
	s11 =	smov.u32 s5;
	s9 =	sadd.s32 $0x1, s7  }
.LBB2_4:
0xc: {  	v5 =	vshrl.u32 v1, $0x3;
	v6 =	vshll.u32 v1, $0x2  }
0xd: {  	v3 =	vor.u32 v4, v3;
	vm1 =	veq.s32 v1, $0x80000000;
	v58 =	vand.u32 $0x7, v1  }
0xe: {  	v1 =	vsel vm1, $0xFFFFFFFF, v58;
	v59 =	vand.u32 $0x1F, v5;
	v60 =	vand.u32 $0xFFC00, v6  }
0xf: {  	v4 =	vsel vm1, $0xFFFFFFFF, v59;
	v5 =	vsel vm1, $0xFFFFFC00, v60;
	v61 =	vand.u32 $0xFFFFFC00, v1  }
0x10: {  	v1 =	vshll.u32 v1, $0x7;
	v5 =	vadd.s32 v61, v5;
	v62 =	vand.u32 $0xFFFFFC00, v4  }
0x11: {  	v2 =	vor.u32 v2, v3;
	v1 =	vand.u32 $0x380, v1;
	v63 =	vadd.s32 v62, v5  }
0x12: {  	v4 =	vand.u32 $0x7F, v4;
	v1 =	vor.u32 v1, v63  }
0x13: {  	v1 =	vor.u32 v4, v1  }
0x14: {  	[tilespmem:s16], [sflag:$0x1] =	stream.indirect_vreg.gather [hbm4b:s2+s10], $0x1, v0, vm0, $0x4038;
	[tilespmem:$0xC80] =	vst v63  }
0x15: {  	(ifvalue) =	ssetifvalue $0x7FFFFFFF  }
0x16: {  	[tilespmem:s15], [sflag:$0x1] =	stream.indirect_vreg.gather [hbm4b:s2+s10], $0x1, v2, vm0, $0x4038;
	[tilespmem:$0xC80] =	vst v63  }
0x17: {  	s29 =	sadd.s32 $0x10, s15;
	(ifvalue) =	ssetifvalue $0x7FFFFFFF  }
0x18: {  	[tilespmem:s29], [sflag:$0x1] =	stream.indirect_vreg.gather [hbm4b:s2+s10], $0x1, v1, vm0, $0x4038;
	[tilespmem:$0xC80] =	vst v63  }
0x19: {  	_ =	swait.ge [sflag:s4], $0x320  }
0x1a: {  	s30 =	sshrl.u32 s13, $0x3;
	[sflag:s4] =	ssyncset.done $0x0  }
0x1b: {  	s31 =	sand.u32 $0x7, s13;
	s15 =	sadd.s32 s8, s30;
	[sflag:s4] =	ssyncadd.s32 $0xFFFFFCE0  }
0x1c: {  	[hbm4b:s15+s31] =	stream.linear.scatter [tilespmem:s14], [sflag:$0x3], $0x320, $0x38;
	[tilespmem:$0xC80] =	vst v63  }
.LBB2_5:
0x1d: {  	s15 =	sadd.s32 $0x6400, s11  }
0x1e: {  	p1 =	sgt.s32 s15, $0x833F  }
0x1f: {  	s15 =	smov.u32 @p1 s5;
	p1 =	sne.s32 s12, s9  }
.Ltmp1:
0x20: {  	p0 =	slt.u32 s12, $0x2;
	(pc) =	sbr.rel @!p1 .LBB2_6-.Ltmp1, $4  }
0x21: {  	s14 =	simm.s32 @!p0 $0x3  }
0x22: {  	_ =	swait.ge @!p0 [sflag:s14], $0x320  }
0x23: {  	s16 =	sadd.s32 $0x1, s12;
	s13 =	smov.u32 s11;
	[sflag:s14] =	ssyncset.done @!p0 $0x0  }
0x24: {  	s12 =	smov.u32 s16;
	s11 =	smov.u32 s15;
	[sflag:s14] =	ssyncadd.s32 @!p0 $0xFFFFFCE0  }
.LBB2_1:
0x25: {  	p0 =	sge.u32 s12, s7  }
0x26: {  	s14 =	sxor.u32 @!p0 $0x1, s12  }
0x27: {  	s14 =	smul.u32 @!p0 $0xC80, s14  }
0x28: {  	s31 =	sadd.s32 $0xFFFFFFFF, s12;
	s15 =	sshrl.u32 @!p0 s11, $0x3  }
0x29: {  	s16 =	sand.u32 @!p0 $0x7, s11;
	s15 =	sadd.s32 @!p0 s3, s15;
	s14 =	sshra.s32 @!p0 s14, $0x2  }
0x2a: {  	[tilespmem:s14], [sflag:$0x2] =	stream.linear.gather @!p0 [hbm4b:s15+s16], $0x320, $0x38;
	[tilespmem:$0xC80] =	vst v63  }
0x2b: {  	p0 =	sge.u32 s31, s7  }
.Ltmp2:
0x2c: {  	_ = 	snop;
	(pc) =	sbr.rel @p0 .LBB2_5-.Ltmp2, $1  }
0x2d: {  	_ =	sdelay $0x3  }
0x2e: {  	s14 =	sand.u32 $0x1, s12  }
0x2f: {  	_ =	swait.ge [sflag:s6], $0x320;
	p0 =	seq.s32 s14, $0x1;
	s14 =	simm.s32 $0x320  }
0x30: {  	[sflag:s6] =	ssyncset.done $0x0;
	s14 =	simm.s32 @!p0 $0x0  }
0x31: {  	[sflag:s6] =	ssyncadd.s32 $0xFFFFFCE0;
	(ifvalue) =	ssetifvalue $0x7FFFFFFF;
	v0 =	vld.msk [tilespmem:s14+$0x0 ss:$0x1], $0xffff;
	_ =	sdelay $0x3  }
0x32: {  	s15 =	sadd.s32 $0x10, s14  }
0x33: {  	v2 =	vld.msk [tilespmem:s15+$0x0 ss:$0x1], $0xffff;
	v1 =	vshrl.u32 v0, $0x3  }
0x34: {  	v3 =	vshll.u32 v0, $0x2;
	vm1 =	veq.s32 v0, $0x80000000;
	v0 =	vand.u32 $0x7, v0  }
0x35: {  	v0 =	vsel vm1, $0xFFFFFFFF, v0;
	v1 =	vand.u32 $0x1F, v1;
	v3 =	vand.u32 $0xFFC00, v3  }
0x36: {  	v1 =	vsel vm1, $0xFFFFFFFF, v1;
	v3 =	vsel vm1, $0xFFFFFC00, v3;
	v4 =	vand.u32 $0xFFFFFC00, v0  }
0x37: {  	v0 =	vshll.u32 v0, $0x7;
	v3 =	vadd.s32 v4, v3;
	v4 =	vand.u32 $0xFFFFFC00, v1  }
0x38: {  	v5 =	vshll.u32 v2, $0x2;
	v0 =	vand.u32 $0x380, v0;
	v3 =	vadd.s32 v4, v3  }
0x39: {  	vm1 =	veq.s32 v2, $0x80000000;
	v1 =	vand.u32 $0x7F, v1;
	v0 =	vor.u32 v0, v3  }
0x3a: {  	v4 =	vshrl.u32 v2, $0x3;
	v2 =	vand.u32 $0x7, v2;
	v0 =	vor.u32 v1, v0  }
0x3b: {  	s15 =	sadd.s32 $0x10, s15;
	v2 =	vsel vm1, $0xFFFFFFFF, v2;
	v3 =	vand.u32 $0xFFC00, v5;
	v1 =	vand.u32 $0x1F, v4  }
0x3c: {  	s14 =	sadd.s32 $0x640, s14;
	v3 =	vsel vm1, $0xFFFFFC00, v3;
	v5 =	vand.u32 $0xFFFFFC00, v2;
	v4 =	vsel vm1, $0xFFFFFFFF, v1;
	v1 =	vld.msk [tilespmem:s15+$0x0 ss:$0x1], $0xffff  }
0x3d: {  	s17 =	simm.s32 $0x20;
	s16 =	smov.u32 s14;
	v6 =	vshll.u32 v2, $0x7;
	v3 =	vadd.s32 v5, v3;
	v5 =	vand.u32 $0xFFFFFC00, v4  }
0x3e: {  	s18 =	sadd.s32 $0x10, s15;
	(ifvalue) =	ssetifvalue $0x7FFFFFFF;
	s15 =	sadd.s32 $0x10, s14;
	v2 =	vand.u32 $0x7F, v4;
	v4 =	vand.u32 $0x380, v6;
	v3 =	vadd.s32 v5, v3  }
.LBB2_3:
0x3f: {  	[tilespmem:s16], [sflag:$0x1] =	stream.indirect_vreg.gather [hbm4b:s2+s10], $0x1, v0, vm0, $0x4038;
	[tilespmem:$0xC80] =	vst v63  }
0x40: {  	s17 =	sadd.s32 $0x10, s17  }
0x41: {  	v5 =	vshrl.u32 v1, $0x3;
	v6 =	vshll.u32 v1, $0x2;
	v3 =	vor.u32 v4, v3;
	v0 =	vmovc v1;
	v1 =	vld.msk [tilespmem:s18+$0x0 ss:$0x1], $0xffff;
	p0 =	slt.u32 s17, $0x310  }
.Ltmp3:
0x42: {  	s16 =	smov.u32 s15;
	vm1 =	veq.s32 v0, $0x80000000;
	v4 =	vand.u32 $0x7, v0;
	v0 =	vor.u32 v2, v3;
	(pc) =	sbr.rel @p0 .LBB2_3-.Ltmp3, $4  }
0x43: {  	v3 =	vand.u32 $0x1F, v5;
	v2 =	vsel vm1, $0xFFFFFFFF, v4;
	v4 =	vand.u32 $0xFFC00, v6  }
0x44: {  	v3 =	vsel vm1, $0xFFFFFFFF, v3;
	v4 =	vsel vm1, $0xFFFFFC00, v4;
	v5 =	vand.u32 $0xFFFFFC00, v2  }
0x45: {  	v6 =	vshll.u32 v2, $0x7;
	v4 =	vadd.s32 v5, v4;
	v5 =	vand.u32 $0xFFFFFC00, v3  }
0x46: {  	s18 =	sadd.s32 $0x10, s18;
	s15 =	sadd.s32 $0x10, s15;
	v2 =	vand.u32 $0x7F, v3;
	v3 =	vadd.s32 v5, v4;
	v4 =	vand.u32 $0x380, v6;
	(ifvalue) =	ssetifvalue $0x7FFFFFFF  }
.Ltmp4:
0x47: {  	_ = 	snop;
	(pc) =	sbr.rel .LBB2_4-.Ltmp4, $1  }
0x48: {  	_ =	sdelay $0x3  }
.LBB2_6:
0x49: {  	_ =	sfence.sel $0x180000  }
0x4a: {  	s2 =	simm.s32 $0x2;
	[bflag:$0x0] =	sbarrier.arrive $0xFFFF  }
0x4b: {  	s30 =	simm.s32 $0x3;
	[sflag:s2] =	ssyncpa.u1 $0x1  }
0x4c: {  	s31 =	simm.s32 $0x1;
	[sflag:s30] =	ssyncpa.u1 $0x1  }
0x4d: {  	[sflag:s31] =	ssyncpa.u1 $0x1  }
0x4e: {  	p0 =	sne.s32 s1, $0x0;
	_ =	strace $0x90000053  }
0x4f: {  	s0 =	sadd.s32 @!p0 $0x100000, s0;
	[bflag:$0x2] =	sbarrier.arrive $0xFFFF  }
0x50: {  	[sflag:s0] =	ssyncadd.tile.s32 @!p0 $0x1;
	_ =	shalt  }
.Lfunc_end2:
_tile_overlayer_lowered:
.L_overlay_start_2:
0x51: {  	(tag) =	ssettag $0x2  }
0x52: {  	s0 =	rddreg [dreg:$0x0];
	s2 =	stileid.u32  }
0x53: {  	s1 =	rddreg [dreg:$0x1];
	p0 =	sne.s32 s2, $0x0  }
0x54: {  	s3 =	rddreg [dreg:$0x2];
	[bflag:$0x3] =	sbarrier.arrive $0xFFFF;
	s2 =	simm.s32 @!p0 $0x1C01  }
0x55: {  	[timem:s3], [sflag:s2] =	dma.local @!p0 [hbm:s0], s1  }
0x56: {  	s0 =	simm.s32 @!p0 $0x1  }
0x57: {  	_ =	swait.ge @!p0 [sflag:s0], s1  }
0x58: {  	s1 =	ssub.s32 @!p0 $0x0, s1;
	[sflag:s0] =	ssyncset.done @!p0 $0x0  }
0x59: {  	[sflag:s0] =	ssyncadd.s32 @!p0 s1  }
0x5a: {  	[bflag:$0x3] =	sbarrier.arrive $0xFFFF  }
0x5b: {  	_ =	shalt  }

// kernel: gather_offload_async_start.5
scs
__scs_entry_jumppad:
0x0: {  	(pc) =	sbr.rel $0x88, $3  }
0x1: {  	(tag) =	ssettag $0x0;
	lr =	simm.s32 $0x1  }
0x2: {  	[smem:$0x3F9E] =	sst lr;
	_ =	strace $0xD0000000  }
0x3: {  	_ = 	snop  }
0x4: {  	_ = 	snop  }
0x5: {  	_ = 	snop  }
0x6: {  	_ = 	snop  }
0x7: {  	_ = 	snop  }
__scs_overlays_trampoline_lowered:
0x8: {  	[smem:$0x3FAD] =	sst s0  }
0x9: {  	[smem:$0x3FAE] =	sst s1  }
0xa: {  	[smem:$0x3FAF] =	sst s2  }
0xb: {  	[smem:$0x3FB0] =	sst s3  }
0xc: {  	[smem:$0x3FB1] =	sst s4  }
0xd: {  	[smem:$0x3FB2] =	sst s5  }
0xe: {  	[smem:$0x3FB3] =	sst s6  }
0xf: {  	[smem:$0x3FB4] =	sst s7  }
0x10: {  	[smem:$0x3FB5] =	sst s8  }
0x11: {  	[smem:$0x3FB6] =	sst s9;
	s0 =	simm.s32 @!p0 $0x0  }
0x12: {  	s1 =	sld [smem:$0x3F9C];
	s0 =	simm.s32 @p0 $0x1  }
0x13: {  	[smem:$0x3FB7] =	sst s0;
	s0 =	simm.s32 @!p1 $0x0  }
0x14: {  	s2 =	sld [smem:$0x3F9B];
	s0 =	simm.s32 @p1 $0x1  }
0x15: {  	[smem:$0x3FB8] =	sst s0;
	s0 =	simm.s32 @!p2 $0x0  }
0x16: {  	s3 =	sld [smem:$0x3FDB];
	s0 =	simm.s32 @p2 $0x1  }
0x17: {  	s4 =	simm.s32 $0x1BF5;
	[smem:$0x3FBA] =	sst s0  }
0x18: {  	s0 =	sld [smem:$0x3F9D];
	_ =	swait.ge [sflag:s4], $0x0  }
0x19: {  	s7 =	sld [smem:$0x3F9E]  }
0x1a: {  	s8 =	sadd.s32 $0xFFFFE003, lr  }
0x1b: {  	s9 =	sadd.s32 $0xFFFFFEF7, lr;
	s5 =	simm.s32 $0xFFFFFFFF;
	p2 =	slt.u32 s8, $0xFFFFF086  }
0x1c: {  	p1 =	slt.u32 s9, $0xF7A;
	s5 =	simm.s32 @!p2 $0x0  }
0x1d: {  	s5 =	simm.s32 @p1 $0x1;
	p0 =	seq.s32 s7, s2  }
0x1e: {  	s7 =	smul.u32 @!p0 $0xF7A, s2;
	p2 =	seq.s32 @!p0 s5, $0x0  }
0x1f: {  	s9 =	smul.u32 $0xF7A, s1;
	s8 =	simm.s32 @!p0 $0x1BF5;
	p2 =	por !p2, p0  }
0x20: {  	[sflag:s8] =	ssyncset.s32 @!p0 $0xFFFFF086;
	s6 =	sadd.s32 @!p0 s3, s7;
	s7 =	simm.s32 @!p0 $0x108  }
0x21: {  	s3 =	sadd.s32 s3, s9;
	s6 =	sadd.s32 @!p0 $0x88, s6;
	s7 =	simm.s32 @p2 $0x1082  }
0x22: {  	[simem:s7], [sflag:s8] =	dma.local @!p0 [hbm:s6], $0xF7A  }
0x23: {  	s9 =	sor.u32 $0xD0000000, s2;
	s6 =	simm.s32 $0x108;
	_ =	swait.ge @!p0 [sflag:s8], $0x0  }
0x24: {  	s3 =	sadd.s32 $0x88, s3;
	s6 =	simm.s32 @!p1 $0x1082;
	[sflag:s4] =	ssyncset.s32 $0xFFFFF086  }
0x25: {  	[simem:s6], [sflag:s4] =	dma.local [hbm:s3], $0xF7A  }
0x26: {  	[smem:$0x3F9E] =	sst s1;
	(tag) =	ssettag s2;
	_ =	strace s9  }
0x27: {  	s1 =	sld [smem:$0x3FAE]  }
0x28: {  	s2 =	sld [smem:$0x3FAF]  }
0x29: {  	s4 =	sld [smem:$0x3FB1]  }
0x2a: {  	p0 =	seq.s32 s5, $0x0;
	s5 =	sld [smem:$0x3FB2]  }
0x2b: {  	s6 =	sld [smem:$0x3FB3]  }
0x2c: {  	s7 =	sld [smem:$0x3FB4]  }
0x2d: {  	s3 =	simm.s32 $0x108;
	s8 =	sld [smem:$0x3FB5]  }
0x2e: {  	s3 =	simm.s32 @!p0 $0x1082;
	s9 =	sld [smem:$0x3FB6]  }
0x2f: {  	lr =	sadd.s32 s0, s3;
	s0 =	sld [smem:$0x3FAD]  }
0x30: {  	s3 =	sld [smem:$0x3FB0]  }
0x31: {  	[smem:$0x3FB9] =	sst s10  }
0x32: {  	s10 =	sld [smem:$0x3FB7];
	_ =	sdelay $0x3  }
0x33: {  	p0 =	seq.s32 s10, $0x1;
	s10 =	sld [smem:$0x3FB9];
	_ =	sdelay $0x3  }
0x34: {  	[smem:$0x3FB9] =	sst s10  }
0x35: {  	s10 =	sld [smem:$0x3FB8];
	_ =	sdelay $0x3  }
0x36: {  	p1 =	seq.s32 s10, $0x1;
	s10 =	sld [smem:$0x3FB9];
	_ =	sdelay $0x3  }
0x37: {  	[smem:$0x3FB9] =	sst s10  }
0x38: {  	s10 =	sld [smem:$0x3FBA]  }
0x39: {  	_ = 	snop;
	(pc) =	sbr.ind lr, $3  }
0x3a: {  	_ = 	snop  }
0x3b: {  	_ = 	snop  }
0x3c: {  	p2 =	seq.s32 s10, $0x1;
	s10 =	sld [smem:$0x3FB9]  }
0x3d: {  	_ =	shalt  }
0x3e: {  	_ =	shalt  }
0x3f: {  	_ =	shalt  }
0x40: {  	_ =	shalt  }
0x41: {  	_ =	shalt  }
0x42: {  	_ =	shalt  }
0x43: {  	_ =	shalt  }
0x44: {  	_ =	shalt  }
0x45: {  	_ =	shalt  }
0x46: {  	_ =	shalt  }
0x47: {  	_ =	shalt  }
0x48: {  	_ =	shalt  }
0x49: {  	_ =	shalt  }
0x4a: {  	_ =	shalt  }
0x4b: {  	_ =	shalt  }
0x4c: {  	_ =	shalt  }
0x4d: {  	_ =	shalt  }
0x4e: {  	_ =	shalt  }
0x4f: {  	_ =	shalt  }
0x50: {  	_ =	shalt  }
0x51: {  	_ =	shalt  }
0x52: {  	_ =	shalt  }
0x53: {  	_ =	shalt  }
0x54: {  	_ =	shalt  }
0x55: {  	_ =	shalt  }
0x56: {  	_ =	shalt  }
0x57: {  	_ =	shalt  }
0x58: {  	_ =	shalt  }
0x59: {  	_ =	shalt  }
0x5a: {  	_ =	shalt  }
0x5b: {  	_ =	shalt  }
0x5c: {  	_ =	shalt  }
0x5d: {  	_ =	shalt  }
0x5e: {  	_ =	shalt  }
0x5f: {  	_ =	shalt  }
0x60: {  	_ =	shalt  }
0x61: {  	_ =	shalt  }
0x62: {  	_ =	shalt  }
0x63: {  	_ =	shalt  }
0x64: {  	_ =	shalt  }
0x65: {  	_ =	shalt  }
0x66: {  	_ =	shalt  }
0x67: {  	_ =	shalt  }
0x68: {  	_ =	shalt  }
0x69: {  	_ =	shalt  }
0x6a: {  	_ =	shalt  }
0x6b: {  	_ =	shalt  }
0x6c: {  	_ =	shalt  }
0x6d: {  	_ =	shalt  }
0x6e: {  	_ =	shalt  }
0x6f: {  	_ =	shalt  }
0x70: {  	_ =	shalt  }
0x71: {  	_ =	shalt  }
0x72: {  	_ =	shalt  }
0x73: {  	_ =	shalt  }
0x74: {  	_ =	shalt  }
0x75: {  	_ =	shalt  }
0x76: {  	_ =	shalt  }
0x77: {  	_ =	shalt  }
0x78: {  	_ =	shalt  }
0x79: {  	_ =	shalt  }
0x7a: {  	_ =	shalt  }
0x7b: {  	_ =	shalt  }
0x7c: {  	_ =	shalt  }
0x7d: {  	_ =	shalt  }
0x7e: {  	_ =	shalt  }
0x7f: {  	_ =	shalt  }
0x80: {  	_ =	shalt  }
0x81: {  	_ =	shalt  }
0x82: {  	_ =	shalt  }
0x83: {  	_ =	shalt  }
0x84: {  	_ =	shalt  }
0x85: {  	_ =	shalt  }
0x86: {  	_ =	shalt  }
0x87: {  	_ =	shalt  }
.Lfunc_end0:
.L_simem_size_0:
called_computation.5_lowered:
.L_overlay_start_0:
0x88: {  	s2 =	sld [smem:$0x3FD9]  }
0x89: {  	s3 =	sld [smem:$0x3FFE];
	_ =	sdelay $0x1  }
0x8a: {  	s1 =	srdreg.scid  }
0x8b: {  	s0 =	sand.u32 $0x1, s1  }
0x8c: {  	s16 =	sshll.u32 s0, $0xA;
	s2 =	sadd.s32 s3, s2  }
0x8d: {  	s2 =	sadd.s32 s2, s16  }
0x8e: {  	[smem:$0x3FC5] =	sst s2  }
0x8f: {  	_ = 	snop  }
0x90: {  	(tm) =	ssettm $0x1  }
0x91: {  	s17 =	sld [smem:$0x3FFB];
	_ =	sdelay $0x3  }
0x92: {  	_ =	strace s17  }
0x93: {  	s2 =	sld [smem:$0x3FFC];
	_ =	sdelay $0x3  }
0x94: {  	_ =	strace s2  }
0x95: {  	s2 =	sld [smem:$0x3FFD];
	_ =	sdelay $0x3  }
0x96: {  	_ =	strace s2  }
0x97: {  	_ =	strace $0x8FFFFFFF  }
0x98: {  	s18 =	sld [smem:$0x3FDB];
	_ =	sdelay $0x1  }
0x99: {  	s19 =	simm.s32 $_scs_section_size  }
0x9a: {  	s4 =	simm.s32 $_size__tile_overlayer_lowered;
	s5 =	simm.s32 $_tile_overlayer_lowered  }
0x9b: {  	s22 =	simm.s32 $0x1BFF;
	s21 =	sshll.u32 s5, $0x1;
	s2 =	sadd.s32 s19, s18  }
0x9c: {  	s6 =	simm.s32 $0x0;
	s20 =	sshll.u32 s4, $0x1;
	s4 =	sadd.s32 s21, s2  }
0x9d: {  	[timem:s6], [sflag:s22] =	dma.local [hbm:s4], s20  }
0x9e: {  	_ =	swait.ge [sflag:s22], s20  }
0x9f: {  	s3 =	ssub.s32 $0x0, s20;
	[sflag:s22] =	ssyncset.done $0x0  }
0xa0: {  	[sflag:s22] =	ssyncadd.s32 s3;
	_ =	sdelay $0x1  }
0xa1: {  	s23 =	simm.s32 $0x1B8B  }
0xa2: {  	_ =	swait.ge [sflag:s23], $0x1  }
0xa3: {  	[sflag:s23] =	ssyncset.done $0x0  }
0xa4: {  	s25 =	simm.s32 $0x1B8E;
	s24 =	sld [smem:$0x3FFE];
	[sflag:s23] =	ssyncadd.s32 $0xFFFFFFFF  }
0xa5: {  	s26 =	simm.s32 $execute0_lowered;
	[smem:$0x3FD2] =	sst s25  }
0xa6: {  	s4 =	sshll.u32 s26, $0x1;
	_ =	strace $0x80000058;
	[dreg:$0x1] =	wrdreg $0xFFFFFFFF  }
0xa7: {  	s28 =	simm.s32 $_size_execute0_lowered;
	s2 =	sadd.s32 s2, s4;
	[dreg:$0x0] =	wrdreg $0x0  }
0xa8: {  	s4 =	sshll.u32 s28, $0x1;
	[dreg:$0x2] =	wrdreg s2  }
0xa9: {  	[dreg:$0x3] =	wrdreg s4  }
0xaa: {  	[dreg:$0x4] =	wrdreg $0xC0  }
0xab: {  	_ =	task [dreg:s6], $0x5FFFF  }
0xac: {  	[dreg:$0x1] =	wrdreg $0xFFFFFFFF  }
0xad: {  	[dreg:$0x0] =	wrdreg $0x60  }
0xae: {  	[dreg:$0x2] =	wrdreg s24  }
0xaf: {  	[dreg:$0x3] =	wrdreg $0xA  }
0xb0: {  	_ =	task.clear_ibuf [dreg:s6], $0x4FFFF;
	_ =	strace $0x90000058  }
0xb1: {  	s29 =	simm.s32 $0xA;
	_ =	strace $0x8000005A  }
0xb2: {  	_ =	swait.ge [sflag:s29], $0x1  }
0xb3: {  	[sflag:s29] =	ssyncadd.s32 $0xFFFFFFFF  }
0xb4: {  	_ =	strace $0x9000005A  }
0xb5: {  	_ =	sfence  }
0xb6: {  	s30 =	sld [smem:$0x0];
	_ =	sdelay $0x2  }
0xb7: {  	s31 =	sshll.u32 s1, $0xD;
	s1 =	sshrl.u32 s1, $0x2  }
0xb8: {  	s3 =	sand.u32 $0x4000, s31;
	s1 =	sadd.s32 s1, s30  }
0xb9: {  	s0 =	sor.u32 s3, s0;
	s1 =	sshll.u32 s1, $0x11  }
0xba: {  	s0 =	sor.u32 s1, s0  }
0xbb: {  	s0 =	sadd.s32 $0x8F2B, s0  }
0xbc: {  	[sflag:s0] =	ssyncadd.remote.s32 $0x1  }
0xbd: {  	_ =	sfence.sel $0xFFFF  }
0xbe: {  	[dreg:$0x0] =	wrdreg $0xFFFFFFFF;
	(pc) =	sbr.abs _section_cstart, $3  }
0xbf: {  	[dreg:$0x1] =	wrdreg $0xFFFFFFFF  }
0xc0: {  	_ =	task.clear_ibuf [dreg:s6], $0x2FFFF;
	_ =	strace $0x9FFFFFFF  }
0xc1: {  	(tm) =	ssettm $0x7FFFFFFF  }
tec
execute0_lowered:
.L_overlay_start_1:
0x0: {  	(tag) =	ssettag $0x1  }
0x1: {  	s1 =	srdreg.scid  }
0x2: {  	s0 =	stileid.u32;
	s2 =	rddreg [dreg:$0x0]  }
0x3: {  	s5 =	simm.s32 $0x1;
	s8 =	simm.s32 $0x1;
	s1 =	sshll.u32 s1, $0x5  }
0x4: {  	s9 =	simm.s32 $0x3;
	s3 =	sshll.u32 s0, $0x6;
	s4 =	sand.u32 $0x20, s1  }
0x5: {  	s10 =	simm.s32 $0x0;
	s13 =	simm.s32 $0x0;
	s3 =	sor.u32 s3, s4  }
0x6: {  	s12 =	simm.s32 $0x0;
	s1 =	rddreg [dreg:$0x1];
	s7 =	ssub.s32 $0x640, s3  }
.Ltmp0:
0x7: {  	_ =	strace $0x80000059;
	s6 =	sand.u32 $0x3E0, s7;
	(pc) =	sbr.rel .LBB2_1-.Ltmp0, $4  }
0x8: {  	s4 =	sadd.s32 $0x4FA00, s2;
	[sflag:s5] =	ssyncpa.u1 $0x0;
	p0 =	sne.s32 s6, $0x0  }
0x9: {  	s7 =	sshrl.u32 s7, $0xA;
	s6 =	simm.s32 $0x2;
	s8 =	simm.s32 @!p0 $0x0  }
0xa: {  	s11 =	smov.u32 s3;
	[sflag:s6] =	ssyncpa.u1 $0x0;
	s7 =	sadd.s32 s8, s7  }
0xb: {  	vm0 =	vmmov $0xffff;
	s8 =	sadd.s32 $0x3600, s2;
	[sflag:s9] =	ssyncpa.u1 $0x0;
	s9 =	sadd.s32 $0x1, s7  }
.LBB2_5:
0xc: {  	s15 =	sadd.s32 $0x400, s11  }
0xd: {  	p1 =	sgt.s32 s15, $0x63F  }
0xe: {  	s15 =	smov.u32 @p1 s3;
	p1 =	sne.s32 s12, s9  }
.Ltmp1:
0xf: {  	p0 =	slt.u32 s12, $0x2;
	(pc) =	sbr.rel @!p1 .LBB2_6-.Ltmp1, $4  }
0x10: {  	s14 =	simm.s32 @!p0 $0x3  }
0x11: {  	_ =	swait.ge @!p0 [sflag:s14], $0x20  }
0x12: {  	s16 =	sadd.s32 $0x1, s12;
	s13 =	smov.u32 s11;
	[sflag:s14] =	ssyncset.done @!p0 $0x0  }
0x13: {  	s12 =	smov.u32 s16;
	s11 =	smov.u32 s15;
	[sflag:s14] =	ssyncadd.s32 @!p0 $0xFFFFFFE0  }
.LBB2_1:
0x14: {  	p0 =	sge.u32 s12, s7  }
0x15: {  	s14 =	sxor.u32 @!p0 $0xFFFFFFFF, s12  }
0x16: {  	s31 =	sadd.s32 $0xFFFFFFFF, s12;
	s15 =	sshrl.u32 @!p0 s11, $0x3;
	s14 =	sshll.u32 @!p0 s14, $0x5  }
0x17: {  	s16 =	sand.u32 @!p0 $0x7, s11;
	s15 =	sadd.s32 @!p0 s4, s15;
	s14 =	sand.u32 @!p0 $0x20, s14  }
0x18: {  	[tilespmem:s14], [sflag:$0x2] =	stream.linear.gather @!p0 [hbm4b:s15+s16], $0x20, $0x38;
	[tilespmem:$0x80] =	vst v63  }
0x19: {  	p0 =	sge.u32 s31, s7  }
.Ltmp2:
0x1a: {  	_ = 	snop;
	(pc) =	sbr.rel @p0 .LBB2_5-.Ltmp2, $1  }
0x1b: {  	_ =	sdelay $0x3  }
0x1c: {  	_ =	swait.ge [sflag:s6], $0x20;
	s14 =	sshll.u32 s12, $0x5;
	s16 =	simm.s32 $0x0  }
0x1d: {  	p0 =	por $0x1, $0x1;
	[sflag:s6] =	ssyncset.done $0x0;
	s15 =	sand.u32 $0x20, s14  }
0x1e: {  	[sflag:s6] =	ssyncadd.s32 $0xFFFFFFE0;
	(ifvalue) =	ssetifvalue $0x7FFFFFFF;
	s14 =	sor.u32 $0x40, s15  }
.LBB2_3:
0x1f: {  	s17 =	sadd.s32 s16, s15  }
0x20: {  	v0 =	vld.msk [tilespmem:s17+$0x0 ss:$0x1], $0xffff;
	_ =	sdelay $0x4  }
0x21: {  	vm1 =	veq.s32 v0, $0x80000000;
	v1 =	vand.u32 $0x7, v0;
	v0 =	vshrl.u32 v0, $0x3  }
0x22: {  	v1 =	vsel vm1, $0xFFFFFFFF, v1;
	v0 =	vand.u32 $0x1FFF, v0  }
0x23: {  	v0 =	vsel vm1, $0xFFFFFFFF, v0;
	v2 =	vshrl.u32 v1, $0x3  }
0x24: {  	v2 =	vmul.u32 $0x8400, v2;
	v3 =	vshll.u32 v0, $0x3  }
0x25: {  	v1 =	vshll.u32 v1, $0x7;
	v3 =	vand.u32 $0xFFFFFC00, v3  }
0x26: {  	v1 =	vand.u32 $0x380, v1;
	v2 =	vadd.s32 v2, v3  }
0x27: {  	v0 =	vand.u32 $0x7F, v0;
	v1 =	vor.u32 v1, v2  }
0x28: {  	p1 =	por p0, p0;
	v0 =	vor.u32 v0, v1  }
.Ltmp3:
0x29: {  	_ = 	snop;
	(pc) =	sbr.rel @p1 .LBB2_3-.Ltmp3, $4  }
0x2a: {  	_ = 	snop  }
0x2b: {  	s31 =	sadd.s32 s16, s14  }
0x2c: {  	s16 =	simm.s32 $0x10;
	p0 =	por $0x0, $0x0;
	(ifvalue) =	ssetifvalue $0x7FFFFFFF  }
0x2d: {  	[tilespmem:s31], [sflag:$0x1] =	stream.indirect_vreg.gather [hbm4b:s2+s10], $0x1, v0, vm0, $0x4038;
	[tilespmem:$0x80] =	vst v63  }
.Ltmp4:
0x2e: {  	(pc) =	sbr.rel .LBB2_5-.Ltmp4, $4  }
0x2f: {  	_ =	swait.ge [sflag:s5], $0x20  }
0x30: {  	s15 =	sshrl.u32 s13, $0x3;
	[sflag:s5] =	ssyncset.done $0x0  }
0x31: {  	s31 =	sand.u32 $0x7, s13;
	s15 =	sadd.s32 s8, s15;
	[sflag:s5] =	ssyncadd.s32 $0xFFFFFFE0  }
0x32: {  	[hbm4b:s15+s31] =	stream.linear.scatter [tilespmem:s14], [sflag:$0x3], $0x20, $0x38;
	[tilespmem:$0x80] =	vst v63  }
.LBB2_6:
0x33: {  	_ =	sfence.sel $0x180000  }
0x34: {  	s2 =	simm.s32 $0x2;
	[bflag:$0x0] =	sbarrier.arrive $0xFFFF  }
0x35: {  	s30 =	simm.s32 $0x3;
	[sflag:s2] =	ssyncpa.u1 $0x1  }
0x36: {  	s31 =	simm.s32 $0x1;
	[sflag:s30] =	ssyncpa.u1 $0x1  }
0x37: {  	[sflag:s31] =	ssyncpa.u1 $0x1  }
0x38: {  	p0 =	sne.s32 s0, $0x0;
	_ =	strace $0x90000059  }
0x39: {  	s0 =	sadd.s32 @!p0 $0x100000, s1;
	[bflag:$0x2] =	sbarrier.arrive $0xFFFF  }
0x3a: {  	[sflag:s0] =	ssyncadd.tile.s32 @!p0 $0x1;
	_ =	shalt  }
.Lfunc_end2:
_tile_overlayer_lowered:
.L_overlay_start_2:
0x3b: {  	(tag) =	ssettag $0x2  }
0x3c: {  	s0 =	rddreg [dreg:$0x0];
	s2 =	stileid.u32  }
0x3d: {  	s1 =	rddreg [dreg:$0x1];
	p0 =	sne.s32 s2, $0x0  }
0x3e: {  	s3 =	rddreg [dreg:$0x2];
	[bflag:$0x3] =	sbarrier.arrive $0xFFFF;
	s2 =	simm.s32 @!p0 $0x1C01  }
0x3f: {  	[timem:s3], [sflag:s2] =	dma.local @!p0 [hbm:s0], s1  }
0x40: {  	s0 =	simm.s32 @!p0 $0x1  }
0x41: {  	_ =	swait.ge @!p0 [sflag:s0], s1  }
0x42: {  	s1 =	ssub.s32 @!p0 $0x0, s1;
	[sflag:s0] =	ssyncset.done @!p0 $0x0  }
0x43: {  	[sflag:s0] =	ssyncadd.s32 @!p0 s1  }
0x44: {  	[bflag:$0x3] =	sbarrier.arrive $0xFFFF  }
0x45: {  	_ =	shalt  }

// kernel: gather_offload_async_start.6
scs
__scs_entry_jumppad:
0x0: {  	(pc) =	sbr.rel $0x88, $3  }
0x1: {  	(tag) =	ssettag $0x0;
	lr =	simm.s32 $0x1  }
0x2: {  	[smem:$0x3F9E] =	sst lr;
	_ =	strace $0xD0000000  }
0x3: {  	_ = 	snop  }
0x4: {  	_ = 	snop  }
0x5: {  	_ = 	snop  }
0x6: {  	_ = 	snop  }
0x7: {  	_ = 	snop  }
__scs_overlays_trampoline_lowered:
0x8: {  	[smem:$0x3FAD] =	sst s0  }
0x9: {  	[smem:$0x3FAE] =	sst s1  }
0xa: {  	[smem:$0x3FAF] =	sst s2  }
0xb: {  	[smem:$0x3FB0] =	sst s3  }
0xc: {  	[smem:$0x3FB1] =	sst s4  }
0xd: {  	[smem:$0x3FB2] =	sst s5  }
0xe: {  	[smem:$0x3FB3] =	sst s6  }
0xf: {  	[smem:$0x3FB4] =	sst s7  }
0x10: {  	[smem:$0x3FB5] =	sst s8  }
0x11: {  	[smem:$0x3FB6] =	sst s9;
	s0 =	simm.s32 @!p0 $0x0  }
0x12: {  	s1 =	sld [smem:$0x3F9C];
	s0 =	simm.s32 @p0 $0x1  }
0x13: {  	[smem:$0x3FB7] =	sst s0;
	s0 =	simm.s32 @!p1 $0x0  }
0x14: {  	s2 =	sld [smem:$0x3F9B];
	s0 =	simm.s32 @p1 $0x1  }
0x15: {  	[smem:$0x3FB8] =	sst s0;
	s0 =	simm.s32 @!p2 $0x0  }
0x16: {  	s3 =	sld [smem:$0x3FDB];
	s0 =	simm.s32 @p2 $0x1  }
0x17: {  	s4 =	simm.s32 $0x1BF5;
	[smem:$0x3FBA] =	sst s0  }
0x18: {  	s0 =	sld [smem:$0x3F9D];
	_ =	swait.ge [sflag:s4], $0x0  }
0x19: {  	s7 =	sld [smem:$0x3F9E]  }
0x1a: {  	s8 =	sadd.s32 $0xFFFFE003, lr  }
0x1b: {  	s9 =	sadd.s32 $0xFFFFFEF7, lr;
	s5 =	simm.s32 $0xFFFFFFFF;
	p2 =	slt.u32 s8, $0xFFFFF086  }
0x1c: {  	p1 =	slt.u32 s9, $0xF7A;
	s5 =	simm.s32 @!p2 $0x0  }
0x1d: {  	s5 =	simm.s32 @p1 $0x1;
	p0 =	seq.s32 s7, s2  }
0x1e: {  	s7 =	smul.u32 @!p0 $0xF7A, s2;
	p2 =	seq.s32 @!p0 s5, $0x0  }
0x1f: {  	s9 =	smul.u32 $0xF7A, s1;
	s8 =	simm.s32 @!p0 $0x1BF5;
	p2 =	por !p2, p0  }
0x20: {  	[sflag:s8] =	ssyncset.s32 @!p0 $0xFFFFF086;
	s6 =	sadd.s32 @!p0 s3, s7;
	s7 =	simm.s32 @!p0 $0x108  }
0x21: {  	s3 =	sadd.s32 s3, s9;
	s6 =	sadd.s32 @!p0 $0x88, s6;
	s7 =	simm.s32 @p2 $0x1082  }
0x22: {  	[simem:s7], [sflag:s8] =	dma.local @!p0 [hbm:s6], $0xF7A  }
0x23: {  	s9 =	sor.u32 $0xD0000000, s2;
	s6 =	simm.s32 $0x108;
	_ =	swait.ge @!p0 [sflag:s8], $0x0  }
0x24: {  	s3 =	sadd.s32 $0x88, s3;
	s6 =	simm.s32 @!p1 $0x1082;
	[sflag:s4] =	ssyncset.s32 $0xFFFFF086  }
0x25: {  	[simem:s6], [sflag:s4] =	dma.local [hbm:s3], $0xF7A  }
0x26: {  	[smem:$0x3F9E] =	sst s1;
	(tag) =	ssettag s2;
	_ =	strace s9  }
0x27: {  	s1 =	sld [smem:$0x3FAE]  }
0x28: {  	s2 =	sld [smem:$0x3FAF]  }
0x29: {  	s4 =	sld [smem:$0x3FB1]  }
0x2a: {  	p0 =	seq.s32 s5, $0x0;
	s5 =	sld [smem:$0x3FB2]  }
0x2b: {  	s6 =	sld [smem:$0x3FB3]  }
0x2c: {  	s7 =	sld [smem:$0x3FB4]  }
0x2d: {  	s3 =	simm.s32 $0x108;
	s8 =	sld [smem:$0x3FB5]  }
0x2e: {  	s3 =	simm.s32 @!p0 $0x1082;
	s9 =	sld [smem:$0x3FB6]  }
0x2f: {  	lr =	sadd.s32 s0, s3;
	s0 =	sld [smem:$0x3FAD]  }
0x30: {  	s3 =	sld [smem:$0x3FB0]  }
0x31: {  	[smem:$0x3FB9] =	sst s10  }
0x32: {  	s10 =	sld [smem:$0x3FB7];
	_ =	sdelay $0x3  }
0x33: {  	p0 =	seq.s32 s10, $0x1;
	s10 =	sld [smem:$0x3FB9];
	_ =	sdelay $0x3  }
0x34: {  	[smem:$0x3FB9] =	sst s10  }
0x35: {  	s10 =	sld [smem:$0x3FB8];
	_ =	sdelay $0x3  }
0x36: {  	p1 =	seq.s32 s10, $0x1;
	s10 =	sld [smem:$0x3FB9];
	_ =	sdelay $0x3  }
0x37: {  	[smem:$0x3FB9] =	sst s10  }
0x38: {  	s10 =	sld [smem:$0x3FBA]  }
0x39: {  	_ = 	snop;
	(pc) =	sbr.ind lr, $3  }
0x3a: {  	_ = 	snop  }
0x3b: {  	_ = 	snop  }
0x3c: {  	p2 =	seq.s32 s10, $0x1;
	s10 =	sld [smem:$0x3FB9]  }
0x3d: {  	_ =	shalt  }
0x3e: {  	_ =	shalt  }
0x3f: {  	_ =	shalt  }
0x40: {  	_ =	shalt  }
0x41: {  	_ =	shalt  }
0x42: {  	_ =	shalt  }
0x43: {  	_ =	shalt  }
0x44: {  	_ =	shalt  }
0x45: {  	_ =	shalt  }
0x46: {  	_ =	shalt  }
0x47: {  	_ =	shalt  }
0x48: {  	_ =	shalt  }
0x49: {  	_ =	shalt  }
0x4a: {  	_ =	shalt  }
0x4b: {  	_ =	shalt  }
0x4c: {  	_ =	shalt  }
0x4d: {  	_ =	shalt  }
0x4e: {  	_ =	shalt  }
0x4f: {  	_ =	shalt  }
0x50: {  	_ =	shalt  }
0x51: {  	_ =	shalt  }
0x52: {  	_ =	shalt  }
0x53: {  	_ =	shalt  }
0x54: {  	_ =	shalt  }
0x55: {  	_ =	shalt  }
0x56: {  	_ =	shalt  }
0x57: {  	_ =	shalt  }
0x58: {  	_ =	shalt  }
0x59: {  	_ =	shalt  }
0x5a: {  	_ =	shalt  }
0x5b: {  	_ =	shalt  }
0x5c: {  	_ =	shalt  }
0x5d: {  	_ =	shalt  }
0x5e: {  	_ =	shalt  }
0x5f: {  	_ =	shalt  }
0x60: {  	_ =	shalt  }
0x61: {  	_ =	shalt  }
0x62: {  	_ =	shalt  }
0x63: {  	_ =	shalt  }
0x64: {  	_ =	shalt  }
0x65: {  	_ =	shalt  }
0x66: {  	_ =	shalt  }
0x67: {  	_ =	shalt  }
0x68: {  	_ =	shalt  }
0x69: {  	_ =	shalt  }
0x6a: {  	_ =	shalt  }
0x6b: {  	_ =	shalt  }
0x6c: {  	_ =	shalt  }
0x6d: {  	_ =	shalt  }
0x6e: {  	_ =	shalt  }
0x6f: {  	_ =	shalt  }
0x70: {  	_ =	shalt  }
0x71: {  	_ =	shalt  }
0x72: {  	_ =	shalt  }
0x73: {  	_ =	shalt  }
0x74: {  	_ =	shalt  }
0x75: {  	_ =	shalt  }
0x76: {  	_ =	shalt  }
0x77: {  	_ =	shalt  }
0x78: {  	_ =	shalt  }
0x79: {  	_ =	shalt  }
0x7a: {  	_ =	shalt  }
0x7b: {  	_ =	shalt  }
0x7c: {  	_ =	shalt  }
0x7d: {  	_ =	shalt  }
0x7e: {  	_ =	shalt  }
0x7f: {  	_ =	shalt  }
0x80: {  	_ =	shalt  }
0x81: {  	_ =	shalt  }
0x82: {  	_ =	shalt  }
0x83: {  	_ =	shalt  }
0x84: {  	_ =	shalt  }
0x85: {  	_ =	shalt  }
0x86: {  	_ =	shalt  }
0x87: {  	_ =	shalt  }
.Lfunc_end0:
.L_simem_size_0:
called_computation.6_lowered:
.L_overlay_start_0:
0x88: {  	s2 =	sld [smem:$0x3FD9]  }
0x89: {  	s3 =	sld [smem:$0x3FFE];
	_ =	sdelay $0x1  }
0x8a: {  	s1 =	srdreg.scid  }
0x8b: {  	s0 =	sand.u32 $0x1, s1  }
0x8c: {  	s16 =	sshll.u32 s0, $0xA;
	s2 =	sadd.s32 s3, s2  }
0x8d: {  	s2 =	sadd.s32 s2, s16  }
0x8e: {  	[smem:$0x3FC5] =	sst s2  }
0x8f: {  	_ = 	snop  }
0x90: {  	(tm) =	ssettm $0x1  }
0x91: {  	s17 =	sld [smem:$0x3FFB];
	_ =	sdelay $0x3  }
0x92: {  	_ =	strace s17  }
0x93: {  	s2 =	sld [smem:$0x3FFC];
	_ =	sdelay $0x3  }
0x94: {  	_ =	strace s2  }
0x95: {  	s2 =	sld [smem:$0x3FFD];
	_ =	sdelay $0x3  }
0x96: {  	_ =	strace s2  }
0x97: {  	_ =	strace $0x8FFFFFFF  }
0x98: {  	s18 =	sld [smem:$0x3FDB];
	_ =	sdelay $0x1  }
0x99: {  	s19 =	simm.s32 $_scs_section_size  }
0x9a: {  	s4 =	simm.s32 $_size__tile_overlayer_lowered;
	s5 =	simm.s32 $_tile_overlayer_lowered  }
0x9b: {  	s22 =	simm.s32 $0x1BFF;
	s21 =	sshll.u32 s5, $0x1;
	s2 =	sadd.s32 s19, s18  }
0x9c: {  	s6 =	simm.s32 $0x0;
	s20 =	sshll.u32 s4, $0x1;
	s4 =	sadd.s32 s21, s2  }
0x9d: {  	[timem:s6], [sflag:s22] =	dma.local [hbm:s4], s20  }
0x9e: {  	_ =	swait.ge [sflag:s22], s20  }
0x9f: {  	s3 =	ssub.s32 $0x0, s20;
	[sflag:s22] =	ssyncset.done $0x0  }
0xa0: {  	[sflag:s22] =	ssyncadd.s32 s3;
	_ =	sdelay $0x1  }
0xa1: {  	s23 =	simm.s32 $0x1B8B  }
0xa2: {  	_ =	swait.ge [sflag:s23], $0x1  }
0xa3: {  	[sflag:s23] =	ssyncset.done $0x0  }
0xa4: {  	s25 =	simm.s32 $0x1B8E;
	s24 =	sld [smem:$0x3FFE];
	[sflag:s23] =	ssyncadd.s32 $0xFFFFFFFF  }
0xa5: {  	s26 =	simm.s32 $execute0_lowered;
	[smem:$0x3FD2] =	sst s25  }
0xa6: {  	s4 =	sshll.u32 s26, $0x1;
	_ =	strace $0x8000004F;
	[dreg:$0x1] =	wrdreg $0xFFFFFFFF  }
0xa7: {  	s28 =	simm.s32 $_size_execute0_lowered;
	s2 =	sadd.s32 s2, s4;
	[dreg:$0x0] =	wrdreg $0x0  }
0xa8: {  	s4 =	sshll.u32 s28, $0x1;
	[dreg:$0x2] =	wrdreg s2  }
0xa9: {  	[dreg:$0x3] =	wrdreg s4  }
0xaa: {  	[dreg:$0x4] =	wrdreg $0xC0  }
0xab: {  	_ =	task [dreg:s6], $0x5FFFF  }
0xac: {  	[dreg:$0x1] =	wrdreg $0xFFFFFFFF  }
0xad: {  	[dreg:$0x0] =	wrdreg $0x60  }
0xae: {  	[dreg:$0x2] =	wrdreg s24  }
0xaf: {  	[dreg:$0x3] =	wrdreg $0xA  }
0xb0: {  	_ =	task.clear_ibuf [dreg:s6], $0x4FFFF;
	_ =	strace $0x9000004F  }
0xb1: {  	s29 =	simm.s32 $0xA;
	_ =	strace $0x80000051  }
0xb2: {  	_ =	swait.ge [sflag:s29], $0x1  }
0xb3: {  	[sflag:s29] =	ssyncadd.s32 $0xFFFFFFFF  }
0xb4: {  	_ =	strace $0x90000051  }
0xb5: {  	_ =	sfence  }
0xb6: {  	s30 =	sld [smem:$0x0];
	_ =	sdelay $0x2  }
0xb7: {  	s31 =	sshll.u32 s1, $0xD;
	s1 =	sshrl.u32 s1, $0x2  }
0xb8: {  	s3 =	sand.u32 $0x4000, s31;
	s1 =	sadd.s32 s1, s30  }
0xb9: {  	s0 =	sor.u32 s3, s0;
	s1 =	sshll.u32 s1, $0x11  }
0xba: {  	s0 =	sor.u32 s1, s0  }
0xbb: {  	s0 =	sadd.s32 $0x8F2B, s0  }
0xbc: {  	[sflag:s0] =	ssyncadd.remote.s32 $0x1  }
0xbd: {  	_ =	sfence.sel $0xFFFF  }
0xbe: {  	[dreg:$0x0] =	wrdreg $0xFFFFFFFF;
	(pc) =	sbr.abs _section_cstart, $3  }
0xbf: {  	[dreg:$0x1] =	wrdreg $0xFFFFFFFF  }
0xc0: {  	_ =	task.clear_ibuf [dreg:s6], $0x2FFFF;
	_ =	strace $0x9FFFFFFF  }
0xc1: {  	(tm) =	ssettm $0x7FFFFFFF  }
tec
execute0_lowered:
.L_overlay_start_1:
0x0: {  	(tag) =	ssettag $0x1  }
0x1: {  	s8 =	rddreg [dreg:$0x0]  }
0x2: {  	s0 =	rddreg [dreg:$0x1];
	_ =	strace $0x80000050;
	s1 =	stileid.u32  }
0x3: {  	s3 =	srdreg.scid;
	s4 =	simm.s32 $0x1;
	s7 =	simm.s32 $0x1  }
0x4: {  	s9 =	simm.s32 $0x1;
	s10 =	simm.s32 $0x3;
	s13 =	simm.s32 $0x0  }
0x5: {  	s12 =	simm.s32 $0x0;
	s5 =	sand.u32 $0x1, s3;
	s6 =	sshll.u32 s1, $0x1  }
0x6: {  	s2 =	sadd.s32 $0x25800, s8;
	s3 =	sadd.s32 $0x4FC00, s8;
	s5 =	sor.u32 s6, s5  }
.Ltmp0:
0x7: {  	[sflag:s4] =	ssyncpa.u1 $0x0;
	p0 =	slt.u32 s5, $0xB;
	(pc) =	sbr.rel .LBB2_1-.Ltmp0, $4  }
0x8: {  	s6 =	simm.s32 $0x2;
	s7 =	simm.s32 @!p0 $0x0;
	p0 =	sne.s32 s5, $0xA  }
0x9: {  	[sflag:s6] =	ssyncpa.u1 $0x0;
	s5 =	smul.u32 $0x320, s5;
	s9 =	simm.s32 @!p0 $0x0  }
0xa: {  	s8 =	sadd.s32 $0x4C800, s8;
	[sflag:s10] =	ssyncpa.u1 $0x0;
	s7 =	sadd.s32 s9, s7  }
0xb: {  	vm0 =	vmmov $0xffff;
	s10 =	simm.s32 $0x0;
	s11 =	smov.u32 s5;
	s9 =	sadd.s32 $0x1, s7  }
.LBB2_4:
0xc: {  	v5 =	vshrl.u32 v1, $0x3;
	v6 =	vshll.u32 v1, $0x2  }
0xd: {  	v3 =	vor.u32 v4, v3;
	vm1 =	veq.s32 v1, $0x80000000;
	v58 =	vand.u32 $0x7, v1  }
0xe: {  	v1 =	vsel vm1, $0xFFFFFFFF, v58;
	v59 =	vand.u32 $0x1F, v5;
	v60 =	vand.u32 $0xFFC00, v6  }
0xf: {  	v4 =	vsel vm1, $0xFFFFFFFF, v59;
	v5 =	vsel vm1, $0xFFFFFC00, v60;
	v61 =	vand.u32 $0xFFFFFC00, v1  }
0x10: {  	v1 =	vshll.u32 v1, $0x7;
	v5 =	vadd.s32 v61, v5;
	v62 =	vand.u32 $0xFFFFFC00, v4  }
0x11: {  	v2 =	vor.u32 v2, v3;
	v1 =	vand.u32 $0x380, v1;
	v63 =	vadd.s32 v62, v5  }
0x12: {  	v4 =	vand.u32 $0x7F, v4;
	v1 =	vor.u32 v1, v63  }
0x13: {  	v1 =	vor.u32 v4, v1  }
0x14: {  	[tilespmem:s16], [sflag:$0x1] =	stream.indirect_vreg.gather [hbm4b:s2+s10], $0x1, v0, vm0, $0x4038;
	[tilespmem:$0xC80] =	vst v63  }
0x15: {  	(ifvalue) =	ssetifvalue $0x7FFFFFFF  }
0x16: {  	[tilespmem:s15], [sflag:$0x1] =	stream.indirect_vreg.gather [hbm4b:s2+s10], $0x1, v2, vm0, $0x4038;
	[tilespmem:$0xC80] =	vst v63  }
0x17: {  	s29 =	sadd.s32 $0x10, s15;
	(ifvalue) =	ssetifvalue $0x7FFFFFFF  }
0x18: {  	[tilespmem:s29], [sflag:$0x1] =	stream.indirect_vreg.gather [hbm4b:s2+s10], $0x1, v1, vm0, $0x4038;
	[tilespmem:$0xC80] =	vst v63  }
0x19: {  	_ =	swait.ge [sflag:s4], $0x320  }
0x1a: {  	s30 =	sshrl.u32 s13, $0x3;
	[sflag:s4] =	ssyncset.done $0x0  }
0x1b: {  	s31 =	sand.u32 $0x7, s13;
	s15 =	sadd.s32 s8, s30;
	[sflag:s4] =	ssyncadd.s32 $0xFFFFFCE0  }
0x1c: {  	[hbm4b:s15+s31] =	stream.linear.scatter [tilespmem:s14], [sflag:$0x3], $0x320, $0x38;
	[tilespmem:$0xC80] =	vst v63  }
.LBB2_5:
0x1d: {  	s15 =	sadd.s32 $0x6400, s11  }
0x1e: {  	p1 =	sgt.s32 s15, $0x833F  }
0x1f: {  	s15 =	smov.u32 @p1 s5;
	p1 =	sne.s32 s12, s9  }
.Ltmp1:
0x20: {  	p0 =	slt.u32 s12, $0x2;
	(pc) =	sbr.rel @!p1 .LBB2_6-.Ltmp1, $4  }
0x21: {  	s14 =	simm.s32 @!p0 $0x3  }
0x22: {  	_ =	swait.ge @!p0 [sflag:s14], $0x320  }
0x23: {  	s16 =	sadd.s32 $0x1, s12;
	s13 =	smov.u32 s11;
	[sflag:s14] =	ssyncset.done @!p0 $0x0  }
0x24: {  	s12 =	smov.u32 s16;
	s11 =	smov.u32 s15;
	[sflag:s14] =	ssyncadd.s32 @!p0 $0xFFFFFCE0  }
.LBB2_1:
0x25: {  	p0 =	sge.u32 s12, s7  }
0x26: {  	s14 =	sxor.u32 @!p0 $0x1, s12  }
0x27: {  	s14 =	smul.u32 @!p0 $0xC80, s14  }
0x28: {  	s31 =	sadd.s32 $0xFFFFFFFF, s12;
	s15 =	sshrl.u32 @!p0 s11, $0x3  }
0x29: {  	s16 =	sand.u32 @!p0 $0x7, s11;
	s15 =	sadd.s32 @!p0 s3, s15;
	s14 =	sshra.s32 @!p0 s14, $0x2  }
0x2a: {  	[tilespmem:s14], [sflag:$0x2] =	stream.linear.gather @!p0 [hbm4b:s15+s16], $0x320, $0x38;
	[tilespmem:$0xC80] =	vst v63  }
0x2b: {  	p0 =	sge.u32 s31, s7  }
.Ltmp2:
0x2c: {  	_ = 	snop;
	(pc) =	sbr.rel @p0 .LBB2_5-.Ltmp2, $1  }
0x2d: {  	_ =	sdelay $0x3  }
0x2e: {  	s14 =	sand.u32 $0x1, s12  }
0x2f: {  	_ =	swait.ge [sflag:s6], $0x320;
	p0 =	seq.s32 s14, $0x1;
	s14 =	simm.s32 $0x320  }
0x30: {  	[sflag:s6] =	ssyncset.done $0x0;
	s14 =	simm.s32 @!p0 $0x0  }
0x31: {  	[sflag:s6] =	ssyncadd.s32 $0xFFFFFCE0;
	(ifvalue) =	ssetifvalue $0x7FFFFFFF;
	v0 =	vld.msk [tilespmem:s14+$0x0 ss:$0x1], $0xffff;
	_ =	sdelay $0x3  }
0x32: {  	s15 =	sadd.s32 $0x10, s14  }
0x33: {  	v2 =	vld.msk [tilespmem:s15+$0x0 ss:$0x1], $0xffff;
	v1 =	vshrl.u32 v0, $0x3  }
0x34: {  	v3 =	vshll.u32 v0, $0x2;
	vm1 =	veq.s32 v0, $0x80000000;
	v0 =	vand.u32 $0x7, v0  }
0x35: {  	v0 =	vsel vm1, $0xFFFFFFFF, v0;
	v1 =	vand.u32 $0x1F, v1;
	v3 =	vand.u32 $0xFFC00, v3  }
0x36: {  	v1 =	vsel vm1, $0xFFFFFFFF, v1;
	v3 =	vsel vm1, $0xFFFFFC00, v3;
	v4 =	vand.u32 $0xFFFFFC00, v0  }
0x37: {  	v0 =	vshll.u32 v0, $0x7;
	v3 =	vadd.s32 v4, v3;
	v4 =	vand.u32 $0xFFFFFC00, v1  }
0x38: {  	v5 =	vshll.u32 v2, $0x2;
	v0 =	vand.u32 $0x380, v0;
	v3 =	vadd.s32 v4, v3  }
0x39: {  	vm1 =	veq.s32 v2, $0x80000000;
	v1 =	vand.u32 $0x7F, v1;
	v0 =	vor.u32 v0, v3  }
0x3a: {  	v4 =	vshrl.u32 v2, $0x3;
	v2 =	vand.u32 $0x7, v2;
	v0 =	vor.u32 v1, v0  }
0x3b: {  	s15 =	sadd.s32 $0x10, s15;
	v2 =	vsel vm1, $0xFFFFFFFF, v2;
	v3 =	vand.u32 $0xFFC00, v5;
	v1 =	vand.u32 $0x1F, v4  }
0x3c: {  	s14 =	sadd.s32 $0x640, s14;
	v3 =	vsel vm1, $0xFFFFFC00, v3;
	v5 =	vand.u32 $0xFFFFFC00, v2;
	v4 =	vsel vm1, $0xFFFFFFFF, v1;
	v1 =	vld.msk [tilespmem:s15+$0x0 ss:$0x1], $0xffff  }
0x3d: {  	s17 =	simm.s32 $0x20;
	s16 =	smov.u32 s14;
	v6 =	vshll.u32 v2, $0x7;
	v3 =	vadd.s32 v5, v3;
	v5 =	vand.u32 $0xFFFFFC00, v4  }
0x3e: {  	s18 =	sadd.s32 $0x10, s15;
	(ifvalue) =	ssetifvalue $0x7FFFFFFF;
	s15 =	sadd.s32 $0x10, s14;
	v2 =	vand.u32 $0x7F, v4;
	v4 =	vand.u32 $0x380, v6;
	v3 =	vadd.s32 v5, v3  }
.LBB2_3:
0x3f: {  	[tilespmem:s16], [sflag:$0x1] =	stream.indirect_vreg.gather [hbm4b:s2+s10], $0x1, v0, vm0, $0x4038;
	[tilespmem:$0xC80] =	vst v63  }
0x40: {  	s17 =	sadd.s32 $0x10, s17  }
0x41: {  	v5 =	vshrl.u32 v1, $0x3;
	v6 =	vshll.u32 v1, $0x2;
	v3 =	vor.u32 v4, v3;
	v0 =	vmovc v1;
	v1 =	vld.msk [tilespmem:s18+$0x0 ss:$0x1], $0xffff;
	p0 =	slt.u32 s17, $0x310  }
.Ltmp3:
0x42: {  	s16 =	smov.u32 s15;
	vm1 =	veq.s32 v0, $0x80000000;
	v4 =	vand.u32 $0x7, v0;
	v0 =	vor.u32 v2, v3;
	(pc) =	sbr.rel @p0 .LBB2_3-.Ltmp3, $4  }
0x43: {  	v3 =	vand.u32 $0x1F, v5;
	v2 =	vsel vm1, $0xFFFFFFFF, v4;
	v4 =	vand.u32 $0xFFC00, v6  }
0x44: {  	v3 =	vsel vm1, $0xFFFFFFFF, v3;
	v4 =	vsel vm1, $0xFFFFFC00, v4;
	v5 =	vand.u32 $0xFFFFFC00, v2  }
0x45: {  	v6 =	vshll.u32 v2, $0x7;
	v4 =	vadd.s32 v5, v4;
	v5 =	vand.u32 $0xFFFFFC00, v3  }
0x46: {  	s18 =	sadd.s32 $0x10, s18;
	s15 =	sadd.s32 $0x10, s15;
	v2 =	vand.u32 $0x7F, v3;
	v3 =	vadd.s32 v5, v4;
	v4 =	vand.u32 $0x380, v6;
	(ifvalue) =	ssetifvalue $0x7FFFFFFF  }
.Ltmp4:
0x47: {  	_ = 	snop;
	(pc) =	sbr.rel .LBB2_4-.Ltmp4, $1  }
0x48: {  	_ =	sdelay $0x3  }
.LBB2_6:
0x49: {  	_ =	sfence.sel $0x180000  }
0x4a: {  	s2 =	simm.s32 $0x2;
	[bflag:$0x0] =	sbarrier.arrive $0xFFFF  }
0x4b: {  	s30 =	simm.s32 $0x3;
	[sflag:s2] =	ssyncpa.u1 $0x1  }
0x4c: {  	s31 =	simm.s32 $0x1;
	[sflag:s30] =	ssyncpa.u1 $0x1  }
0x4d: {  	[sflag:s31] =	ssyncpa.u1 $0x1  }
0x4e: {  	p0 =	sne.s32 s1, $0x0;
	_ =	strace $0x90000050  }
0x4f: {  	s0 =	sadd.s32 @!p0 $0x100000, s0;
	[bflag:$0x2] =	sbarrier.arrive $0xFFFF  }
0x50: {  	[sflag:s0] =	ssyncadd.tile.s32 @!p0 $0x1;
	_ =	shalt  }
.Lfunc_end2:
_tile_overlayer_lowered:
.L_overlay_start_2:
0x51: {  	(tag) =	ssettag $0x2  }
0x52: {  	s0 =	rddreg [dreg:$0x0];
	s2 =	stileid.u32  }
0x53: {  	s1 =	rddreg [dreg:$0x1];
	p0 =	sne.s32 s2, $0x0  }
0x54: {  	s3 =	rddreg [dreg:$0x2];
	[bflag:$0x3] =	sbarrier.arrive $0xFFFF;
	s2 =	simm.s32 @!p0 $0x1C01  }
0x55: {  	[timem:s3], [sflag:s2] =	dma.local @!p0 [hbm:s0], s1  }
0x56: {  	s0 =	simm.s32 @!p0 $0x1  }
0x57: {  	_ =	swait.ge @!p0 [sflag:s0], s1  }
0x58: {  	s1 =	ssub.s32 @!p0 $0x0, s1;
	[sflag:s0] =	ssyncset.done @!p0 $0x0  }
0x59: {  	[sflag:s0] =	ssyncadd.s32 @!p0 s1  }
0x5a: {  	[bflag:$0x3] =	sbarrier.arrive $0xFFFF  }
0x5b: {  	_ =	shalt  }

// kernel: gather_offload_async_start.7
scs
__scs_entry_jumppad:
0x0: {  	(pc) =	sbr.rel $0x88, $3  }
0x1: {  	(tag) =	ssettag $0x0;
	lr =	simm.s32 $0x1  }
0x2: {  	[smem:$0x3F9E] =	sst lr;
	_ =	strace $0xD0000000  }
0x3: {  	_ = 	snop  }
0x4: {  	_ = 	snop  }
0x5: {  	_ = 	snop  }
0x6: {  	_ = 	snop  }
0x7: {  	_ = 	snop  }
__scs_overlays_trampoline_lowered:
0x8: {  	[smem:$0x3FAD] =	sst s0  }
0x9: {  	[smem:$0x3FAE] =	sst s1  }
0xa: {  	[smem:$0x3FAF] =	sst s2  }
0xb: {  	[smem:$0x3FB0] =	sst s3  }
0xc: {  	[smem:$0x3FB1] =	sst s4  }
0xd: {  	[smem:$0x3FB2] =	sst s5  }
0xe: {  	[smem:$0x3FB3] =	sst s6  }
0xf: {  	[smem:$0x3FB4] =	sst s7  }
0x10: {  	[smem:$0x3FB5] =	sst s8  }
0x11: {  	[smem:$0x3FB6] =	sst s9;
	s0 =	simm.s32 @!p0 $0x0  }
0x12: {  	s1 =	sld [smem:$0x3F9C];
	s0 =	simm.s32 @p0 $0x1  }
0x13: {  	[smem:$0x3FB7] =	sst s0;
	s0 =	simm.s32 @!p1 $0x0  }
0x14: {  	s2 =	sld [smem:$0x3F9B];
	s0 =	simm.s32 @p1 $0x1  }
0x15: {  	[smem:$0x3FB8] =	sst s0;
	s0 =	simm.s32 @!p2 $0x0  }
0x16: {  	s3 =	sld [smem:$0x3FDB];
	s0 =	simm.s32 @p2 $0x1  }
0x17: {  	s4 =	simm.s32 $0x1BF5;
	[smem:$0x3FBA] =	sst s0  }
0x18: {  	s0 =	sld [smem:$0x3F9D];
	_ =	swait.ge [sflag:s4], $0x0  }
0x19: {  	s7 =	sld [smem:$0x3F9E]  }
0x1a: {  	s8 =	sadd.s32 $0xFFFFE003, lr  }
0x1b: {  	s9 =	sadd.s32 $0xFFFFFEF7, lr;
	s5 =	simm.s32 $0xFFFFFFFF;
	p2 =	slt.u32 s8, $0xFFFFF086  }
0x1c: {  	p1 =	slt.u32 s9, $0xF7A;
	s5 =	simm.s32 @!p2 $0x0  }
0x1d: {  	s5 =	simm.s32 @p1 $0x1;
	p0 =	seq.s32 s7, s2  }
0x1e: {  	s7 =	smul.u32 @!p0 $0xF7A, s2;
	p2 =	seq.s32 @!p0 s5, $0x0  }
0x1f: {  	s9 =	smul.u32 $0xF7A, s1;
	s8 =	simm.s32 @!p0 $0x1BF5;
	p2 =	por !p2, p0  }
0x20: {  	[sflag:s8] =	ssyncset.s32 @!p0 $0xFFFFF086;
	s6 =	sadd.s32 @!p0 s3, s7;
	s7 =	simm.s32 @!p0 $0x108  }
0x21: {  	s3 =	sadd.s32 s3, s9;
	s6 =	sadd.s32 @!p0 $0x88, s6;
	s7 =	simm.s32 @p2 $0x1082  }
0x22: {  	[simem:s7], [sflag:s8] =	dma.local @!p0 [hbm:s6], $0xF7A  }
0x23: {  	s9 =	sor.u32 $0xD0000000, s2;
	s6 =	simm.s32 $0x108;
	_ =	swait.ge @!p0 [sflag:s8], $0x0  }
0x24: {  	s3 =	sadd.s32 $0x88, s3;
	s6 =	simm.s32 @!p1 $0x1082;
	[sflag:s4] =	ssyncset.s32 $0xFFFFF086  }
0x25: {  	[simem:s6], [sflag:s4] =	dma.local [hbm:s3], $0xF7A  }
0x26: {  	[smem:$0x3F9E] =	sst s1;
	(tag) =	ssettag s2;
	_ =	strace s9  }
0x27: {  	s1 =	sld [smem:$0x3FAE]  }
0x28: {  	s2 =	sld [smem:$0x3FAF]  }
0x29: {  	s4 =	sld [smem:$0x3FB1]  }
0x2a: {  	p0 =	seq.s32 s5, $0x0;
	s5 =	sld [smem:$0x3FB2]  }
0x2b: {  	s6 =	sld [smem:$0x3FB3]  }
0x2c: {  	s7 =	sld [smem:$0x3FB4]  }
0x2d: {  	s3 =	simm.s32 $0x108;
	s8 =	sld [smem:$0x3FB5]  }
0x2e: {  	s3 =	simm.s32 @!p0 $0x1082;
	s9 =	sld [smem:$0x3FB6]  }
0x2f: {  	lr =	sadd.s32 s0, s3;
	s0 =	sld [smem:$0x3FAD]  }
0x30: {  	s3 =	sld [smem:$0x3FB0]  }
0x31: {  	[smem:$0x3FB9] =	sst s10  }
0x32: {  	s10 =	sld [smem:$0x3FB7];
	_ =	sdelay $0x3  }
0x33: {  	p0 =	seq.s32 s10, $0x1;
	s10 =	sld [smem:$0x3FB9];
	_ =	sdelay $0x3  }
0x34: {  	[smem:$0x3FB9] =	sst s10  }
0x35: {  	s10 =	sld [smem:$0x3FB8];
	_ =	sdelay $0x3  }
0x36: {  	p1 =	seq.s32 s10, $0x1;
	s10 =	sld [smem:$0x3FB9];
	_ =	sdelay $0x3  }
0x37: {  	[smem:$0x3FB9] =	sst s10  }
0x38: {  	s10 =	sld [smem:$0x3FBA]  }
0x39: {  	_ = 	snop;
	(pc) =	sbr.ind lr, $3  }
0x3a: {  	_ = 	snop  }
0x3b: {  	_ = 	snop  }
0x3c: {  	p2 =	seq.s32 s10, $0x1;
	s10 =	sld [smem:$0x3FB9]  }
0x3d: {  	_ =	shalt  }
0x3e: {  	_ =	shalt  }
0x3f: {  	_ =	shalt  }
0x40: {  	_ =	shalt  }
0x41: {  	_ =	shalt  }
0x42: {  	_ =	shalt  }
0x43: {  	_ =	shalt  }
0x44: {  	_ =	shalt  }
0x45: {  	_ =	shalt  }
0x46: {  	_ =	shalt  }
0x47: {  	_ =	shalt  }
0x48: {  	_ =	shalt  }
0x49: {  	_ =	shalt  }
0x4a: {  	_ =	shalt  }
0x4b: {  	_ =	shalt  }
0x4c: {  	_ =	shalt  }
0x4d: {  	_ =	shalt  }
0x4e: {  	_ =	shalt  }
0x4f: {  	_ =	shalt  }
0x50: {  	_ =	shalt  }
0x51: {  	_ =	shalt  }
0x52: {  	_ =	shalt  }
0x53: {  	_ =	shalt  }
0x54: {  	_ =	shalt  }
0x55: {  	_ =	shalt  }
0x56: {  	_ =	shalt  }
0x57: {  	_ =	shalt  }
0x58: {  	_ =	shalt  }
0x59: {  	_ =	shalt  }
0x5a: {  	_ =	shalt  }
0x5b: {  	_ =	shalt  }
0x5c: {  	_ =	shalt  }
0x5d: {  	_ =	shalt  }
0x5e: {  	_ =	shalt  }
0x5f: {  	_ =	shalt  }
0x60: {  	_ =	shalt  }
0x61: {  	_ =	shalt  }
0x62: {  	_ =	shalt  }
0x63: {  	_ =	shalt  }
0x64: {  	_ =	shalt  }
0x65: {  	_ =	shalt  }
0x66: {  	_ =	shalt  }
0x67: {  	_ =	shalt  }
0x68: {  	_ =	shalt  }
0x69: {  	_ =	shalt  }
0x6a: {  	_ =	shalt  }
0x6b: {  	_ =	shalt  }
0x6c: {  	_ =	shalt  }
0x6d: {  	_ =	shalt  }
0x6e: {  	_ =	shalt  }
0x6f: {  	_ =	shalt  }
0x70: {  	_ =	shalt  }
0x71: {  	_ =	shalt  }
0x72: {  	_ =	shalt  }
0x73: {  	_ =	shalt  }
0x74: {  	_ =	shalt  }
0x75: {  	_ =	shalt  }
0x76: {  	_ =	shalt  }
0x77: {  	_ =	shalt  }
0x78: {  	_ =	shalt  }
0x79: {  	_ =	shalt  }
0x7a: {  	_ =	shalt  }
0x7b: {  	_ =	shalt  }
0x7c: {  	_ =	shalt  }
0x7d: {  	_ =	shalt  }
0x7e: {  	_ =	shalt  }
0x7f: {  	_ =	shalt  }
0x80: {  	_ =	shalt  }
0x81: {  	_ =	shalt  }
0x82: {  	_ =	shalt  }
0x83: {  	_ =	shalt  }
0x84: {  	_ =	shalt  }
0x85: {  	_ =	shalt  }
0x86: {  	_ =	shalt  }
0x87: {  	_ =	shalt  }
.Lfunc_end0:
.L_simem_size_0:
called_computation.7_lowered:
.L_overlay_start_0:
0x88: {  	s2 =	sld [smem:$0x3FD9]  }
0x89: {  	s3 =	sld [smem:$0x3FFE];
	_ =	sdelay $0x1  }
0x8a: {  	s1 =	srdreg.scid  }
0x8b: {  	s0 =	sand.u32 $0x1, s1  }
0x8c: {  	s17 =	sshll.u32 s0, $0xA;
	s2 =	sadd.s32 s3, s2  }
0x8d: {  	s2 =	sadd.s32 s2, s17  }
0x8e: {  	[smem:$0x3FC5] =	sst s2  }
0x8f: {  	_ = 	snop  }
0x90: {  	(tm) =	ssettm $0x1  }
0x91: {  	s18 =	sld [smem:$0x3FFB];
	_ =	sdelay $0x3  }
0x92: {  	_ =	strace s18  }
0x93: {  	s2 =	sld [smem:$0x3FFC];
	_ =	sdelay $0x3  }
0x94: {  	_ =	strace s2  }
0x95: {  	s2 =	sld [smem:$0x3FFD];
	_ =	sdelay $0x3  }
0x96: {  	_ =	strace s2  }
0x97: {  	_ =	strace $0x8FFFFFFF  }
0x98: {  	s19 =	sld [smem:$0x3FDB];
	_ =	sdelay $0x1  }
0x99: {  	s20 =	simm.s32 $_scs_section_size  }
0x9a: {  	s4 =	simm.s32 $_size__tile_overlayer_lowered;
	s5 =	simm.s32 $_tile_overlayer_lowered  }
0x9b: {  	s6 =	simm.s32 $0x1BFF;
	s21 =	sshll.u32 s5, $0x1;
	s3 =	sadd.s32 s20, s19  }
0x9c: {  	s22 =	simm.s32 $0x0;
	s4 =	sshll.u32 s4, $0x1;
	s5 =	sadd.s32 s21, s3  }
0x9d: {  	[timem:s22], [sflag:s6] =	dma.local [hbm:s5], s4  }
0x9e: {  	_ =	swait.ge [sflag:s6], s4  }
0x9f: {  	s4 =	ssub.s32 $0x0, s4;
	[sflag:s6] =	ssyncset.done $0x0  }
0xa0: {  	[sflag:s6] =	ssyncadd.s32 s4;
	_ =	sdelay $0x1  }
0xa1: {  	s23 =	simm.s32 $0x1B8B  }
0xa2: {  	_ =	swait.ge [sflag:s23], $0x1  }
0xa3: {  	[sflag:s23] =	ssyncset.done $0x0  }
0xa4: {  	[sflag:s23] =	ssyncadd.s32 $0xFFFFFFFF  }
0xa5: {  	s4 =	sld [smem:$0x0]  }
0xa6: {  	s5 =	sand.u32 $0xFFFFFFFE, s1  }
0xa7: {  	p0 =	sne.s32 s1, s5  }
0xa8: {  	s5 =	sshll.u32 @p0 s5, $0xE  }
0xa9: {  	s5 =	sadd.s32 @p0 $0x11B8D, s5;
	s6 =	sshll.u32 @p0 s4, $0x11  }
0xaa: {  	s5 =	sor.u32 @p0 s6, s5  }
0xab: {  	[sflag:s5] =	ssyncadd.remote.s32 @p0 $0x1;
	_ =	sdelay $0x1  }
0xac: {  	s5 =	simm.s32 @p0 $0x1B8D  }
0xad: {  	_ =	swait.eq @p0 [sflag:s5], $0x1  }
0xae: {  	[sflag:s5] =	ssyncadd.s32 @p0 $0xFFFFFFFF  }
0xaf: {  	s6 =	sshll.u32 @!p0 s1, $0xE  }
0xb0: {  	s6 =	sor.u32 @!p0 $0x4000, s6;
	s5 =	simm.s32 @!p0 $0x1B8D  }
0xb1: {  	s4 =	sshll.u32 @!p0 s4, $0x11;
	s6 =	sadd.s32 @!p0 $0x11B8D, s6;
	_ =	swait.eq @!p0 [sflag:s5], $0x1  }
0xb2: {  	s4 =	sor.u32 @!p0 s4, s6;
	[sflag:s5] =	ssyncadd.s32 @!p0 $0xFFFFFFFF  }
0xb3: {  	s25 =	simm.s32 $0x1B8E;
	s24 =	sld [smem:$0x3FFE];
	[sflag:s4] =	ssyncadd.remote.s32 @!p0 $0x1  }
0xb4: {  	s26 =	simm.s32 $execute0_lowered;
	[smem:$0x3FD2] =	sst s25  }
0xb5: {  	s5 =	sshll.u32 s26, $0x1;
	_ =	strace $0x8000005E;
	[dreg:$0x1] =	wrdreg $0xFFFFFFFF  }
0xb6: {  	s28 =	simm.s32 $_size_execute0_lowered;
	s3 =	sadd.s32 s3, s5;
	[dreg:$0x0] =	wrdreg $0x0  }
0xb7: {  	s5 =	sshll.u32 s28, $0x1;
	[dreg:$0x2] =	wrdreg s3  }
0xb8: {  	[dreg:$0x3] =	wrdreg s5  }
0xb9: {  	[dreg:$0x4] =	wrdreg $0xC0  }
0xba: {  	_ =	task [dreg:s22], $0x5FFFF  }
0xbb: {  	[dreg:$0x1] =	wrdreg $0xFFFFFFFF  }
0xbc: {  	[dreg:$0x0] =	wrdreg $0x60  }
0xbd: {  	[dreg:$0x2] =	wrdreg s24  }
0xbe: {  	[dreg:$0x3] =	wrdreg $0xA  }
0xbf: {  	_ =	task.clear_ibuf [dreg:s22], $0x4FFFF;
	_ =	strace $0x9000005E  }
0xc0: {  	s29 =	simm.s32 $0xA;
	_ =	strace $0x80000060  }
0xc1: {  	_ =	swait.ge [sflag:s29], $0x1  }
0xc2: {  	[sflag:s29] =	ssyncadd.s32 $0xFFFFFFFF  }
0xc3: {  	_ =	strace $0x90000060  }
0xc4: {  	_ =	sfence  }
0xc5: {  	s30 =	sld [smem:$0x0];
	_ =	sdelay $0x2  }
0xc6: {  	s31 =	sshll.u32 s1, $0xD;
	s1 =	sshrl.u32 s1, $0x2  }
0xc7: {  	s4 =	sand.u32 $0x4000, s31;
	s1 =	sadd.s32 s1, s30  }
0xc8: {  	s0 =	sor.u32 s4, s0;
	s1 =	sshll.u32 s1, $0x11  }
0xc9: {  	s0 =	sor.u32 s1, s0  }
0xca: {  	s0 =	sadd.s32 $0x8F2B, s0  }
0xcb: {  	[sflag:s0] =	ssyncadd.remote.s32 $0x1  }
0xcc: {  	_ =	sfence.sel $0xFFFF  }
0xcd: {  	[dreg:$0x0] =	wrdreg $0xFFFFFFFF;
	(pc) =	sbr.abs _section_cstart, $3  }
0xce: {  	[dreg:$0x1] =	wrdreg $0xFFFFFFFF  }
0xcf: {  	_ =	task.clear_ibuf [dreg:s22], $0x2FFFF;
	_ =	strace $0x9FFFFFFF  }
0xd0: {  	(tm) =	ssettm $0x7FFFFFFF  }
0xd1: {  	_ =	shalt  }
tec
execute0_lowered:
.L_overlay_start_1:
0x0: {  	(tag) =	ssettag $0x1  }
0x1: {  	s1 =	srdreg.scid  }
0x2: {  	s0 =	stileid.u32;
	s2 =	rddreg [dreg:$0x0]  }
0x3: {  	s5 =	simm.s32 $0x1;
	s8 =	simm.s32 $0x1;
	s1 =	sshll.u32 s1, $0x5  }
0x4: {  	s9 =	simm.s32 $0x3;
	s3 =	sshll.u32 s0, $0x6;
	s4 =	sand.u32 $0x20, s1  }
0x5: {  	s10 =	simm.s32 $0x0;
	s13 =	simm.s32 $0x0;
	s3 =	sor.u32 s3, s4  }
0x6: {  	s12 =	simm.s32 $0x0;
	s1 =	rddreg [dreg:$0x1];
	s7 =	ssub.s32 $0x640, s3  }
.Ltmp0:
0x7: {  	_ =	strace $0x8000005F;
	s6 =	sand.u32 $0x3E0, s7;
	(pc) =	sbr.rel .LBB2_1-.Ltmp0, $4  }
0x8: {  	s4 =	sadd.s32 $0x2400, s2;
	[sflag:s5] =	ssyncpa.u1 $0x0;
	p0 =	sne.s32 s6, $0x0  }
0x9: {  	s7 =	sshrl.u32 s7, $0xA;
	s6 =	simm.s32 $0x2;
	s8 =	simm.s32 @!p0 $0x0  }
0xa: {  	s11 =	smov.u32 s3;
	[sflag:s6] =	ssyncpa.u1 $0x0;
	s7 =	sadd.s32 s8, s7  }
0xb: {  	vm0 =	vmmov $0xffff;
	s8 =	sadd.s32 $0x4FA00, s2;
	[sflag:s9] =	ssyncpa.u1 $0x0;
	s9 =	sadd.s32 $0x1, s7  }
.LBB2_5:
0xc: {  	s15 =	sadd.s32 $0x400, s11  }
0xd: {  	p1 =	sgt.s32 s15, $0x63F  }
0xe: {  	s15 =	smov.u32 @p1 s3;
	p1 =	sne.s32 s12, s9  }
.Ltmp1:
0xf: {  	p0 =	slt.u32 s12, $0x2;
	(pc) =	sbr.rel @!p1 .LBB2_6-.Ltmp1, $4  }
0x10: {  	s14 =	simm.s32 @!p0 $0x3  }
0x11: {  	_ =	swait.ge @!p0 [sflag:s14], $0x20  }
0x12: {  	s16 =	sadd.s32 $0x1, s12;
	s13 =	smov.u32 s11;
	[sflag:s14] =	ssyncset.done @!p0 $0x0  }
0x13: {  	s12 =	smov.u32 s16;
	s11 =	smov.u32 s15;
	[sflag:s14] =	ssyncadd.s32 @!p0 $0xFFFFFFE0  }
.LBB2_1:
0x14: {  	p0 =	sge.u32 s12, s7  }
0x15: {  	s14 =	sxor.u32 @!p0 $0xFFFFFFFF, s12  }
0x16: {  	s31 =	sadd.s32 $0xFFFFFFFF, s12;
	s15 =	sshrl.u32 @!p0 s11, $0x3;
	s14 =	sshll.u32 @!p0 s14, $0x5  }
0x17: {  	s16 =	sand.u32 @!p0 $0x7, s11;
	s15 =	sadd.s32 @!p0 s8, s15;
	s14 =	sand.u32 @!p0 $0x20, s14  }
0x18: {  	[tilespmem:s14], [sflag:$0x2] =	stream.linear.gather @!p0 [hbm4b:s15+s16], $0x20, $0x38;
	[tilespmem:$0x80] =	vst v63  }
0x19: {  	p0 =	sge.u32 s31, s7  }
.Ltmp2:
0x1a: {  	_ = 	snop;
	(pc) =	sbr.rel @p0 .LBB2_5-.Ltmp2, $1  }
0x1b: {  	_ =	sdelay $0x3  }
0x1c: {  	_ =	swait.ge [sflag:s6], $0x20;
	s14 =	sshll.u32 s12, $0x5;
	s16 =	simm.s32 $0x0  }
0x1d: {  	p0 =	por $0x1, $0x1;
	[sflag:s6] =	ssyncset.done $0x0;
	s15 =	sand.u32 $0x20, s14  }
0x1e: {  	[sflag:s6] =	ssyncadd.s32 $0xFFFFFFE0;
	(ifvalue) =	ssetifvalue $0x7FFFFFFF;
	s14 =	sor.u32 $0x40, s15  }
.LBB2_3:
0x1f: {  	s17 =	sadd.s32 s16, s15  }
0x20: {  	v0 =	vld.msk [tilespmem:s17+$0x0 ss:$0x1], $0xffff;
	_ =	sdelay $0x4  }
0x21: {  	vm1 =	veq.s32 v0, $0x80000000;
	v1 =	vand.u32 $0x7, v0;
	v0 =	vshrl.u32 v0, $0x3  }
0x22: {  	v1 =	vsel vm1, $0xFFFFFFFF, v1;
	v0 =	vand.u32 $0x1FFF, v0  }
0x23: {  	v0 =	vsel vm1, $0xFFFFFFFF, v0;
	v2 =	vshrl.u32 v1, $0x3  }
0x24: {  	v2 =	vmul.u32 $0x8400, v2;
	v3 =	vshll.u32 v0, $0x3  }
0x25: {  	v1 =	vshll.u32 v1, $0x7;
	v3 =	vand.u32 $0xFFFFFC00, v3  }
0x26: {  	v1 =	vand.u32 $0x380, v1;
	v2 =	vadd.s32 v2, v3  }
0x27: {  	v0 =	vand.u32 $0x7F, v0;
	v1 =	vor.u32 v1, v2  }
0x28: {  	p1 =	por p0, p0;
	v0 =	vor.u32 v0, v1  }
.Ltmp3:
0x29: {  	_ = 	snop;
	(pc) =	sbr.rel @p1 .LBB2_3-.Ltmp3, $4  }
0x2a: {  	_ = 	snop  }
0x2b: {  	s31 =	sadd.s32 s16, s14  }
0x2c: {  	s16 =	simm.s32 $0x10;
	p0 =	por $0x0, $0x0;
	(ifvalue) =	ssetifvalue $0x7FFFFFFF  }
0x2d: {  	[tilespmem:s31], [sflag:$0x1] =	stream.indirect_vreg.gather [hbm4b:s4+s10], $0x1, v0, vm0, $0x4038;
	[tilespmem:$0x80] =	vst v63  }
.Ltmp4:
0x2e: {  	(pc) =	sbr.rel .LBB2_5-.Ltmp4, $4  }
0x2f: {  	_ =	swait.ge [sflag:s5], $0x20  }
0x30: {  	s15 =	sshrl.u32 s13, $0x3;
	[sflag:s5] =	ssyncset.done $0x0  }
0x31: {  	s31 =	sand.u32 $0x7, s13;
	s15 =	sadd.s32 s2, s15;
	[sflag:s5] =	ssyncadd.s32 $0xFFFFFFE0  }
0x32: {  	[hbm4b:s15+s31] =	stream.linear.scatter [tilespmem:s14], [sflag:$0x3], $0x20, $0x38;
	[tilespmem:$0x80] =	vst v63  }
.LBB2_6:
0x33: {  	_ =	sfence.sel $0x180000  }
0x34: {  	s2 =	simm.s32 $0x2;
	[bflag:$0x0] =	sbarrier.arrive $0xFFFF  }
0x35: {  	s30 =	simm.s32 $0x3;
	[sflag:s2] =	ssyncpa.u1 $0x1  }
0x36: {  	s31 =	simm.s32 $0x1;
	[sflag:s30] =	ssyncpa.u1 $0x1  }
0x37: {  	[sflag:s31] =	ssyncpa.u1 $0x1  }
0x38: {  	p0 =	sne.s32 s0, $0x0;
	_ =	strace $0x9000005F  }
0x39: {  	s0 =	sadd.s32 @!p0 $0x100000, s1;
	[bflag:$0x2] =	sbarrier.arrive $0xFFFF  }
0x3a: {  	[sflag:s0] =	ssyncadd.tile.s32 @!p0 $0x1;
	_ =	shalt  }
.Lfunc_end2:
_tile_overlayer_lowered:
.L_overlay_start_2:
0x3b: {  	(tag) =	ssettag $0x2  }
0x3c: {  	s0 =	rddreg [dreg:$0x0];
	s2 =	stileid.u32  }
0x3d: {  	s1 =	rddreg [dreg:$0x1];
	p0 =	sne.s32 s2, $0x0  }
0x3e: {  	s3 =	rddreg [dreg:$0x2];
	[bflag:$0x3] =	sbarrier.arrive $0xFFFF;
	s2 =	simm.s32 @!p0 $0x1C01  }
0x3f: {  	[timem:s3], [sflag:s2] =	dma.local @!p0 [hbm:s0], s1  }
0x40: {  	s0 =	simm.s32 @!p0 $0x1  }
0x41: {  	_ =	swait.ge @!p0 [sflag:s0], s1  }
0x42: {  	s1 =	ssub.s32 @!p0 $0x0, s1;
	[sflag:s0] =	ssyncset.done @!p0 $0x0  }
0x43: {  	[sflag:s0] =	ssyncadd.s32 @!p0 s1  }
0x44: {  	[bflag:$0x3] =	sbarrier.arrive $0xFFFF  }
0x45: {  	_ =	shalt  }

// kernel: gather_offload_async_start.8
scs
__scs_entry_jumppad:
0x0: {  	(pc) =	sbr.rel $0x88, $3  }
0x1: {  	(tag) =	ssettag $0x0;
	lr =	simm.s32 $0x1  }
0x2: {  	[smem:$0x3F9E] =	sst lr;
	_ =	strace $0xD0000000  }
0x3: {  	_ = 	snop  }
0x4: {  	_ = 	snop  }
0x5: {  	_ = 	snop  }
0x6: {  	_ = 	snop  }
0x7: {  	_ = 	snop  }
__scs_overlays_trampoline_lowered:
0x8: {  	[smem:$0x3FAD] =	sst s0  }
0x9: {  	[smem:$0x3FAE] =	sst s1  }
0xa: {  	[smem:$0x3FAF] =	sst s2  }
0xb: {  	[smem:$0x3FB0] =	sst s3  }
0xc: {  	[smem:$0x3FB1] =	sst s4  }
0xd: {  	[smem:$0x3FB2] =	sst s5  }
0xe: {  	[smem:$0x3FB3] =	sst s6  }
0xf: {  	[smem:$0x3FB4] =	sst s7  }
0x10: {  	[smem:$0x3FB5] =	sst s8  }
0x11: {  	[smem:$0x3FB6] =	sst s9;
	s0 =	simm.s32 @!p0 $0x0  }
0x12: {  	s1 =	sld [smem:$0x3F9C];
	s0 =	simm.s32 @p0 $0x1  }
0x13: {  	[smem:$0x3FB7] =	sst s0;
	s0 =	simm.s32 @!p1 $0x0  }
0x14: {  	s2 =	sld [smem:$0x3F9B];
	s0 =	simm.s32 @p1 $0x1  }
0x15: {  	[smem:$0x3FB8] =	sst s0;
	s0 =	simm.s32 @!p2 $0x0  }
0x16: {  	s3 =	sld [smem:$0x3FDB];
	s0 =	simm.s32 @p2 $0x1  }
0x17: {  	s4 =	simm.s32 $0x1BF5;
	[smem:$0x3FBA] =	sst s0  }
0x18: {  	s0 =	sld [smem:$0x3F9D];
	_ =	swait.ge [sflag:s4], $0x0  }
0x19: {  	s7 =	sld [smem:$0x3F9E]  }
0x1a: {  	s8 =	sadd.s32 $0xFFFFE003, lr  }
0x1b: {  	s9 =	sadd.s32 $0xFFFFFEF7, lr;
	s5 =	simm.s32 $0xFFFFFFFF;
	p2 =	slt.u32 s8, $0xFFFFF086  }
0x1c: {  	p1 =	slt.u32 s9, $0xF7A;
	s5 =	simm.s32 @!p2 $0x0  }
0x1d: {  	s5 =	simm.s32 @p1 $0x1;
	p0 =	seq.s32 s7, s2  }
0x1e: {  	s7 =	smul.u32 @!p0 $0xF7A, s2;
	p2 =	seq.s32 @!p0 s5, $0x0  }
0x1f: {  	s9 =	smul.u32 $0xF7A, s1;
	s8 =	simm.s32 @!p0 $0x1BF5;
	p2 =	por !p2, p0  }
0x20: {  	[sflag:s8] =	ssyncset.s32 @!p0 $0xFFFFF086;
	s6 =	sadd.s32 @!p0 s3, s7;
	s7 =	simm.s32 @!p0 $0x108  }
0x21: {  	s3 =	sadd.s32 s3, s9;
	s6 =	sadd.s32 @!p0 $0x88, s6;
	s7 =	simm.s32 @p2 $0x1082  }
0x22: {  	[simem:s7], [sflag:s8] =	dma.local @!p0 [hbm:s6], $0xF7A  }
0x23: {  	s9 =	sor.u32 $0xD0000000, s2;
	s6 =	simm.s32 $0x108;
	_ =	swait.ge @!p0 [sflag:s8], $0x0  }
0x24: {  	s3 =	sadd.s32 $0x88, s3;
	s6 =	simm.s32 @!p1 $0x1082;
	[sflag:s4] =	ssyncset.s32 $0xFFFFF086  }
0x25: {  	[simem:s6], [sflag:s4] =	dma.local [hbm:s3], $0xF7A  }
0x26: {  	[smem:$0x3F9E] =	sst s1;
	(tag) =	ssettag s2;
	_ =	strace s9  }
0x27: {  	s1 =	sld [smem:$0x3FAE]  }
0x28: {  	s2 =	sld [smem:$0x3FAF]  }
0x29: {  	s4 =	sld [smem:$0x3FB1]  }
0x2a: {  	p0 =	seq.s32 s5, $0x0;
	s5 =	sld [smem:$0x3FB2]  }
0x2b: {  	s6 =	sld [smem:$0x3FB3]  }
0x2c: {  	s7 =	sld [smem:$0x3FB4]  }
0x2d: {  	s3 =	simm.s32 $0x108;
	s8 =	sld [smem:$0x3FB5]  }
0x2e: {  	s3 =	simm.s32 @!p0 $0x1082;
	s9 =	sld [smem:$0x3FB6]  }
0x2f: {  	lr =	sadd.s32 s0, s3;
	s0 =	sld [smem:$0x3FAD]  }
0x30: {  	s3 =	sld [smem:$0x3FB0]  }
0x31: {  	[smem:$0x3FB9] =	sst s10  }
0x32: {  	s10 =	sld [smem:$0x3FB7];
	_ =	sdelay $0x3  }
0x33: {  	p0 =	seq.s32 s10, $0x1;
	s10 =	sld [smem:$0x3FB9];
	_ =	sdelay $0x3  }
0x34: {  	[smem:$0x3FB9] =	sst s10  }
0x35: {  	s10 =	sld [smem:$0x3FB8];
	_ =	sdelay $0x3  }
0x36: {  	p1 =	seq.s32 s10, $0x1;
	s10 =	sld [smem:$0x3FB9];
	_ =	sdelay $0x3  }
0x37: {  	[smem:$0x3FB9] =	sst s10  }
0x38: {  	s10 =	sld [smem:$0x3FBA]  }
0x39: {  	_ = 	snop;
	(pc) =	sbr.ind lr, $3  }
0x3a: {  	_ = 	snop  }
0x3b: {  	_ = 	snop  }
0x3c: {  	p2 =	seq.s32 s10, $0x1;
	s10 =	sld [smem:$0x3FB9]  }
0x3d: {  	_ =	shalt  }
0x3e: {  	_ =	shalt  }
0x3f: {  	_ =	shalt  }
0x40: {  	_ =	shalt  }
0x41: {  	_ =	shalt  }
0x42: {  	_ =	shalt  }
0x43: {  	_ =	shalt  }
0x44: {  	_ =	shalt  }
0x45: {  	_ =	shalt  }
0x46: {  	_ =	shalt  }
0x47: {  	_ =	shalt  }
0x48: {  	_ =	shalt  }
0x49: {  	_ =	shalt  }
0x4a: {  	_ =	shalt  }
0x4b: {  	_ =	shalt  }
0x4c: {  	_ =	shalt  }
0x4d: {  	_ =	shalt  }
0x4e: {  	_ =	shalt  }
0x4f: {  	_ =	shalt  }
0x50: {  	_ =	shalt  }
0x51: {  	_ =	shalt  }
0x52: {  	_ =	shalt  }
0x53: {  	_ =	shalt  }
0x54: {  	_ =	shalt  }
0x55: {  	_ =	shalt  }
0x56: {  	_ =	shalt  }
0x57: {  	_ =	shalt  }
0x58: {  	_ =	shalt  }
0x59: {  	_ =	shalt  }
0x5a: {  	_ =	shalt  }
0x5b: {  	_ =	shalt  }
0x5c: {  	_ =	shalt  }
0x5d: {  	_ =	shalt  }
0x5e: {  	_ =	shalt  }
0x5f: {  	_ =	shalt  }
0x60: {  	_ =	shalt  }
0x61: {  	_ =	shalt  }
0x62: {  	_ =	shalt  }
0x63: {  	_ =	shalt  }
0x64: {  	_ =	shalt  }
0x65: {  	_ =	shalt  }
0x66: {  	_ =	shalt  }
0x67: {  	_ =	shalt  }
0x68: {  	_ =	shalt  }
0x69: {  	_ =	shalt  }
0x6a: {  	_ =	shalt  }
0x6b: {  	_ =	shalt  }
0x6c: {  	_ =	shalt  }
0x6d: {  	_ =	shalt  }
0x6e: {  	_ =	shalt  }
0x6f: {  	_ =	shalt  }
0x70: {  	_ =	shalt  }
0x71: {  	_ =	shalt  }
0x72: {  	_ =	shalt  }
0x73: {  	_ =	shalt  }
0x74: {  	_ =	shalt  }
0x75: {  	_ =	shalt  }
0x76: {  	_ =	shalt  }
0x77: {  	_ =	shalt  }
0x78: {  	_ =	shalt  }
0x79: {  	_ =	shalt  }
0x7a: {  	_ =	shalt  }
0x7b: {  	_ =	shalt  }
0x7c: {  	_ =	shalt  }
0x7d: {  	_ =	shalt  }
0x7e: {  	_ =	shalt  }
0x7f: {  	_ =	shalt  }
0x80: {  	_ =	shalt  }
0x81: {  	_ =	shalt  }
0x82: {  	_ =	shalt  }
0x83: {  	_ =	shalt  }
0x84: {  	_ =	shalt  }
0x85: {  	_ =	shalt  }
0x86: {  	_ =	shalt  }
0x87: {  	_ =	shalt  }
.Lfunc_end0:
.L_simem_size_0:
called_computation.8_lowered:
.L_overlay_start_0:
0x88: {  	s2 =	sld [smem:$0x3FD9]  }
0x89: {  	s3 =	sld [smem:$0x3FFE];
	_ =	sdelay $0x1  }
0x8a: {  	s1 =	srdreg.scid  }
0x8b: {  	s0 =	sand.u32 $0x1, s1  }
0x8c: {  	s16 =	sshll.u32 s0, $0xA;
	s2 =	sadd.s32 s3, s2  }
0x8d: {  	s2 =	sadd.s32 s2, s16  }
0x8e: {  	[smem:$0x3FC5] =	sst s2  }
0x8f: {  	_ = 	snop  }
0x90: {  	(tm) =	ssettm $0x1  }
0x91: {  	s17 =	sld [smem:$0x3FFB];
	_ =	sdelay $0x3  }
0x92: {  	_ =	strace s17  }
0x93: {  	s2 =	sld [smem:$0x3FFC];
	_ =	sdelay $0x3  }
0x94: {  	_ =	strace s2  }
0x95: {  	s2 =	sld [smem:$0x3FFD];
	_ =	sdelay $0x3  }
0x96: {  	_ =	strace s2  }
0x97: {  	_ =	strace $0x8FFFFFFF  }
0x98: {  	s18 =	sld [smem:$0x3FDB];
	_ =	sdelay $0x1  }
0x99: {  	s19 =	simm.s32 $_scs_section_size  }
0x9a: {  	s4 =	simm.s32 $_size__tile_overlayer_lowered;
	s5 =	simm.s32 $_tile_overlayer_lowered  }
0x9b: {  	s22 =	simm.s32 $0x1BFF;
	s21 =	sshll.u32 s5, $0x1;
	s2 =	sadd.s32 s19, s18  }
0x9c: {  	s6 =	simm.s32 $0x0;
	s20 =	sshll.u32 s4, $0x1;
	s4 =	sadd.s32 s21, s2  }
0x9d: {  	[timem:s6], [sflag:s22] =	dma.local [hbm:s4], s20  }
0x9e: {  	_ =	swait.ge [sflag:s22], s20  }
0x9f: {  	s3 =	ssub.s32 $0x0, s20;
	[sflag:s22] =	ssyncset.done $0x0  }
0xa0: {  	[sflag:s22] =	ssyncadd.s32 s3;
	_ =	sdelay $0x1  }
0xa1: {  	s23 =	simm.s32 $0x1B8B  }
0xa2: {  	_ =	swait.ge [sflag:s23], $0x1  }
0xa3: {  	[sflag:s23] =	ssyncset.done $0x0  }
0xa4: {  	s25 =	simm.s32 $0x1B8E;
	s24 =	sld [smem:$0x3FFE];
	[sflag:s23] =	ssyncadd.s32 $0xFFFFFFFF  }
0xa5: {  	s26 =	simm.s32 $execute0_lowered;
	[smem:$0x3FD2] =	sst s25  }
0xa6: {  	s4 =	sshll.u32 s26, $0x1;
	_ =	strace $0x8000004C;
	[dreg:$0x1] =	wrdreg $0xFFFFFFFF  }
0xa7: {  	s28 =	simm.s32 $_size_execute0_lowered;
	s2 =	sadd.s32 s2, s4;
	[dreg:$0x0] =	wrdreg $0x0  }
0xa8: {  	s4 =	sshll.u32 s28, $0x1;
	[dreg:$0x2] =	wrdreg s2  }
0xa9: {  	[dreg:$0x3] =	wrdreg s4  }
0xaa: {  	[dreg:$0x4] =	wrdreg $0xC0  }
0xab: {  	_ =	task [dreg:s6], $0x5FFFF  }
0xac: {  	[dreg:$0x1] =	wrdreg $0xFFFFFFFF  }
0xad: {  	[dreg:$0x0] =	wrdreg $0x60  }
0xae: {  	[dreg:$0x2] =	wrdreg s24  }
0xaf: {  	[dreg:$0x3] =	wrdreg $0x9  }
0xb0: {  	_ =	task.clear_ibuf [dreg:s6], $0x4FFFF;
	_ =	strace $0x9000004C  }
0xb1: {  	s29 =	simm.s32 $0x9;
	_ =	strace $0x8000004E  }
0xb2: {  	_ =	swait.ge [sflag:s29], $0x1  }
0xb3: {  	[sflag:s29] =	ssyncadd.s32 $0xFFFFFFFF  }
0xb4: {  	_ =	strace $0x9000004E  }
0xb5: {  	_ =	sfence  }
0xb6: {  	s30 =	sld [smem:$0x0];
	_ =	sdelay $0x2  }
0xb7: {  	s31 =	sshll.u32 s1, $0xD;
	s1 =	sshrl.u32 s1, $0x2  }
0xb8: {  	s3 =	sand.u32 $0x4000, s31;
	s1 =	sadd.s32 s1, s30  }
0xb9: {  	s0 =	sor.u32 s3, s0;
	s1 =	sshll.u32 s1, $0x11  }
0xba: {  	s0 =	sor.u32 s1, s0  }
0xbb: {  	s0 =	sadd.s32 $0x8F2B, s0  }
0xbc: {  	[sflag:s0] =	ssyncadd.remote.s32 $0x1  }
0xbd: {  	_ =	sfence.sel $0xFFFF  }
0xbe: {  	[dreg:$0x0] =	wrdreg $0xFFFFFFFF;
	(pc) =	sbr.abs _section_cstart, $3  }
0xbf: {  	[dreg:$0x1] =	wrdreg $0xFFFFFFFF  }
0xc0: {  	_ =	task.clear_ibuf [dreg:s6], $0x2FFFF;
	_ =	strace $0x9FFFFFFF  }
0xc1: {  	(tm) =	ssettm $0x7FFFFFFF  }
tec
execute0_lowered:
.L_overlay_start_1:
0x0: {  	(tag) =	ssettag $0x1  }
0x1: {  	s8 =	rddreg [dreg:$0x0]  }
0x2: {  	s0 =	rddreg [dreg:$0x1];
	_ =	strace $0x8000004D;
	s1 =	stileid.u32  }
0x3: {  	s3 =	srdreg.scid;
	s4 =	simm.s32 $0x1;
	s7 =	simm.s32 $0x1  }
0x4: {  	s9 =	simm.s32 $0x1;
	s10 =	simm.s32 $0x3;
	s13 =	simm.s32 $0x0  }
0x5: {  	s12 =	simm.s32 $0x0;
	s5 =	sand.u32 $0x1, s3;
	s6 =	sshll.u32 s1, $0x1  }
0x6: {  	s2 =	sadd.s32 $0x12C00, s8;
	s3 =	sadd.s32 $0x4FC00, s8;
	s5 =	sor.u32 s6, s5  }
.Ltmp0:
0x7: {  	[sflag:s4] =	ssyncpa.u1 $0x0;
	p0 =	slt.u32 s5, $0xB;
	(pc) =	sbr.rel .LBB2_1-.Ltmp0, $4  }
0x8: {  	s6 =	simm.s32 $0x2;
	s7 =	simm.s32 @!p0 $0x0;
	p0 =	sne.s32 s5, $0xA  }
0x9: {  	[sflag:s6] =	ssyncpa.u1 $0x0;
	s5 =	smul.u32 $0x320, s5;
	s9 =	simm.s32 @!p0 $0x0  }
0xa: {  	s8 =	sadd.s32 $0x1800, s8;
	[sflag:s10] =	ssyncpa.u1 $0x0;
	s7 =	sadd.s32 s9, s7  }
0xb: {  	vm0 =	vmmov $0xffff;
	s10 =	simm.s32 $0x0;
	s11 =	smov.u32 s5;
	s9 =	sadd.s32 $0x1, s7  }
.LBB2_4:
0xc: {  	v5 =	vshrl.u32 v1, $0x3;
	v6 =	vshll.u32 v1, $0x2  }
0xd: {  	v3 =	vor.u32 v4, v3;
	vm1 =	veq.s32 v1, $0x80000000;
	v58 =	vand.u32 $0x7, v1  }
0xe: {  	v1 =	vsel vm1, $0xFFFFFFFF, v58;
	v59 =	vand.u32 $0x1F, v5;
	v60 =	vand.u32 $0xFFC00, v6  }
0xf: {  	v4 =	vsel vm1, $0xFFFFFFFF, v59;
	v5 =	vsel vm1, $0xFFFFFC00, v60;
	v61 =	vand.u32 $0xFFFFFC00, v1  }
0x10: {  	v1 =	vshll.u32 v1, $0x7;
	v5 =	vadd.s32 v61, v5;
	v62 =	vand.u32 $0xFFFFFC00, v4  }
0x11: {  	v2 =	vor.u32 v2, v3;
	v1 =	vand.u32 $0x380, v1;
	v63 =	vadd.s32 v62, v5  }
0x12: {  	v4 =	vand.u32 $0x7F, v4;
	v1 =	vor.u32 v1, v63  }
0x13: {  	v1 =	vor.u32 v4, v1  }
0x14: {  	[tilespmem:s16], [sflag:$0x1] =	stream.indirect_vreg.gather [hbm4b:s2+s10], $0x1, v0, vm0, $0x4038;
	[tilespmem:$0xC80] =	vst v63  }
0x15: {  	(ifvalue) =	ssetifvalue $0x7FFFFFFF  }
0x16: {  	[tilespmem:s15], [sflag:$0x1] =	stream.indirect_vreg.gather [hbm4b:s2+s10], $0x1, v2, vm0, $0x4038;
	[tilespmem:$0xC80] =	vst v63  }
0x17: {  	s29 =	sadd.s32 $0x10, s15;
	(ifvalue) =	ssetifvalue $0x7FFFFFFF  }
0x18: {  	[tilespmem:s29], [sflag:$0x1] =	stream.indirect_vreg.gather [hbm4b:s2+s10], $0x1, v1, vm0, $0x4038;
	[tilespmem:$0xC80] =	vst v63  }
0x19: {  	_ =	swait.ge [sflag:s4], $0x320  }
0x1a: {  	s30 =	sshrl.u32 s13, $0x3;
	[sflag:s4] =	ssyncset.done $0x0  }
0x1b: {  	s31 =	sand.u32 $0x7, s13;
	s15 =	sadd.s32 s8, s30;
	[sflag:s4] =	ssyncadd.s32 $0xFFFFFCE0  }
0x1c: {  	[hbm4b:s15+s31] =	stream.linear.scatter [tilespmem:s14], [sflag:$0x3], $0x320, $0x38;
	[tilespmem:$0xC80] =	vst v63  }
.LBB2_5:
0x1d: {  	s15 =	sadd.s32 $0x6400, s11  }
0x1e: {  	p1 =	sgt.s32 s15, $0x833F  }
0x1f: {  	s15 =	smov.u32 @p1 s5;
	p1 =	sne.s32 s12, s9  }
.Ltmp1:
0x20: {  	p0 =	slt.u32 s12, $0x2;
	(pc) =	sbr.rel @!p1 .LBB2_6-.Ltmp1, $4  }
0x21: {  	s14 =	simm.s32 @!p0 $0x3  }
0x22: {  	_ =	swait.ge @!p0 [sflag:s14], $0x320  }
0x23: {  	s16 =	sadd.s32 $0x1, s12;
	s13 =	smov.u32 s11;
	[sflag:s14] =	ssyncset.done @!p0 $0x0  }
0x24: {  	s12 =	smov.u32 s16;
	s11 =	smov.u32 s15;
	[sflag:s14] =	ssyncadd.s32 @!p0 $0xFFFFFCE0  }
.LBB2_1:
0x25: {  	p0 =	sge.u32 s12, s7  }
0x26: {  	s14 =	sxor.u32 @!p0 $0x1, s12  }
0x27: {  	s14 =	smul.u32 @!p0 $0xC80, s14  }
0x28: {  	s31 =	sadd.s32 $0xFFFFFFFF, s12;
	s15 =	sshrl.u32 @!p0 s11, $0x3  }
0x29: {  	s16 =	sand.u32 @!p0 $0x7, s11;
	s15 =	sadd.s32 @!p0 s3, s15;
	s14 =	sshra.s32 @!p0 s14, $0x2  }
0x2a: {  	[tilespmem:s14], [sflag:$0x2] =	stream.linear.gather @!p0 [hbm4b:s15+s16], $0x320, $0x38;
	[tilespmem:$0xC80] =	vst v63  }
0x2b: {  	p0 =	sge.u32 s31, s7  }
.Ltmp2:
0x2c: {  	_ = 	snop;
	(pc) =	sbr.rel @p0 .LBB2_5-.Ltmp2, $1  }
0x2d: {  	_ =	sdelay $0x3  }
0x2e: {  	s14 =	sand.u32 $0x1, s12  }
0x2f: {  	_ =	swait.ge [sflag:s6], $0x320;
	p0 =	seq.s32 s14, $0x1;
	s14 =	simm.s32 $0x320  }
0x30: {  	[sflag:s6] =	ssyncset.done $0x0;
	s14 =	simm.s32 @!p0 $0x0  }
0x31: {  	[sflag:s6] =	ssyncadd.s32 $0xFFFFFCE0;
	(ifvalue) =	ssetifvalue $0x7FFFFFFF;
	v0 =	vld.msk [tilespmem:s14+$0x0 ss:$0x1], $0xffff;
	_ =	sdelay $0x3  }
0x32: {  	s15 =	sadd.s32 $0x10, s14  }
0x33: {  	v2 =	vld.msk [tilespmem:s15+$0x0 ss:$0x1], $0xffff;
	v1 =	vshrl.u32 v0, $0x3  }
0x34: {  	v3 =	vshll.u32 v0, $0x2;
	vm1 =	veq.s32 v0, $0x80000000;
	v0 =	vand.u32 $0x7, v0  }
0x35: {  	v0 =	vsel vm1, $0xFFFFFFFF, v0;
	v1 =	vand.u32 $0x1F, v1;
	v3 =	vand.u32 $0xFFC00, v3  }
0x36: {  	v1 =	vsel vm1, $0xFFFFFFFF, v1;
	v3 =	vsel vm1, $0xFFFFFC00, v3;
	v4 =	vand.u32 $0xFFFFFC00, v0  }
0x37: {  	v0 =	vshll.u32 v0, $0x7;
	v3 =	vadd.s32 v4, v3;
	v4 =	vand.u32 $0xFFFFFC00, v1  }
0x38: {  	v5 =	vshll.u32 v2, $0x2;
	v0 =	vand.u32 $0x380, v0;
	v3 =	vadd.s32 v4, v3  }
0x39: {  	vm1 =	veq.s32 v2, $0x80000000;
	v1 =	vand.u32 $0x7F, v1;
	v0 =	vor.u32 v0, v3  }
0x3a: {  	v4 =	vshrl.u32 v2, $0x3;
	v2 =	vand.u32 $0x7, v2;
	v0 =	vor.u32 v1, v0  }
0x3b: {  	s15 =	sadd.s32 $0x10, s15;
	v2 =	vsel vm1, $0xFFFFFFFF, v2;
	v3 =	vand.u32 $0xFFC00, v5;
	v1 =	vand.u32 $0x1F, v4  }
0x3c: {  	s14 =	sadd.s32 $0x640, s14;
	v3 =	vsel vm1, $0xFFFFFC00, v3;
	v5 =	vand.u32 $0xFFFFFC00, v2;
	v4 =	vsel vm1, $0xFFFFFFFF, v1;
	v1 =	vld.msk [tilespmem:s15+$0x0 ss:$0x1], $0xffff  }
0x3d: {  	s17 =	simm.s32 $0x20;
	s16 =	smov.u32 s14;
	v6 =	vshll.u32 v2, $0x7;
	v3 =	vadd.s32 v5, v3;
	v5 =	vand.u32 $0xFFFFFC00, v4  }
0x3e: {  	s18 =	sadd.s32 $0x10, s15;
	(ifvalue) =	ssetifvalue $0x7FFFFFFF;
	s15 =	sadd.s32 $0x10, s14;
	v2 =	vand.u32 $0x7F, v4;
	v4 =	vand.u32 $0x380, v6;
	v3 =	vadd.s32 v5, v3  }
.LBB2_3:
0x3f: {  	[tilespmem:s16], [sflag:$0x1] =	stream.indirect_vreg.gather [hbm4b:s2+s10], $0x1, v0, vm0, $0x4038;
	[tilespmem:$0xC80] =	vst v63  }
0x40: {  	s17 =	sadd.s32 $0x10, s17  }
0x41: {  	v5 =	vshrl.u32 v1, $0x3;
	v6 =	vshll.u32 v1, $0x2;
	v3 =	vor.u32 v4, v3;
	v0 =	vmovc v1;
	v1 =	vld.msk [tilespmem:s18+$0x0 ss:$0x1], $0xffff;
	p0 =	slt.u32 s17, $0x310  }
.Ltmp3:
0x42: {  	s16 =	smov.u32 s15;
	vm1 =	veq.s32 v0, $0x80000000;
	v4 =	vand.u32 $0x7, v0;
	v0 =	vor.u32 v2, v3;
	(pc) =	sbr.rel @p0 .LBB2_3-.Ltmp3, $4  }
0x43: {  	v3 =	vand.u32 $0x1F, v5;
	v2 =	vsel vm1, $0xFFFFFFFF, v4;
	v4 =	vand.u32 $0xFFC00, v6  }
0x44: {  	v3 =	vsel vm1, $0xFFFFFFFF, v3;
	v4 =	vsel vm1, $0xFFFFFC00, v4;
	v5 =	vand.u32 $0xFFFFFC00, v2  }
0x45: {  	v6 =	vshll.u32 v2, $0x7;
	v4 =	vadd.s32 v5, v4;
	v5 =	vand.u32 $0xFFFFFC00, v3  }
0x46: {  	s18 =	sadd.s32 $0x10, s18;
	s15 =	sadd.s32 $0x10, s15;
	v2 =	vand.u32 $0x7F, v3;
	v3 =	vadd.s32 v5, v4;
	v4 =	vand.u32 $0x380, v6;
	(ifvalue) =	ssetifvalue $0x7FFFFFFF  }
.Ltmp4:
0x47: {  	_ = 	snop;
	(pc) =	sbr.rel .LBB2_4-.Ltmp4, $1  }
0x48: {  	_ =	sdelay $0x3  }
.LBB2_6:
0x49: {  	_ =	sfence.sel $0x180000  }
0x4a: {  	s2 =	simm.s32 $0x2;
	[bflag:$0x0] =	sbarrier.arrive $0xFFFF  }
0x4b: {  	s30 =	simm.s32 $0x3;
	[sflag:s2] =	ssyncpa.u1 $0x1  }
0x4c: {  	s31 =	simm.s32 $0x1;
	[sflag:s30] =	ssyncpa.u1 $0x1  }
0x4d: {  	[sflag:s31] =	ssyncpa.u1 $0x1  }
0x4e: {  	p0 =	sne.s32 s1, $0x0;
	_ =	strace $0x9000004D  }
0x4f: {  	s0 =	sadd.s32 @!p0 $0x100000, s0;
	[bflag:$0x2] =	sbarrier.arrive $0xFFFF  }
0x50: {  	[sflag:s0] =	ssyncadd.tile.s32 @!p0 $0x1;
	_ =	shalt  }
.Lfunc_end2:
_tile_overlayer_lowered:
.L_overlay_start_2:
0x51: {  	(tag) =	ssettag $0x2  }
0x52: {  	s0 =	rddreg [dreg:$0x0];
	s2 =	stileid.u32  }
0x53: {  	s1 =	rddreg [dreg:$0x1];
	p0 =	sne.s32 s2, $0x0  }
0x54: {  	s3 =	rddreg [dreg:$0x2];
	[bflag:$0x3] =	sbarrier.arrive $0xFFFF;
	s2 =	simm.s32 @!p0 $0x1C01  }
0x55: {  	[timem:s3], [sflag:s2] =	dma.local @!p0 [hbm:s0], s1  }
0x56: {  	s0 =	simm.s32 @!p0 $0x1  }
0x57: {  	_ =	swait.ge @!p0 [sflag:s0], s1  }
0x58: {  	s1 =	ssub.s32 @!p0 $0x0, s1;
	[sflag:s0] =	ssyncset.done @!p0 $0x0  }
0x59: {  	[sflag:s0] =	ssyncadd.s32 @!p0 s1  }
0x5a: {  	[bflag:$0x3] =	sbarrier.arrive $0xFFFF  }
0x5b: {  	_ =	shalt  }

// kernel: gather_offload_async_start.9
scs
__scs_entry_jumppad:
0x0: {  	(pc) =	sbr.rel $0x88, $3  }
0x1: {  	(tag) =	ssettag $0x0;
	lr =	simm.s32 $0x1  }
0x2: {  	[smem:$0x3F9E] =	sst lr;
	_ =	strace $0xD0000000  }
0x3: {  	_ = 	snop  }
0x4: {  	_ = 	snop  }
0x5: {  	_ = 	snop  }
0x6: {  	_ = 	snop  }
0x7: {  	_ = 	snop  }
__scs_overlays_trampoline_lowered:
0x8: {  	[smem:$0x3FAD] =	sst s0  }
0x9: {  	[smem:$0x3FAE] =	sst s1  }
0xa: {  	[smem:$0x3FAF] =	sst s2  }
0xb: {  	[smem:$0x3FB0] =	sst s3  }
0xc: {  	[smem:$0x3FB1] =	sst s4  }
0xd: {  	[smem:$0x3FB2] =	sst s5  }
0xe: {  	[smem:$0x3FB3] =	sst s6  }
0xf: {  	[smem:$0x3FB4] =	sst s7  }
0x10: {  	[smem:$0x3FB5] =	sst s8  }
0x11: {  	[smem:$0x3FB6] =	sst s9;
	s0 =	simm.s32 @!p0 $0x0  }
0x12: {  	s1 =	sld [smem:$0x3F9C];
	s0 =	simm.s32 @p0 $0x1  }
0x13: {  	[smem:$0x3FB7] =	sst s0;
	s0 =	simm.s32 @!p1 $0x0  }
0x14: {  	s2 =	sld [smem:$0x3F9B];
	s0 =	simm.s32 @p1 $0x1  }
0x15: {  	[smem:$0x3FB8] =	sst s0;
	s0 =	simm.s32 @!p2 $0x0  }
0x16: {  	s3 =	sld [smem:$0x3FDB];
	s0 =	simm.s32 @p2 $0x1  }
0x17: {  	s4 =	simm.s32 $0x1BF5;
	[smem:$0x3FBA] =	sst s0  }
0x18: {  	s0 =	sld [smem:$0x3F9D];
	_ =	swait.ge [sflag:s4], $0x0  }
0x19: {  	s7 =	sld [smem:$0x3F9E]  }
0x1a: {  	s8 =	sadd.s32 $0xFFFFE003, lr  }
0x1b: {  	s9 =	sadd.s32 $0xFFFFFEF7, lr;
	s5 =	simm.s32 $0xFFFFFFFF;
	p2 =	slt.u32 s8, $0xFFFFF086  }
0x1c: {  	p1 =	slt.u32 s9, $0xF7A;
	s5 =	simm.s32 @!p2 $0x0  }
0x1d: {  	s5 =	simm.s32 @p1 $0x1;
	p0 =	seq.s32 s7, s2  }
0x1e: {  	s7 =	smul.u32 @!p0 $0xF7A, s2;
	p2 =	seq.s32 @!p0 s5, $0x0  }
0x1f: {  	s9 =	smul.u32 $0xF7A, s1;
	s8 =	simm.s32 @!p0 $0x1BF5;
	p2 =	por !p2, p0  }
0x20: {  	[sflag:s8] =	ssyncset.s32 @!p0 $0xFFFFF086;
	s6 =	sadd.s32 @!p0 s3, s7;
	s7 =	simm.s32 @!p0 $0x108  }
0x21: {  	s3 =	sadd.s32 s3, s9;
	s6 =	sadd.s32 @!p0 $0x88, s6;
	s7 =	simm.s32 @p2 $0x1082  }
0x22: {  	[simem:s7], [sflag:s8] =	dma.local @!p0 [hbm:s6], $0xF7A  }
0x23: {  	s9 =	sor.u32 $0xD0000000, s2;
	s6 =	simm.s32 $0x108;
	_ =	swait.ge @!p0 [sflag:s8], $0x0  }
0x24: {  	s3 =	sadd.s32 $0x88, s3;
	s6 =	simm.s32 @!p1 $0x1082;
	[sflag:s4] =	ssyncset.s32 $0xFFFFF086  }
0x25: {  	[simem:s6], [sflag:s4] =	dma.local [hbm:s3], $0xF7A  }
0x26: {  	[smem:$0x3F9E] =	sst s1;
	(tag) =	ssettag s2;
	_ =	strace s9  }
0x27: {  	s1 =	sld [smem:$0x3FAE]  }
0x28: {  	s2 =	sld [smem:$0x3FAF]  }
0x29: {  	s4 =	sld [smem:$0x3FB1]  }
0x2a: {  	p0 =	seq.s32 s5, $0x0;
	s5 =	sld [smem:$0x3FB2]  }
0x2b: {  	s6 =	sld [smem:$0x3FB3]  }
0x2c: {  	s7 =	sld [smem:$0x3FB4]  }
0x2d: {  	s3 =	simm.s32 $0x108;
	s8 =	sld [smem:$0x3FB5]  }
0x2e: {  	s3 =	simm.s32 @!p0 $0x1082;
	s9 =	sld [smem:$0x3FB6]  }
0x2f: {  	lr =	sadd.s32 s0, s3;
	s0 =	sld [smem:$0x3FAD]  }
0x30: {  	s3 =	sld [smem:$0x3FB0]  }
0x31: {  	[smem:$0x3FB9] =	sst s10  }
0x32: {  	s10 =	sld [smem:$0x3FB7];
	_ =	sdelay $0x3  }
0x33: {  	p0 =	seq.s32 s10, $0x1;
	s10 =	sld [smem:$0x3FB9];
	_ =	sdelay $0x3  }
0x34: {  	[smem:$0x3FB9] =	sst s10  }
0x35: {  	s10 =	sld [smem:$0x3FB8];
	_ =	sdelay $0x3  }
0x36: {  	p1 =	seq.s32 s10, $0x1;
	s10 =	sld [smem:$0x3FB9];
	_ =	sdelay $0x3  }
0x37: {  	[smem:$0x3FB9] =	sst s10  }
0x38: {  	s10 =	sld [smem:$0x3FBA]  }
0x39: {  	_ = 	snop;
	(pc) =	sbr.ind lr, $3  }
0x3a: {  	_ = 	snop  }
0x3b: {  	_ = 	snop  }
0x3c: {  	p2 =	seq.s32 s10, $0x1;
	s10 =	sld [smem:$0x3FB9]  }
0x3d: {  	_ =	shalt  }
0x3e: {  	_ =	shalt  }
0x3f: {  	_ =	shalt  }
0x40: {  	_ =	shalt  }
0x41: {  	_ =	shalt  }
0x42: {  	_ =	shalt  }
0x43: {  	_ =	shalt  }
0x44: {  	_ =	shalt  }
0x45: {  	_ =	shalt  }
0x46: {  	_ =	shalt  }
0x47: {  	_ =	shalt  }
0x48: {  	_ =	shalt  }
0x49: {  	_ =	shalt  }
0x4a: {  	_ =	shalt  }
0x4b: {  	_ =	shalt  }
0x4c: {  	_ =	shalt  }
0x4d: {  	_ =	shalt  }
0x4e: {  	_ =	shalt  }
0x4f: {  	_ =	shalt  }
0x50: {  	_ =	shalt  }
0x51: {  	_ =	shalt  }
0x52: {  	_ =	shalt  }
0x53: {  	_ =	shalt  }
0x54: {  	_ =	shalt  }
0x55: {  	_ =	shalt  }
0x56: {  	_ =	shalt  }
0x57: {  	_ =	shalt  }
0x58: {  	_ =	shalt  }
0x59: {  	_ =	shalt  }
0x5a: {  	_ =	shalt  }
0x5b: {  	_ =	shalt  }
0x5c: {  	_ =	shalt  }
0x5d: {  	_ =	shalt  }
0x5e: {  	_ =	shalt  }
0x5f: {  	_ =	shalt  }
0x60: {  	_ =	shalt  }
0x61: {  	_ =	shalt  }
0x62: {  	_ =	shalt  }
0x63: {  	_ =	shalt  }
0x64: {  	_ =	shalt  }
0x65: {  	_ =	shalt  }
0x66: {  	_ =	shalt  }
0x67: {  	_ =	shalt  }
0x68: {  	_ =	shalt  }
0x69: {  	_ =	shalt  }
0x6a: {  	_ =	shalt  }
0x6b: {  	_ =	shalt  }
0x6c: {  	_ =	shalt  }
0x6d: {  	_ =	shalt  }
0x6e: {  	_ =	shalt  }
0x6f: {  	_ =	shalt  }
0x70: {  	_ =	shalt  }
0x71: {  	_ =	shalt  }
0x72: {  	_ =	shalt  }
0x73: {  	_ =	shalt  }
0x74: {  	_ =	shalt  }
0x75: {  	_ =	shalt  }
0x76: {  	_ =	shalt  }
0x77: {  	_ =	shalt  }
0x78: {  	_ =	shalt  }
0x79: {  	_ =	shalt  }
0x7a: {  	_ =	shalt  }
0x7b: {  	_ =	shalt  }
0x7c: {  	_ =	shalt  }
0x7d: {  	_ =	shalt  }
0x7e: {  	_ =	shalt  }
0x7f: {  	_ =	shalt  }
0x80: {  	_ =	shalt  }
0x81: {  	_ =	shalt  }
0x82: {  	_ =	shalt  }
0x83: {  	_ =	shalt  }
0x84: {  	_ =	shalt  }
0x85: {  	_ =	shalt  }
0x86: {  	_ =	shalt  }
0x87: {  	_ =	shalt  }
.Lfunc_end0:
.L_simem_size_0:
called_computation.9_lowered:
.L_overlay_start_0:
0x88: {  	s2 =	sld [smem:$0x3FD9]  }
0x89: {  	s3 =	sld [smem:$0x3FFE];
	_ =	sdelay $0x1  }
0x8a: {  	s1 =	srdreg.scid  }
0x8b: {  	s0 =	sand.u32 $0x1, s1  }
0x8c: {  	s15 =	sshll.u32 s0, $0xA;
	s2 =	sadd.s32 s3, s2  }
0x8d: {  	s2 =	sadd.s32 s2, s15  }
0x8e: {  	[smem:$0x3FC5] =	sst s2  }
0x8f: {  	_ = 	snop  }
0x90: {  	s2 =	sld [smem:$0x3FD0];
	_ =	sdelay $0x2  }
0x91: {  	s16 =	simm.s32 $0xB;
	s4 =	simm.s32 $0x10  }
0x92: {  	[smem:s4], [sflag:s16] =	dma.local [hbm:s2], $0x1  }
0x93: {  	_ =	swait.eq [sflag:s16], $0x1  }
0x94: {  	[sflag:s16] =	ssyncset.done $0x0  }
0x95: {  	[sflag:s16] =	ssyncadd.s32 $0xFFFFFFFF  }
0x96: {  	s17 =	sld [smem:$0x10];
	(tm) =	ssettm $0x1  }
0x97: {  	s18 =	sld [smem:$0x3FFB];
	_ =	sdelay $0x3  }
0x98: {  	_ =	strace s18  }
0x99: {  	s2 =	sld [smem:$0x3FFC];
	_ =	sdelay $0x3  }
0x9a: {  	_ =	strace s2  }
0x9b: {  	s2 =	sld [smem:$0x3FFD];
	_ =	sdelay $0x3  }
0x9c: {  	_ =	strace s2  }
0x9d: {  	_ =	strace $0x8FFFFFFF  }
0x9e: {  	s19 =	sld [smem:$0x3FDB];
	_ =	sdelay $0x1  }
0x9f: {  	s20 =	simm.s32 $_scs_section_size  }
0xa0: {  	s5 =	simm.s32 $_size__tile_overlayer_lowered;
	s6 =	simm.s32 $_tile_overlayer_lowered  }
0xa1: {  	s7 =	simm.s32 $0x1BFF;
	s21 =	sshll.u32 s6, $0x1;
	s4 =	sadd.s32 s20, s19  }
0xa2: {  	s22 =	simm.s32 $0x0;
	s5 =	sshll.u32 s5, $0x1;
	s6 =	sadd.s32 s21, s4  }
0xa3: {  	[timem:s22], [sflag:s7] =	dma.local [hbm:s6], s5  }
0xa4: {  	_ =	swait.ge [sflag:s7], s5  }
0xa5: {  	s5 =	ssub.s32 $0x0, s5;
	[sflag:s7] =	ssyncset.done $0x0  }
0xa6: {  	[sflag:s7] =	ssyncadd.s32 s5;
	_ =	sdelay $0x1  }
0xa7: {  	s23 =	simm.s32 $0x1B8B  }
0xa8: {  	_ =	swait.ge [sflag:s23], $0x1  }
0xa9: {  	[sflag:s23] =	ssyncset.done $0x0  }
0xaa: {  	[sflag:s23] =	ssyncadd.s32 $0xFFFFFFFF  }
0xab: {  	s5 =	sld [smem:$0x0]  }
0xac: {  	s6 =	sand.u32 $0xFFFFFFFE, s1  }
0xad: {  	p0 =	sne.s32 s1, s6  }
0xae: {  	s6 =	sshll.u32 @p0 s6, $0xE  }
0xaf: {  	s6 =	sadd.s32 @p0 $0x11B8D, s6;
	s7 =	sshll.u32 @p0 s5, $0x11  }
0xb0: {  	s6 =	sor.u32 @p0 s7, s6  }
0xb1: {  	[sflag:s6] =	ssyncadd.remote.s32 @p0 $0x1;
	_ =	sdelay $0x1  }
0xb2: {  	s6 =	simm.s32 @p0 $0x1B8D  }
0xb3: {  	_ =	swait.eq @p0 [sflag:s6], $0x1  }
0xb4: {  	[sflag:s6] =	ssyncadd.s32 @p0 $0xFFFFFFFF  }
0xb5: {  	s7 =	sshll.u32 @!p0 s1, $0xE  }
0xb6: {  	s7 =	sor.u32 @!p0 $0x4000, s7;
	s6 =	simm.s32 @!p0 $0x1B8D  }
0xb7: {  	s5 =	sshll.u32 @!p0 s5, $0x11;
	s7 =	sadd.s32 @!p0 $0x11B8D, s7;
	_ =	swait.eq @!p0 [sflag:s6], $0x1  }
0xb8: {  	s5 =	sor.u32 @!p0 s5, s7;
	[sflag:s6] =	ssyncadd.s32 @!p0 $0xFFFFFFFF  }
0xb9: {  	s25 =	simm.s32 $0x1B8E;
	s24 =	sld [smem:$0x3FFE];
	[sflag:s5] =	ssyncadd.remote.s32 @!p0 $0x1  }
0xba: {  	s26 =	simm.s32 $execute0_lowered;
	[smem:$0x3FD2] =	sst s25  }
0xbb: {  	s6 =	sshll.u32 s26, $0x1;
	_ =	strace $0x80000061;
	[dreg:$0x1] =	wrdreg $0xFFFFFFFF  }
0xbc: {  	s28 =	simm.s32 $_size_execute0_lowered;
	s4 =	sadd.s32 s4, s6;
	[dreg:$0x0] =	wrdreg $0x0  }
0xbd: {  	s6 =	sshll.u32 s28, $0x1;
	[dreg:$0x2] =	wrdreg s4  }
0xbe: {  	[dreg:$0x3] =	wrdreg s6  }
0xbf: {  	[dreg:$0x4] =	wrdreg $0xC0  }
0xc0: {  	_ =	task [dreg:s22], $0x5FFFF  }
0xc1: {  	[dreg:$0x1] =	wrdreg $0xFFFFFFFF  }
0xc2: {  	[dreg:$0x0] =	wrdreg $0x60  }
0xc3: {  	[dreg:$0x2] =	wrdreg s24  }
0xc4: {  	[dreg:$0x3] =	wrdreg s17  }
0xc5: {  	[dreg:$0x4] =	wrdreg $0x9  }
0xc6: {  	_ =	task.clear_ibuf [dreg:s22], $0x5FFFF;
	_ =	strace $0x90000061  }
0xc7: {  	s29 =	simm.s32 $0x9;
	_ =	strace $0x80000063  }
0xc8: {  	_ =	swait.ge [sflag:s29], $0x1  }
0xc9: {  	[sflag:s29] =	ssyncadd.s32 $0xFFFFFFFF  }
0xca: {  	_ =	strace $0x90000063  }
0xcb: {  	_ =	sfence  }
0xcc: {  	s30 =	sld [smem:$0x0];
	_ =	sdelay $0x2  }
0xcd: {  	s31 =	sshll.u32 s1, $0xD;
	s1 =	sshrl.u32 s1, $0x2  }
0xce: {  	s4 =	sand.u32 $0x4000, s31;
	s1 =	sadd.s32 s1, s30  }
0xcf: {  	s0 =	sor.u32 s4, s0;
	s1 =	sshll.u32 s1, $0x11  }
0xd0: {  	s0 =	sor.u32 s1, s0  }
0xd1: {  	s0 =	sadd.s32 $0x8F2B, s0  }
0xd2: {  	[sflag:s0] =	ssyncadd.remote.s32 $0x1  }
0xd3: {  	_ =	sfence.sel $0xFFFF  }
0xd4: {  	[dreg:$0x0] =	wrdreg $0xFFFFFFFF;
	(pc) =	sbr.abs _section_cstart, $3  }
0xd5: {  	[dreg:$0x1] =	wrdreg $0xFFFFFFFF  }
0xd6: {  	_ =	task.clear_ibuf [dreg:s22], $0x2FFFF;
	_ =	strace $0x9FFFFFFF  }
0xd7: {  	(tm) =	ssettm $0x7FFFFFFF  }
tec
execute0_lowered:
.L_overlay_start_1:
0x0: {  	(tag) =	ssettag $0x1  }
0x1: {  	s1 =	srdreg.scid;
	s8 =	rddreg [dreg:$0x0]  }
0x2: {  	s0 =	stileid.u32;
	s2 =	rddreg [dreg:$0x1]  }
0x3: {  	s5 =	simm.s32 $0x1;
	s9 =	simm.s32 $0x1;
	s1 =	sshll.u32 s1, $0x5  }
0x4: {  	s10 =	simm.s32 $0x3;
	s3 =	sshll.u32 s0, $0x6;
	s4 =	sand.u32 $0x20, s1  }
0x5: {  	s13 =	simm.s32 $0x0;
	s12 =	simm.s32 $0x0;
	s3 =	sor.u32 s3, s4  }
0x6: {  	s1 =	rddreg [dreg:$0x2];
	_ =	strace $0x80000062;
	s7 =	ssub.s32 $0x640, s3  }
.Ltmp0:
0x7: {  	s4 =	sadd.s32 $0x4800, s8;
	s6 =	sand.u32 $0x3E0, s7;
	(pc) =	sbr.rel .LBB2_1-.Ltmp0, $4  }
0x8: {  	[sflag:s5] =	ssyncpa.u1 $0x0;
	s8 =	sadd.s32 $0x4FA00, s8;
	p0 =	sne.s32 s6, $0x0  }
0x9: {  	s7 =	sshrl.u32 s7, $0xA;
	s6 =	simm.s32 $0x2;
	s9 =	simm.s32 @!p0 $0x0  }
0xa: {  	s11 =	smov.u32 s3;
	[sflag:s6] =	ssyncpa.u1 $0x0;
	s7 =	sadd.s32 s9, s7  }
0xb: {  	vm0 =	vmmov $0xffff;
	[sflag:s10] =	ssyncpa.u1 $0x0;
	s10 =	simm.s32 $0x0;
	s9 =	sadd.s32 $0x1, s7  }
.LBB2_5:
0xc: {  	s15 =	sadd.s32 $0x400, s11  }
0xd: {  	p1 =	sgt.s32 s15, $0x63F  }
0xe: {  	s15 =	smov.u32 @p1 s3;
	p1 =	sne.s32 s12, s9  }
.Ltmp1:
0xf: {  	p0 =	slt.u32 s12, $0x2;
	(pc) =	sbr.rel @!p1 .LBB2_6-.Ltmp1, $4  }
0x10: {  	s14 =	simm.s32 @!p0 $0x3  }
0x11: {  	_ =	swait.ge @!p0 [sflag:s14], $0x20  }
0x12: {  	s16 =	sadd.s32 $0x1, s12;
	s13 =	smov.u32 s11;
	[sflag:s14] =	ssyncset.done @!p0 $0x0  }
0x13: {  	s12 =	smov.u32 s16;
	s11 =	smov.u32 s15;
	[sflag:s14] =	ssyncadd.s32 @!p0 $0xFFFFFFE0  }
.LBB2_1:
0x14: {  	p0 =	sge.u32 s12, s7  }
0x15: {  	s14 =	sxor.u32 @!p0 $0xFFFFFFFF, s12  }
0x16: {  	s31 =	sadd.s32 $0xFFFFFFFF, s12;
	s15 =	sshrl.u32 @!p0 s11, $0x3;
	s14 =	sshll.u32 @!p0 s14, $0x5  }
0x17: {  	s16 =	sand.u32 @!p0 $0x7, s11;
	s15 =	sadd.s32 @!p0 s8, s15;
	s14 =	sand.u32 @!p0 $0x20, s14  }
0x18: {  	[tilespmem:s14], [sflag:$0x2] =	stream.linear.gather @!p0 [hbm4b:s15+s16], $0x20, $0x38;
	[tilespmem:$0x80] =	vst v63  }
0x19: {  	p0 =	sge.u32 s31, s7  }
.Ltmp2:
0x1a: {  	_ = 	snop;
	(pc) =	sbr.rel @p0 .LBB2_5-.Ltmp2, $1  }
0x1b: {  	_ =	sdelay $0x3  }
0x1c: {  	_ =	swait.ge [sflag:s6], $0x20;
	s14 =	sshll.u32 s12, $0x5;
	s16 =	simm.s32 $0x0  }
0x1d: {  	p0 =	por $0x1, $0x1;
	[sflag:s6] =	ssyncset.done $0x0;
	s15 =	sand.u32 $0x20, s14  }
0x1e: {  	[sflag:s6] =	ssyncadd.s32 $0xFFFFFFE0;
	(ifvalue) =	ssetifvalue $0x7FFFFFFF;
	s14 =	sor.u32 $0x40, s15  }
.LBB2_3:
0x1f: {  	s17 =	sadd.s32 s16, s15  }
0x20: {  	v0 =	vld.msk [tilespmem:s17+$0x0 ss:$0x1], $0xffff;
	_ =	sdelay $0x4  }
0x21: {  	vm1 =	veq.s32 v0, $0x80000000;
	v1 =	vand.u32 $0x7, v0;
	v0 =	vshrl.u32 v0, $0x3  }
0x22: {  	v1 =	vsel vm1, $0xFFFFFFFF, v1;
	v0 =	vand.u32 $0x1FFF, v0  }
0x23: {  	v0 =	vsel vm1, $0xFFFFFFFF, v0;
	v2 =	vshrl.u32 v1, $0x3  }
0x24: {  	v2 =	vmul.u32 $0x8400, v2;
	v3 =	vshll.u32 v0, $0x3  }
0x25: {  	v1 =	vshll.u32 v1, $0x7;
	v3 =	vand.u32 $0xFFFFFC00, v3  }
0x26: {  	v1 =	vand.u32 $0x380, v1;
	v2 =	vadd.s32 v2, v3  }
0x27: {  	v0 =	vand.u32 $0x7F, v0;
	v1 =	vor.u32 v1, v2  }
0x28: {  	p1 =	por p0, p0;
	v0 =	vor.u32 v0, v1  }
.Ltmp3:
0x29: {  	_ = 	snop;
	(pc) =	sbr.rel @p1 .LBB2_3-.Ltmp3, $4  }
0x2a: {  	_ = 	snop  }
0x2b: {  	s31 =	sadd.s32 s16, s14  }
0x2c: {  	s16 =	simm.s32 $0x10;
	p0 =	por $0x0, $0x0;
	(ifvalue) =	ssetifvalue $0x7FFFFFFF  }
0x2d: {  	[tilespmem:s31], [sflag:$0x1] =	stream.indirect_vreg.gather [hbm4b:s4+s10], $0x1, v0, vm0, $0x4038;
	[tilespmem:$0x80] =	vst v63  }
.Ltmp4:
0x2e: {  	(pc) =	sbr.rel .LBB2_5-.Ltmp4, $4  }
0x2f: {  	_ =	swait.ge [sflag:s5], $0x20  }
0x30: {  	s15 =	sshrl.u32 s13, $0x3;
	[sflag:s5] =	ssyncset.done $0x0  }
0x31: {  	s31 =	sand.u32 $0x7, s13;
	s15 =	sadd.s32 s2, s15;
	[sflag:s5] =	ssyncadd.s32 $0xFFFFFFE0  }
0x32: {  	[hbm4b:s15+s31] =	stream.linear.scatter [tilespmem:s14], [sflag:$0x3], $0x20, $0x38;
	[tilespmem:$0x80] =	vst v63  }
.LBB2_6:
0x33: {  	_ =	sfence.sel $0x180000  }
0x34: {  	s2 =	simm.s32 $0x2;
	[bflag:$0x0] =	sbarrier.arrive $0xFFFF  }
0x35: {  	s30 =	simm.s32 $0x3;
	[sflag:s2] =	ssyncpa.u1 $0x1  }
0x36: {  	s31 =	simm.s32 $0x1;
	[sflag:s30] =	ssyncpa.u1 $0x1  }
0x37: {  	[sflag:s31] =	ssyncpa.u1 $0x1  }
0x38: {  	p0 =	sne.s32 s0, $0x0;
	_ =	strace $0x90000062  }
0x39: {  	s0 =	sadd.s32 @!p0 $0x100000, s1;
	[bflag:$0x2] =	sbarrier.arrive $0xFFFF  }
0x3a: {  	[sflag:s0] =	ssyncadd.tile.s32 @!p0 $0x1;
	_ =	shalt  }
.Lfunc_end2:
_tile_overlayer_lowered:
.L_overlay_start_2:
0x3b: {  	(tag) =	ssettag $0x2  }
0x3c: {  	s0 =	rddreg [dreg:$0x0];
	s2 =	stileid.u32  }
0x3d: {  	s1 =	rddreg [dreg:$0x1];
	p0 =	sne.s32 s2, $0x0  }
0x3e: {  	s3 =	rddreg [dreg:$0x2];
	[bflag:$0x3] =	sbarrier.arrive $0xFFFF;
	s2 =	simm.s32 @!p0 $0x1C01  }
0x3f: {  	[timem:s3], [sflag:s2] =	dma.local @!p0 [hbm:s0], s1  }
0x40: {  	s0 =	simm.s32 @!p0 $0x1  }
0x41: {  	_ =	swait.ge @!p0 [sflag:s0], s1  }
0x42: {  	s1 =	ssub.s32 @!p0 $0x0, s1;
	[sflag:s0] =	ssyncset.done @!p0 $0x0  }
0x43: {  	[sflag:s0] =	ssyncadd.s32 @!p0 s1  }
0x44: {  	[bflag:$0x3] =	sbarrier.arrive $0xFFFF  }
0x45: {  	_ =	shalt  }

// kernel: gather_offload_async_start
scs
__scs_entry_jumppad:
0x0: {  	(pc) =	sbr.rel $0x88, $3  }
0x1: {  	(tag) =	ssettag $0x0;
	lr =	simm.s32 $0x1  }
0x2: {  	[smem:$0x3F9E] =	sst lr;
	_ =	strace $0xD0000000  }
0x3: {  	_ = 	snop  }
0x4: {  	_ = 	snop  }
0x5: {  	_ = 	snop  }
0x6: {  	_ = 	snop  }
0x7: {  	_ = 	snop  }
__scs_overlays_trampoline_lowered:
0x8: {  	[smem:$0x3FAD] =	sst s0  }
0x9: {  	[smem:$0x3FAE] =	sst s1  }
0xa: {  	[smem:$0x3FAF] =	sst s2  }
0xb: {  	[smem:$0x3FB0] =	sst s3  }
0xc: {  	[smem:$0x3FB1] =	sst s4  }
0xd: {  	[smem:$0x3FB2] =	sst s5  }
0xe: {  	[smem:$0x3FB3] =	sst s6  }
0xf: {  	[smem:$0x3FB4] =	sst s7  }
0x10: {  	[smem:$0x3FB5] =	sst s8  }
0x11: {  	[smem:$0x3FB6] =	sst s9;
	s0 =	simm.s32 @!p0 $0x0  }
0x12: {  	s1 =	sld [smem:$0x3F9C];
	s0 =	simm.s32 @p0 $0x1  }
0x13: {  	[smem:$0x3FB7] =	sst s0;
	s0 =	simm.s32 @!p1 $0x0  }
0x14: {  	s2 =	sld [smem:$0x3F9B];
	s0 =	simm.s32 @p1 $0x1  }
0x15: {  	[smem:$0x3FB8] =	sst s0;
	s0 =	simm.s32 @!p2 $0x0  }
0x16: {  	s3 =	sld [smem:$0x3FDB];
	s0 =	simm.s32 @p2 $0x1  }
0x17: {  	s4 =	simm.s32 $0x1BF5;
	[smem:$0x3FBA] =	sst s0  }
0x18: {  	s0 =	sld [smem:$0x3F9D];
	_ =	swait.ge [sflag:s4], $0x0  }
0x19: {  	s7 =	sld [smem:$0x3F9E]  }
0x1a: {  	s8 =	sadd.s32 $0xFFFFE003, lr  }
0x1b: {  	s9 =	sadd.s32 $0xFFFFFEF7, lr;
	s5 =	simm.s32 $0xFFFFFFFF;
	p2 =	slt.u32 s8, $0xFFFFF086  }
0x1c: {  	p1 =	slt.u32 s9, $0xF7A;
	s5 =	simm.s32 @!p2 $0x0  }
0x1d: {  	s5 =	simm.s32 @p1 $0x1;
	p0 =	seq.s32 s7, s2  }
0x1e: {  	s7 =	smul.u32 @!p0 $0xF7A, s2;
	p2 =	seq.s32 @!p0 s5, $0x0  }
0x1f: {  	s9 =	smul.u32 $0xF7A, s1;
	s8 =	simm.s32 @!p0 $0x1BF5;
	p2 =	por !p2, p0  }
0x20: {  	[sflag:s8] =	ssyncset.s32 @!p0 $0xFFFFF086;
	s6 =	sadd.s32 @!p0 s3, s7;
	s7 =	simm.s32 @!p0 $0x108  }
0x21: {  	s3 =	sadd.s32 s3, s9;
	s6 =	sadd.s32 @!p0 $0x88, s6;
	s7 =	simm.s32 @p2 $0x1082  }
0x22: {  	[simem:s7], [sflag:s8] =	dma.local @!p0 [hbm:s6], $0xF7A  }
0x23: {  	s9 =	sor.u32 $0xD0000000, s2;
	s6 =	simm.s32 $0x108;
	_ =	swait.ge @!p0 [sflag:s8], $0x0  }
0x24: {  	s3 =	sadd.s32 $0x88, s3;
	s6 =	simm.s32 @!p1 $0x1082;
	[sflag:s4] =	ssyncset.s32 $0xFFFFF086  }
0x25: {  	[simem:s6], [sflag:s4] =	dma.local [hbm:s3], $0xF7A  }
0x26: {  	[smem:$0x3F9E] =	sst s1;
	(tag) =	ssettag s2;
	_ =	strace s9  }
0x27: {  	s1 =	sld [smem:$0x3FAE]  }
0x28: {  	s2 =	sld [smem:$0x3FAF]  }
0x29: {  	s4 =	sld [smem:$0x3FB1]  }
0x2a: {  	p0 =	seq.s32 s5, $0x0;
	s5 =	sld [smem:$0x3FB2]  }
0x2b: {  	s6 =	sld [smem:$0x3FB3]  }
0x2c: {  	s7 =	sld [smem:$0x3FB4]  }
0x2d: {  	s3 =	simm.s32 $0x108;
	s8 =	sld [smem:$0x3FB5]  }
0x2e: {  	s3 =	simm.s32 @!p0 $0x1082;
	s9 =	sld [smem:$0x3FB6]  }
0x2f: {  	lr =	sadd.s32 s0, s3;
	s0 =	sld [smem:$0x3FAD]  }
0x30: {  	s3 =	sld [smem:$0x3FB0]  }
0x31: {  	[smem:$0x3FB9] =	sst s10  }
0x32: {  	s10 =	sld [smem:$0x3FB7];
	_ =	sdelay $0x3  }
0x33: {  	p0 =	seq.s32 s10, $0x1;
	s10 =	sld [smem:$0x3FB9];
	_ =	sdelay $0x3  }
0x34: {  	[smem:$0x3FB9] =	sst s10  }
0x35: {  	s10 =	sld [smem:$0x3FB8];
	_ =	sdelay $0x3  }
0x36: {  	p1 =	seq.s32 s10, $0x1;
	s10 =	sld [smem:$0x3FB9];
	_ =	sdelay $0x3  }
0x37: {  	[smem:$0x3FB9] =	sst s10  }
0x38: {  	s10 =	sld [smem:$0x3FBA]  }
0x39: {  	_ = 	snop;
	(pc) =	sbr.ind lr, $3  }
0x3a: {  	_ = 	snop  }
0x3b: {  	_ = 	snop  }
0x3c: {  	p2 =	seq.s32 s10, $0x1;
	s10 =	sld [smem:$0x3FB9]  }
0x3d: {  	_ =	shalt  }
0x3e: {  	_ =	shalt  }
0x3f: {  	_ =	shalt  }
0x40: {  	_ =	shalt  }
0x41: {  	_ =	shalt  }
0x42: {  	_ =	shalt  }
0x43: {  	_ =	shalt  }
0x44: {  	_ =	shalt  }
0x45: {  	_ =	shalt  }
0x46: {  	_ =	shalt  }
0x47: {  	_ =	shalt  }
0x48: {  	_ =	shalt  }
0x49: {  	_ =	shalt  }
0x4a: {  	_ =	shalt  }
0x4b: {  	_ =	shalt  }
0x4c: {  	_ =	shalt  }
0x4d: {  	_ =	shalt  }
0x4e: {  	_ =	shalt  }
0x4f: {  	_ =	shalt  }
0x50: {  	_ =	shalt  }
0x51: {  	_ =	shalt  }
0x52: {  	_ =	shalt  }
0x53: {  	_ =	shalt  }
0x54: {  	_ =	shalt  }
0x55: {  	_ =	shalt  }
0x56: {  	_ =	shalt  }
0x57: {  	_ =	shalt  }
0x58: {  	_ =	shalt  }
0x59: {  	_ =	shalt  }
0x5a: {  	_ =	shalt  }
0x5b: {  	_ =	shalt  }
0x5c: {  	_ =	shalt  }
0x5d: {  	_ =	shalt  }
0x5e: {  	_ =	shalt  }
0x5f: {  	_ =	shalt  }
0x60: {  	_ =	shalt  }
0x61: {  	_ =	shalt  }
0x62: {  	_ =	shalt  }
0x63: {  	_ =	shalt  }
0x64: {  	_ =	shalt  }
0x65: {  	_ =	shalt  }
0x66: {  	_ =	shalt  }
0x67: {  	_ =	shalt  }
0x68: {  	_ =	shalt  }
0x69: {  	_ =	shalt  }
0x6a: {  	_ =	shalt  }
0x6b: {  	_ =	shalt  }
0x6c: {  	_ =	shalt  }
0x6d: {  	_ =	shalt  }
0x6e: {  	_ =	shalt  }
0x6f: {  	_ =	shalt  }
0x70: {  	_ =	shalt  }
0x71: {  	_ =	shalt  }
0x72: {  	_ =	shalt  }
0x73: {  	_ =	shalt  }
0x74: {  	_ =	shalt  }
0x75: {  	_ =	shalt  }
0x76: {  	_ =	shalt  }
0x77: {  	_ =	shalt  }
0x78: {  	_ =	shalt  }
0x79: {  	_ =	shalt  }
0x7a: {  	_ =	shalt  }
0x7b: {  	_ =	shalt  }
0x7c: {  	_ =	shalt  }
0x7d: {  	_ =	shalt  }
0x7e: {  	_ =	shalt  }
0x7f: {  	_ =	shalt  }
0x80: {  	_ =	shalt  }
0x81: {  	_ =	shalt  }
0x82: {  	_ =	shalt  }
0x83: {  	_ =	shalt  }
0x84: {  	_ =	shalt  }
0x85: {  	_ =	shalt  }
0x86: {  	_ =	shalt  }
0x87: {  	_ =	shalt  }
.Lfunc_end0:
.L_simem_size_0:
called_computation_lowered:
.L_overlay_start_0:
0x88: {  	s2 =	sld [smem:$0x3FD9]  }
0x89: {  	s3 =	sld [smem:$0x3FFE];
	_ =	sdelay $0x1  }
0x8a: {  	s1 =	srdreg.scid  }
0x8b: {  	s0 =	sand.u32 $0x1, s1  }
0x8c: {  	s16 =	sshll.u32 s0, $0xA;
	s2 =	sadd.s32 s3, s2  }
0x8d: {  	s2 =	sadd.s32 s2, s16  }
0x8e: {  	[smem:$0x3FC5] =	sst s2  }
0x8f: {  	_ = 	snop  }
0x90: {  	(tm) =	ssettm $0x1  }
0x91: {  	s17 =	sld [smem:$0x3FFB];
	_ =	sdelay $0x3  }
0x92: {  	_ =	strace s17  }
0x93: {  	s2 =	sld [smem:$0x3FFC];
	_ =	sdelay $0x3  }
0x94: {  	_ =	strace s2  }
0x95: {  	s2 =	sld [smem:$0x3FFD];
	_ =	sdelay $0x3  }
0x96: {  	_ =	strace s2  }
0x97: {  	_ =	strace $0x8FFFFFFF  }
0x98: {  	s18 =	sld [smem:$0x3FDB];
	_ =	sdelay $0x1  }
0x99: {  	s19 =	simm.s32 $_scs_section_size  }
0x9a: {  	s4 =	simm.s32 $_size__tile_overlayer_lowered;
	s5 =	simm.s32 $_tile_overlayer_lowered  }
0x9b: {  	s22 =	simm.s32 $0x1BFF;
	s21 =	sshll.u32 s5, $0x1;
	s2 =	sadd.s32 s19, s18  }
0x9c: {  	s6 =	simm.s32 $0x0;
	s20 =	sshll.u32 s4, $0x1;
	s4 =	sadd.s32 s21, s2  }
0x9d: {  	[timem:s6], [sflag:s22] =	dma.local [hbm:s4], s20  }
0x9e: {  	_ =	swait.ge [sflag:s22], s20  }
0x9f: {  	s3 =	ssub.s32 $0x0, s20;
	[sflag:s22] =	ssyncset.done $0x0  }
0xa0: {  	[sflag:s22] =	ssyncadd.s32 s3;
	_ =	sdelay $0x1  }
0xa1: {  	s23 =	simm.s32 $0x1B8B  }
0xa2: {  	_ =	swait.ge [sflag:s23], $0x1  }
0xa3: {  	[sflag:s23] =	ssyncset.done $0x0  }
0xa4: {  	s25 =	simm.s32 $0x1B8E;
	s24 =	sld [smem:$0x3FFE];
	[sflag:s23] =	ssyncadd.s32 $0xFFFFFFFF  }
0xa5: {  	s26 =	simm.s32 $execute0_lowered;
	[smem:$0x3FD2] =	sst s25  }
0xa6: {  	s4 =	sshll.u32 s26, $0x1;
	_ =	strace $0x80000046;
	[dreg:$0x1] =	wrdreg $0xFFFFFFFF  }
0xa7: {  	s28 =	simm.s32 $_size_execute0_lowered;
	s2 =	sadd.s32 s2, s4;
	[dreg:$0x0] =	wrdreg $0x0  }
0xa8: {  	s4 =	sshll.u32 s28, $0x1;
	[dreg:$0x2] =	wrdreg s2  }
0xa9: {  	[dreg:$0x3] =	wrdreg s4  }
0xaa: {  	[dreg:$0x4] =	wrdreg $0xC0  }
0xab: {  	_ =	task [dreg:s6], $0x5FFFF  }
0xac: {  	[dreg:$0x1] =	wrdreg $0xFFFFFFFF  }
0xad: {  	[dreg:$0x0] =	wrdreg $0x60  }
0xae: {  	[dreg:$0x2] =	wrdreg s24  }
0xaf: {  	[dreg:$0x3] =	wrdreg $0x9  }
0xb0: {  	_ =	task.clear_ibuf [dreg:s6], $0x4FFFF;
	_ =	strace $0x90000046  }
0xb1: {  	s29 =	simm.s32 $0x9;
	_ =	strace $0x80000048  }
0xb2: {  	_ =	swait.ge [sflag:s29], $0x1  }
0xb3: {  	[sflag:s29] =	ssyncadd.s32 $0xFFFFFFFF  }
0xb4: {  	_ =	strace $0x90000048  }
0xb5: {  	_ =	sfence  }
0xb6: {  	s30 =	sld [smem:$0x0];
	_ =	sdelay $0x2  }
0xb7: {  	s31 =	sshll.u32 s1, $0xD;
	s1 =	sshrl.u32 s1, $0x2  }
0xb8: {  	s3 =	sand.u32 $0x4000, s31;
	s1 =	sadd.s32 s1, s30  }
0xb9: {  	s0 =	sor.u32 s3, s0;
	s1 =	sshll.u32 s1, $0x11  }
0xba: {  	s0 =	sor.u32 s1, s0  }
0xbb: {  	s0 =	sadd.s32 $0x8F2B, s0  }
0xbc: {  	[sflag:s0] =	ssyncadd.remote.s32 $0x1  }
0xbd: {  	_ =	sfence.sel $0xFFFF  }
0xbe: {  	[dreg:$0x0] =	wrdreg $0xFFFFFFFF;
	(pc) =	sbr.abs _section_cstart, $3  }
0xbf: {  	[dreg:$0x1] =	wrdreg $0xFFFFFFFF  }
0xc0: {  	_ =	task.clear_ibuf [dreg:s6], $0x2FFFF;
	_ =	strace $0x9FFFFFFF  }
0xc1: {  	(tm) =	ssettm $0x7FFFFFFF  }
tec
execute0_lowered:
.L_overlay_start_1:
0x0: {  	(tag) =	ssettag $0x1  }
0x1: {  	s0 =	srdreg.scid  }
0x2: {  	s1 =	sshll.u32 s0, $0x4  }
0x3: {  	s0 =	stileid.u32;
	s1 =	sand.u32 $0x10, s1  }
0x4: {  	s1 =	sor.u32 s0, s1  }
0x5: {  	s2 =	smul.u32 $0x6, s1  }
0x6: {  	s3 =	smin.u32 s1, $0x12  }
0x7: {  	s2 =	sadd.s32 s3, s2  }
0x8: {  	p0 =	slt.u32 s1, $0x12;
	s1 =	simm.s32 $0xD20;
	s2 =	smul.u32 $0x1E0, s2  }
0x9: {  	s1 =	simm.s32 @!p0 $0xB40  }
0xa: {  	s1 =	sadd.s32 s1, s2  }
0xb: {  	s3 =	smin.u32 s1, $0x189C0  }
0xc: {  	s7 =	ssub.s32 s3, s2  }
0xd: {  	p0 =	sgt.s32 s7, $0x0  }
0xe: {  	s7 =	simm.s32 @!p0 $0x0  }
0xf: {  	s31 =	smulhi.u32 $0x88888889, s7  }
0x10: {  	s9 =	rddreg [dreg:$0x0];
	s6 =	simm.s32 $0x1;
	s11 =	simm.s32 $0x3  }
0x11: {  	s13 =	simm.s32 $0x0;
	s12 =	simm.s32 $0x0;
	s8 =	sshrl.u32 s31, $0x8  }
0x12: {  	s4 =	sadd.s32 $0xF3200, s9;
	s5 =	sadd.s32 $0xF0000, s9;
	s10 =	smul.u32 $0x1E0, s8  }
.Ltmp0:
0x13: {  	s9 =	sadd.s32 $0x373200, s9;
	s1 =	rddreg [dreg:$0x1];
	(pc) =	sbr.rel .LBB2_1-.Ltmp0, $4  }
0x14: {  	_ =	strace $0x80000047;
	p0 =	sne.s32 s7, s10;
	s10 =	simm.s32 $0x1  }
0x15: {  	[sflag:s6] =	ssyncpa.u1 $0x0;
	s7 =	simm.s32 $0x2;
	s10 =	simm.s32 @!p0 $0x0  }
0x16: {  	[sflag:s7] =	ssyncpa.u1 $0x0;
	p0 =	por $0x0, $0x0;
	s8 =	sadd.s32 s10, s8  }
0x17: {  	vm0 =	vmmov $0xff;
	vm1 =	vcmask $0x3F20;
	[sflag:s11] =	ssyncpa.u1 $0x0;
	s11 =	smov.u32 s2;
	s10 =	sadd.s32 $0x1, s8  }
.LBB2_6:
0x18: {  	[hbm:s17] =	stream.linear.scatter [tilespmem:s14], [sflag:$0x3], $0x400, $0x38;
	[tilespmem:$0x1E3C0] =	vst v63  }
.LBB2_7:
0x19: {  	s13 =	sadd.s32 $0x1E0, s11  }
0x1a: {  	s15 =	smov.u32 s2;
	p2 =	slt.s32 s13, s3  }
0x1b: {  	s15 =	smov.u32 @p2 s13;
	p2 =	sne.s32 s12, s10  }
.Ltmp1:
0x1c: {  	p1 =	slt.u32 s12, $0x2;
	(pc) =	sbr.rel @!p2 .LBB2_8-.Ltmp1, $4  }
0x1d: {  	s14 =	simm.s32 @!p1 $0x3  }
0x1e: {  	s16 =	sadd.s32 $0x1, s12;
	_ =	swait.ge @!p1 [sflag:s14], $0xF000  }
0x1f: {  	p0 =	por !p0, !p0;
	s13 =	smov.u32 s11;
	[sflag:s14] =	ssyncset.done @!p1 $0x0  }
0x20: {  	s12 =	smov.u32 s16;
	s11 =	smov.u32 s15;
	[sflag:s14] =	ssyncadd.s32 @!p1 $0xFFFF1000  }
.LBB2_1:
0x21: {  	p1 =	sge.u32 s12, s8  }
0x22: {  	s14 =	sxor.u32 @!p1 $0xFFFFFFFF, s12  }
0x23: {  	s14 =	sand.u32 @!p1 $0x1, s14  }
0x24: {  	s14 =	smul.u32 @!p1 $0x780, s14  }
0x25: {  	s31 =	sadd.s32 $0xFFFFFFFF, s12;
	s15 =	sshrl.u32 @!p1 s11, $0x3  }
0x26: {  	s16 =	sand.u32 @!p1 $0x7, s11;
	s15 =	sadd.s32 @!p1 s5, s15;
	s14 =	sshrl.u32 @!p1 s14, $0x2  }
0x27: {  	[tilespmem:s14], [sflag:$0x2] =	stream.linear.gather @!p1 [hbm4b:s15+s16], $0x1E0, $0x38;
	[tilespmem:$0x1E3C0] =	vst v63  }
0x28: {  	p1 =	sge.u32 s31, s8  }
.Ltmp2:
0x29: {  	_ = 	snop;
	(pc) =	sbr.rel @p1 .LBB2_7-.Ltmp2, $1  }
0x2a: {  	_ =	sdelay $0x3  }
0x2b: {  	s14 =	simm.s32 $0x1  }
0x2c: {  	s14 =	simm.s32 @!p0 $0x0  }
0x2d: {  	s15 =	smul.u32 $0x780, s14  }
0x2e: {  	_ =	swait.ge [sflag:s7], $0x1E0  }
0x2f: {  	[sflag:s7] =	ssyncset.done $0x0;
	s16 =	sshrl.u32 s15, $0x2  }
0x30: {  	[sflag:s7] =	ssyncadd.s32 $0xFFFFFE20;
	s15 =	sadd.s32 $0x0, s16  }
0x31: {  	v0 =	vld.msk [tilespmem:s15+$0x0 ss:$0x1], $0xffff;
	_ =	sdelay $0x4  }
0x32: {  	v1 =	vand.u32 $0x7, v0;
	v2 =	vshll.u32 v0, $0x4  }
0x33: {  	vm2 =	veq.s32 v0, $0x80000000;
	v0 =	vmul.u32 $0x280000, v1;
	v1 =	vand.u32 $0x3FFF80, v2  }
0x34: {  	v1 =	vsel vm2, $0xFFFFFF80, v1  }
0x35: {  	v0 =	vsel vm2, $0xFFD80000, v0;
	v2 =	vand.u32 $0xFFFFFC00, v1  }
0x36: {  	v1 =	vand.u32 $0x380, v1;
	v0 =	vadd.s32 v0, v2  }
0x37: {  	v0 =	vor.u32 v1, v0  }
0x38: {  	v0 =	vshrl.u32 v0, $0x3  }
0x39: {  	s14 =	smul.u32 $0x3C000, s14;
	_ =	sdelay $0x1  }
0x3a: {  	s14 =	sshrl.u32 s14, $0x2  }
0x3b: {  	s14 =	sor.u32 $0x3C0, s14  }
0x3c: {  	[tilespmem:s14], [sflag:$0x1] =	stream.indirect_vreg.gather [hbm:s4], $0x80, v0, vm0, $0x38;
	[tilespmem:$0x1E3C0] =	vst v63  }
0x3d: {  	s17 =	sadd.s32 $0x10, s16;
	s15 =	sadd.s32 $0x400, s14  }
0x3e: {  	[tilespmem:s15], [sflag:$0x1] =	stream.indirect_vreg.gather [hbm:s4], $0x80, v0, vm1, $0x38;
	[tilespmem:$0x1E3C0] =	vst v63  }
0x3f: {  	s18 =	simm.s32 $0x80;
	v0 =	vld.msk [tilespmem:s17+$0x0 ss:$0x1], $0xffff;
	s17 =	smov.u32 s14  }
.LBB2_3:
0x40: {  	p1 =	sne.s32 s18, $0x740;
	_ =	sdelay $0x4  }
0x41: {  	v1 =	vand.u32 $0x7, v0;
	v2 =	vshll.u32 v0, $0x4  }
0x42: {  	vm2 =	veq.s32 v0, $0x80000000;
	v0 =	vmul.u32 $0x280000, v1;
	v1 =	vand.u32 $0x3FFF80, v2  }
0x43: {  	v1 =	vsel vm2, $0xFFFFFF80, v1  }
0x44: {  	v0 =	vsel vm2, $0xFFD80000, v0;
	v2 =	vand.u32 $0xFFFFFC00, v1  }
0x45: {  	v1 =	vand.u32 $0x380, v1;
	v0 =	vadd.s32 v0, v2  }
0x46: {  	v0 =	vor.u32 v1, v0  }
0x47: {  	v0 =	vshrl.u32 v0, $0x3;
	_ =	sdelay $0x3  }
.Ltmp3:
0x48: {  	s19 =	sshra.s32 s18, $0x2;
	s17 =	sadd.s32 $0x800, s17;
	(pc) =	sbr.rel @p1 .LBB2_3-.Ltmp3, $4  }
0x49: {  	[tilespmem:s17], [sflag:$0x1] =	stream.indirect_vreg.gather [hbm:s4], $0x80, v0, vm0, $0x38;
	[tilespmem:$0x1E3C0] =	vst v63  }
0x4a: {  	s19 =	sadd.s32 s19, s16;
	s20 =	sadd.s32 $0x400, s17  }
0x4b: {  	[tilespmem:s20], [sflag:$0x1] =	stream.indirect_vreg.gather [hbm:s4], $0x80, v0, vm1, $0x38;
	[tilespmem:$0x1E3C0] =	vst v63  }
0x4c: {  	s18 =	sadd.s32 $0x40, s18;
	v0 =	vld.msk [tilespmem:s19+$0x0 ss:$0x1], $0xffff  }
0x4d: {  	_ =	sdelay $0x3  }
0x4e: {  	v1 =	vand.u32 $0x7, v0;
	v2 =	vshll.u32 v0, $0x4  }
0x4f: {  	vm2 =	veq.s32 v0, $0x80000000;
	v61 =	vmul.u32 $0x280000, v1;
	v62 =	vand.u32 $0x3FFF80, v2  }
0x50: {  	v1 =	vsel vm2, $0xFFFFFF80, v62  }
0x51: {  	v0 =	vsel vm2, $0xFFD80000, v61;
	v63 =	vand.u32 $0xFFFFFC00, v1  }
0x52: {  	v1 =	vand.u32 $0x380, v1;
	v0 =	vadd.s32 v0, v63  }
0x53: {  	v0 =	vor.u32 v1, v0  }
0x54: {  	v0 =	vshrl.u32 v0, $0x3;
	_ =	sdelay $0x3  }
0x55: {  	s16 =	sadd.s32 $0x800, s17  }
0x56: {  	[tilespmem:s16], [sflag:$0x1] =	stream.indirect_vreg.gather [hbm:s4], $0x80, v0, vm0, $0x38;
	[tilespmem:$0x1E3C0] =	vst v63  }
0x57: {  	s16 =	sadd.s32 $0x400, s16  }
0x58: {  	[tilespmem:s16], [sflag:$0x1] =	stream.indirect_vreg.gather [hbm:s4], $0x80, v0, vm1, $0x38;
	[tilespmem:$0x1E3C0] =	vst v63  }
0x59: {  	s13 =	sshll.u32 s13, $0x4;
	_ =	swait.ge [sflag:s6], $0xF000  }
0x5a: {  	s13 =	sadd.s32 s13, s9;
	[sflag:s6] =	ssyncset.done $0x0  }
0x5b: {  	s17 =	sadd.s32 $0x0, s13;
	s16 =	simm.s32 $0x80;
	[sflag:s6] =	ssyncadd.s32 $0xFFFF1000  }
.LBB2_5:
0x5c: {  	[hbm:s17] =	stream.linear.scatter [tilespmem:s14], [sflag:$0x3], $0x400, $0x38;
	[tilespmem:$0x1E3C0] =	vst v63  }
0x5d: {  	s17 =	smov.u32 s16;
	s14 =	smov.u32 s15;
	p1 =	sne.s32 s16, $0x1D80  }
.Ltmp4:
0x5e: {  	s16 =	sadd.s32 $0x80, s16;
	(pc) =	sbr.rel @p1 .LBB2_5-.Ltmp4, $2  }
0x5f: {  	_ =	sdelay $0x2  }
0x60: {  	s15 =	sadd.s32 $0x400, s15;
	s17 =	sadd.s32 s17, s13  }
.Ltmp5:
0x61: {  	_ = 	snop;
	(pc) =	sbr.rel .LBB2_6-.Ltmp5, $1  }
0x62: {  	_ =	sdelay $0x3  }
.LBB2_8:
0x63: {  	_ =	sfence.sel $0x180000  }
0x64: {  	s2 =	simm.s32 $0x2;
	[bflag:$0x0] =	sbarrier.arrive $0xFFFF  }
0x65: {  	s30 =	simm.s32 $0x3;
	[sflag:s2] =	ssyncpa.u1 $0x1  }
0x66: {  	s31 =	simm.s32 $0x1;
	[sflag:s30] =	ssyncpa.u1 $0x1  }
0x67: {  	[sflag:s31] =	ssyncpa.u1 $0x1  }
0x68: {  	p0 =	sne.s32 s0, $0x0;
	_ =	strace $0x90000047  }
0x69: {  	s0 =	sadd.s32 @!p0 $0x100000, s1;
	[bflag:$0x2] =	sbarrier.arrive $0xFFFF  }
0x6a: {  	[sflag:s0] =	ssyncadd.tile.s32 @!p0 $0x1;
	_ =	shalt  }
.Lfunc_end2:
_tile_overlayer_lowered:
.L_overlay_start_2:
0x6b: {  	(tag) =	ssettag $0x2  }
0x6c: {  	s0 =	rddreg [dreg:$0x0];
	s2 =	stileid.u32  }
0x6d: {  	s1 =	rddreg [dreg:$0x1];
	p0 =	sne.s32 s2, $0x0  }
0x6e: {  	s3 =	rddreg [dreg:$0x2];
	[bflag:$0x3] =	sbarrier.arrive $0xFFFF;
	s2 =	simm.s32 @!p0 $0x1C01  }
0x6f: {  	[timem:s3], [sflag:s2] =	dma.local @!p0 [hbm:s0], s1  }
0x70: {  	s0 =	simm.s32 @!p0 $0x1  }
0x71: {  	_ =	swait.ge @!p0 [sflag:s0], s1  }
0x72: {  	s1 =	ssub.s32 @!p0 $0x0, s1;
	[sflag:s0] =	ssyncset.done @!p0 $0x0  }
0x73: {  	[sflag:s0] =	ssyncadd.s32 @!p0 s1  }
0x74: {  	[bflag:$0x3] =	sbarrier.arrive $0xFFFF  }
0x75: {  	_ =	shalt  }

</sc_bundles>
